<compile_context>
chip_gen: v7x
topology: tpu7x:2x2x1
jax: 0.10.2.dev20260603
libtpu: 0.0.44.dev20260713+nightly
codegen_flags: <defaults>
</compile_context>

<pallas_src>
import functools

import jax
import jax.numpy as jnp
from jax import lax
from jax.experimental import pallas as pl
from jax.experimental.pallas import tpu as pltpu
from jax.experimental.pallas import tpu_sc as plsc

_NW = 32
_RING = 5


def kernel(x, weight):
    b, h = x.shape
    n = b * h
    d = weight.shape[1]
    b_per_w = n // _NW
    rows_per_w = b // _NW

    mesh = plsc.VectorSubcoreMesh(core_axis_name="c", subcore_axis_name="s")

    @functools.partial(
        pl.kernel,
        out_type=jax.ShapeDtypeStruct((h, d // 8, b // 128, 8, 128), weight.dtype),
        mesh=mesh,
        compiler_params=pltpu.CompilerParams(
            use_tc_tiling_on_sc=False, needs_layout_passes=False
        ),
        scratch_types=[
            pltpu.VMEM((b_per_w,), jnp.int32),
            pltpu.VMEM((h * rows_per_w,), jnp.int32),
            pltpu.VMEM((_RING, rows_per_w, d), jnp.float32),
            pltpu.VMEM((_RING, d // 8, 8, 128), jnp.float32),
            pltpu.SemaphoreType.DMA,
        ]
        + [pltpu.SemaphoreType.DMA for _ in range(2 * _RING)],
    )
    def k(w_hbm, i_hbm, o_hbm, idx_v, idxt_v, rows_v, tiles_v, isem, *sems):
        gsem = sems[:_RING]
        osem = sems[_RING:]
        wid = lax.axis_index("s") * 2 + lax.axis_index("c")
        base = wid * b_per_w
        pltpu.sync_copy(i_hbm.at[pl.ds(base, b_per_w)], idx_v)

        lanes = jax.lax.iota(jnp.int32, 16)

        @pl.loop(0, h)
        def _(t):
            for jj in range(rows_per_w // 16):
                vals = plsc.load_gather(idx_v, [(jj * 16 + lanes) * h + t])
                idxt_v[pl.ds(pl.multiple_of(t * rows_per_w, 128) + jj * 16, 16)] = vals

        def fire_gather(t, j):
            pltpu.async_copy(
                w_hbm.at[idxt_v.at[pl.ds(pl.multiple_of(t * rows_per_w, 128), rows_per_w)]],
                rows_v.at[j],
                gsem[j],
            )

        def wait_gather(j):
            pltpu.make_async_copy(
                w_hbm.at[pl.ds(0, rows_per_w)], rows_v.at[j], gsem[j]
            ).wait()

        def fire_out(t, j):
            pltpu.async_copy(tiles_v.at[j], o_hbm.at[t].at[:, wid], osem[j])

        def wait_out(j):
            pltpu.make_async_copy(
                tiles_v.at[j], o_hbm.at[0].at[:, wid], osem[j]
            ).wait()

        def transpose_block(j):
            buf = rows_v.at[j]
            tile = tiles_v.at[j]

            @plsc.parallel_loop(0, rows_per_w)
            def _(bb):
                bvec = lanes * 0 + bb
                for g in range(d // 16):
                    dds = g * 16 + lanes
                    vals = buf[bb, pl.ds(g * 16, 16)]
                    plsc.store_scatter(tile, [dds // 8, dds % 8, bvec], vals)

        rounds = h // _RING
        for j in range(_RING):
            fire_gather(j, j)

        @pl.loop(0, rounds)
        def _(r):
            for j in range(_RING):
                t = r * _RING + j
                wait_gather(j)

                @pl.when(r > 0)
                def _():
                    wait_out(j)

                transpose_block(j)
                fire_out(t, j)

                @pl.when(r < rounds - 1)
                def _():
                    fire_gather(t + _RING, j)

        for j in range(_RING):
            wait_out(j)

    out5d = k(weight, x.reshape(n).astype(jnp.int32))
    return jnp.transpose(out5d, (2, 4, 0, 1, 3)).reshape(b, h, d)

# --- scband reference (transcript-rebuilt; emitter-appended) ---
"""Pipeline reference for scband-ttembedding-65833258713654 (READ-ONLY COPY).

The authoritative reference and input builder live on the scoring server;
editing this copy changes nothing except your own understanding.
"""

import jax, jax.numpy as jnp
import numpy as np

NUM_EMBEDDINGS = 100000
EMBEDDING_DIM = 64
BATCH = 4096
HIST_LEN = 50

def setup_inputs(seed: int = 0) -> dict:
    key = jax.random.key(seed)
    k_idx, k_w = jax.random.split(key)
    x = jax.random.randint(k_idx, (BATCH, HIST_LEN), 0, NUM_EMBEDDINGS, dtype=jnp.int64 if jax.config.jax_enable_x64 else jnp.int32)
    weight = jax.random.normal(k_w, (NUM_EMBEDDINGS, EMBEDDING_DIM), dtype=jnp.float32)
    return {"x": x, "weight": weight}

def reference(x, weight):
    # Faithful translation of: return self.weight[x]
    return jnp.take(weight, x, axis=0)

if __name__ == "__main__":
    import jax
    _d = setup_inputs()
    print(jax.jit(kernel)(*tuple(_d.values())))

</pallas_src>

<mosaic_0001>
#map = affine_map<(d0, d1) -> (0, 0)>
#map1 = affine_map<(d0, d1) -> (0)>
#map2 = affine_map<(d0, d1) -> (0, 0, 0, 0, 0)>
module attributes {stable_mosaic.version = 14 : i64} {
  func.func @k(%arg0: i32, %arg1: i32, %arg2: memref<100000x64xf32, #tpu.memory_space<hbm>>, %arg3: memref<204800xi32, #tpu.memory_space<hbm>>, %arg4: memref<50x8x32x8x128xf32, #tpu.memory_space<hbm>>, %arg5: memref<6400xi32, #tpu.memory_space<vmem>>, %arg6: memref<6400xi32, #tpu.memory_space<vmem>>, %arg7: memref<5x128x64xf32, #tpu.memory_space<vmem>>, %arg8: memref<5x8x8x128xf32, #tpu.memory_space<vmem>>, %arg9: memref<!tpu.dma_semaphore, #tpu.memory_space<semaphore_mem>>, %arg10: memref<!tpu.dma_semaphore, #tpu.memory_space<semaphore_mem>>, %arg11: memref<!tpu.dma_semaphore, #tpu.memory_space<semaphore_mem>>, %arg12: memref<!tpu.dma_semaphore, #tpu.memory_space<semaphore_mem>>, %arg13: memref<!tpu.dma_semaphore, #tpu.memory_space<semaphore_mem>>, %arg14: memref<!tpu.dma_semaphore, #tpu.memory_space<semaphore_mem>>, %arg15: memref<!tpu.dma_semaphore, #tpu.memory_space<semaphore_mem>>, %arg16: memref<!tpu.dma_semaphore, #tpu.memory_space<semaphore_mem>>, %arg17: memref<!tpu.dma_semaphore, #tpu.memory_space<semaphore_mem>>, %arg18: memref<!tpu.dma_semaphore, #tpu.memory_space<semaphore_mem>>, %arg19: memref<!tpu.dma_semaphore, #tpu.memory_space<semaphore_mem>>) attributes {dimension_semantics = [#tpu.dimension_semantics<core_parallel>, #tpu.dimension_semantics<subcore_parallel>], iteration_bounds = array<i64: 2, 16>, scalar_prefetch = 0 : i64, scratch_operands = 15 : i64, tpu.core_type = #tpu.core_type<sc_vector_subcore>, window_params = [{transform_indices = #map}, {transform_indices = #map1}, {transform_indices = #map2}]} {
    %mul3A = arith.constant 2 : i32
    %mul3A_0 = arith.muli %arg1, %mul3A : i32
    %add3A = arith.addi %mul3A_0, %arg0 : i32
    %mul3A_1 = arith.constant 6400 : i32
    %mul3A_2 = arith.muli %add3A, %mul3A_1 : i32
    "tpu.region"() ({
      %run_scoped3A = tpu.sem_alloc : memref<!tpu.dma_semaphore, #tpu.memory_space<semaphore_mem>>
      %dma_start3A_234 = tpu.memref_slice %arg3[%mul3A_2] : memref<204800xi32, #tpu.memory_space<hbm>> -> memref<6400xi32, #tpu.memory_space<hbm>>
      %dma_start3A_235 = tpu.memref_slice %arg3[%mul3A_2] : memref<204800xi32, #tpu.memory_space<hbm>> -> memref<6400xi32, #tpu.memory_space<hbm>>
      tpu.enqueue_dma source(%dma_start3A_235 : memref<6400xi32, #tpu.memory_space<hbm>>) target(%arg5 : memref<6400xi32, #tpu.memory_space<vmem>>) target_semaphore(%run_scoped3A : memref<!tpu.dma_semaphore, #tpu.memory_space<semaphore_mem>>)
      %dma_wait3A_236 = tpu.memref_slice %arg3[%mul3A_2] : memref<204800xi32, #tpu.memory_space<hbm>> -> memref<6400xi32, #tpu.memory_space<hbm>>
      %dma_wait3A_237 = tpu.memref_slice %arg3[%mul3A_2] : memref<204800xi32, #tpu.memory_space<hbm>> -> memref<6400xi32, #tpu.memory_space<hbm>>
      tpu.wait_dma2 semaphore(%run_scoped3A : memref<!tpu.dma_semaphore, #tpu.memory_space<semaphore_mem>>) src(%dma_wait3A_237 : memref<6400xi32, #tpu.memory_space<hbm>>) dst(%arg5 : memref<6400xi32, #tpu.memory_space<vmem>>)
      tpu.yield
    }) : () -> ()
    %iota3A = tpu.iota {dimensions = array<i32: 0>} : vector<16xi32>
    %scan3A = arith.constant 0 : i32
    %scan3A_3 = arith.constant 50 : i32
    %scan3A_4 = arith.addi %scan3A, %scan3A_3 : i32
    %scan3A_5 = arith.constant 1 : i32
    scf.for %scan3A_234 = %scan3A to %scan3A_4 step %scan3A_5  : i32 {
      %mul3A_235 = arith.constant 1 : i32
      %mul3A_236 = arith.muli %scan3A_234, %mul3A_235 : i32
      %add3A_237 = arith.constant 0 : i32
      %add3A_238 = arith.addi %add3A_237, %mul3A_236 : i32
      %add3A_239 = arith.constant 0 : i32
      %add3A_240 = vector.broadcast %add3A_239 : i32 to vector<16xi32>
      %add3A_241 = arith.addi %add3A_240, %iota3A : vector<16xi32>
      %mul3A_242 = arith.constant 50 : i32
      %mul3A_243 = vector.broadcast %mul3A_242 : i32 to vector<16xi32>
      %mul3A_244 = arith.muli %add3A_241, %mul3A_243 : vector<16xi32>
      %add3A_245 = vector.broadcast %add3A_238 : i32 to vector<16xi32>
      %add3A_246 = arith.addi %mul3A_244, %add3A_245 : vector<16xi32>
      %gather3A = tpu.vector_load_idx %arg5[%add3A_246] : memref<6400xi32, #tpu.memory_space<vmem>>[vector<16xi32>], vector<16xi32>,
      %mul3A_247 = arith.constant 128 : i32
      %mul3A_248 = arith.muli %add3A_238, %mul3A_247 : i32
      %multiple_of3A_249 = tpu.assume_multiple %mul3A_248, 128 : i32
      %add3A_250 = arith.constant 0 : i32
      %add3A_251 = arith.addi %multiple_of3A_249, %add3A_250 : i32
      %swap3A = arith.index_cast %add3A_251 : i32 to index
      %swap3A_252 = tpu.vector_load %arg6[%swap3A] {strides = array<i32>} : memref<6400xi32, #tpu.memory_space<vmem>>, vector<16xi32>,
      tpu.vector_store %arg6[%swap3A], %gather3A {strides = array<i32>} : memref<6400xi32, #tpu.memory_space<vmem>>, vector<16xi32>,
      %add3A_253 = arith.constant 16 : i32
      %add3A_254 = vector.broadcast %add3A_253 : i32 to vector<16xi32>
      %add3A_255 = arith.addi %add3A_254, %iota3A : vector<16xi32>
      %mul3A_256 = arith.constant 50 : i32
      %mul3A_257 = vector.broadcast %mul3A_256 : i32 to vector<16xi32>
      %mul3A_258 = arith.muli %add3A_255, %mul3A_257 : vector<16xi32>
      %add3A_259 = vector.broadcast %add3A_238 : i32 to vector<16xi32>
      %add3A_260 = arith.addi %mul3A_258, %add3A_259 : vector<16xi32>
      %gather3A_261 = tpu.vector_load_idx %arg5[%add3A_260] : memref<6400xi32, #tpu.memory_space<vmem>>[vector<16xi32>], vector<16xi32>,
      %mul3A_262 = arith.constant 128 : i32
      %mul3A_263 = arith.muli %add3A_238, %mul3A_262 : i32
      %multiple_of3A_264 = tpu.assume_multiple %mul3A_263, 128 : i32
      %add3A_265 = arith.constant 16 : i32
      %add3A_266 = arith.addi %multiple_of3A_264, %add3A_265 : i32
      %swap3A_267 = arith.index_cast %add3A_266 : i32 to index
      %swap3A_268 = tpu.vector_load %arg6[%swap3A_267] {strides = array<i32>} : memref<6400xi32, #tpu.memory_space<vmem>>, vector<16xi32>,
      tpu.vector_store %arg6[%swap3A_267], %gather3A_261 {strides = array<i32>} : memref<6400xi32, #tpu.memory_space<vmem>>, vector<16xi32>,
      %add3A_269 = arith.constant 32 : i32
      %add3A_270 = vector.broadcast %add3A_269 : i32 to vector<16xi32>
      %add3A_271 = arith.addi %add3A_270, %iota3A : vector<16xi32>
      %mul3A_272 = arith.constant 50 : i32
      %mul3A_273 = vector.broadcast %mul3A_272 : i32 to vector<16xi32>
      %mul3A_274 = arith.muli %add3A_271, %mul3A_273 : vector<16xi32>
      %add3A_275 = vector.broadcast %add3A_238 : i32 to vector<16xi32>
      %add3A_276 = arith.addi %mul3A_274, %add3A_275 : vector<16xi32>
      %gather3A_277 = tpu.vector_load_idx %arg5[%add3A_276] : memref<6400xi32, #tpu.memory_space<vmem>>[vector<16xi32>], vector<16xi32>,
      %mul3A_278 = arith.constant 128 : i32
      %mul3A_279 = arith.muli %add3A_238, %mul3A_278 : i32
      %multiple_of3A_280 = tpu.assume_multiple %mul3A_279, 128 : i32
      %add3A_281 = arith.constant 32 : i32
      %add3A_282 = arith.addi %multiple_of3A_280, %add3A_281 : i32
      %swap3A_283 = arith.index_cast %add3A_282 : i32 to index
      %swap3A_284 = tpu.vector_load %arg6[%swap3A_283] {strides = array<i32>} : memref<6400xi32, #tpu.memory_space<vmem>>, vector<16xi32>,
      tpu.vector_store %arg6[%swap3A_283], %gather3A_277 {strides = array<i32>} : memref<6400xi32, #tpu.memory_space<vmem>>, vector<16xi32>,
      %add3A_285 = arith.constant 48 : i32
      %add3A_286 = vector.broadcast %add3A_285 : i32 to vector<16xi32>
      %add3A_287 = arith.addi %add3A_286, %iota3A : vector<16xi32>
      %mul3A_288 = arith.constant 50 : i32
      %mul3A_289 = vector.broadcast %mul3A_288 : i32 to vector<16xi32>
      %mul3A_290 = arith.muli %add3A_287, %mul3A_289 : vector<16xi32>
      %add3A_291 = vector.broadcast %add3A_238 : i32 to vector<16xi32>
      %add3A_292 = arith.addi %mul3A_290, %add3A_291 : vector<16xi32>
      %gather3A_293 = tpu.vector_load_idx %arg5[%add3A_292] : memref<6400xi32, #tpu.memory_space<vmem>>[vector<16xi32>], vector<16xi32>,
      %mul3A_294 = arith.constant 128 : i32
      %mul3A_295 = arith.muli %add3A_238, %mul3A_294 : i32
      %multiple_of3A_296 = tpu.assume_multiple %mul3A_295, 128 : i32
      %add3A_297 = arith.constant 48 : i32
      %add3A_298 = arith.addi %multiple_of3A_296, %add3A_297 : i32
      %swap3A_299 = arith.index_cast %add3A_298 : i32 to index
      %swap3A_300 = tpu.vector_load %arg6[%swap3A_299] {strides = array<i32>} : memref<6400xi32, #tpu.memory_space<vmem>>, vector<16xi32>,
      tpu.vector_store %arg6[%swap3A_299], %gather3A_293 {strides = array<i32>} : memref<6400xi32, #tpu.memory_space<vmem>>, vector<16xi32>,
      %add3A_301 = arith.constant 64 : i32
      %add3A_302 = vector.broadcast %add3A_301 : i32 to vector<16xi32>
      %add3A_303 = arith.addi %add3A_302, %iota3A : vector<16xi32>
      %mul3A_304 = arith.constant 50 : i32
      %mul3A_305 = vector.broadcast %mul3A_304 : i32 to vector<16xi32>
      %mul3A_306 = arith.muli %add3A_303, %mul3A_305 : vector<16xi32>
      %add3A_307 = vector.broadcast %add3A_238 : i32 to vector<16xi32>
      %add3A_308 = arith.addi %mul3A_306, %add3A_307 : vector<16xi32>
      %gather3A_309 = tpu.vector_load_idx %arg5[%add3A_308] : memref<6400xi32, #tpu.memory_space<vmem>>[vector<16xi32>], vector<16xi32>,
      %mul3A_310 = arith.constant 128 : i32
      %mul3A_311 = arith.muli %add3A_238, %mul3A_310 : i32
      %multiple_of3A_312 = tpu.assume_multiple %mul3A_311, 128 : i32
      %add3A_313 = arith.constant 64 : i32
      %add3A_314 = arith.addi %multiple_of3A_312, %add3A_313 : i32
      %swap3A_315 = arith.index_cast %add3A_314 : i32 to index
      %swap3A_316 = tpu.vector_load %arg6[%swap3A_315] {strides = array<i32>} : memref<6400xi32, #tpu.memory_space<vmem>>, vector<16xi32>,
      tpu.vector_store %arg6[%swap3A_315], %gather3A_309 {strides = array<i32>} : memref<6400xi32, #tpu.memory_space<vmem>>, vector<16xi32>,
      %add3A_317 = arith.constant 80 : i32
      %add3A_318 = vector.broadcast %add3A_317 : i32 to vector<16xi32>
      %add3A_319 = arith.addi %add3A_318, %iota3A : vector<16xi32>
      %mul3A_320 = arith.constant 50 : i32
      %mul3A_321 = vector.broadcast %mul3A_320 : i32 to vector<16xi32>
      %mul3A_322 = arith.muli %add3A_319, %mul3A_321 : vector<16xi32>
      %add3A_323 = vector.broadcast %add3A_238 : i32 to vector<16xi32>
      %add3A_324 = arith.addi %mul3A_322, %add3A_323 : vector<16xi32>
      %gather3A_325 = tpu.vector_load_idx %arg5[%add3A_324] : memref<6400xi32, #tpu.memory_space<vmem>>[vector<16xi32>], vector<16xi32>,
      %mul3A_326 = arith.constant 128 : i32
      %mul3A_327 = arith.muli %add3A_238, %mul3A_326 : i32
      %multiple_of3A_328 = tpu.assume_multiple %mul3A_327, 128 : i32
      %add3A_329 = arith.constant 80 : i32
      %add3A_330 = arith.addi %multiple_of3A_328, %add3A_329 : i32
      %swap3A_331 = arith.index_cast %add3A_330 : i32 to index
      %swap3A_332 = tpu.vector_load %arg6[%swap3A_331] {strides = array<i32>} : memref<6400xi32, #tpu.memory_space<vmem>>, vector<16xi32>,
      tpu.vector_store %arg6[%swap3A_331], %gather3A_325 {strides = array<i32>} : memref<6400xi32, #tpu.memory_space<vmem>>, vector<16xi32>,
      %add3A_333 = arith.constant 96 : i32
      %add3A_334 = vector.broadcast %add3A_333 : i32 to vector<16xi32>
      %add3A_335 = arith.addi %add3A_334, %iota3A : vector<16xi32>
      %mul3A_336 = arith.constant 50 : i32
      %mul3A_337 = vector.broadcast %mul3A_336 : i32 to vector<16xi32>
      %mul3A_338 = arith.muli %add3A_335, %mul3A_337 : vector<16xi32>
      %add3A_339 = vector.broadcast %add3A_238 : i32 to vector<16xi32>
      %add3A_340 = arith.addi %mul3A_338, %add3A_339 : vector<16xi32>
      %gather3A_341 = tpu.vector_load_idx %arg5[%add3A_340] : memref<6400xi32, #tpu.memory_space<vmem>>[vector<16xi32>], vector<16xi32>,
      %mul3A_342 = arith.constant 128 : i32
      %mul3A_343 = arith.muli %add3A_238, %mul3A_342 : i32
      %multiple_of3A_344 = tpu.assume_multiple %mul3A_343, 128 : i32
      %add3A_345 = arith.constant 96 : i32
      %add3A_346 = arith.addi %multiple_of3A_344, %add3A_345 : i32
      %swap3A_347 = arith.index_cast %add3A_346 : i32 to index
      %swap3A_348 = tpu.vector_load %arg6[%swap3A_347] {strides = array<i32>} : memref<6400xi32, #tpu.memory_space<vmem>>, vector<16xi32>,
      tpu.vector_store %arg6[%swap3A_347], %gather3A_341 {strides = array<i32>} : memref<6400xi32, #tpu.memory_space<vmem>>, vector<16xi32>,
      %add3A_349 = arith.constant 112 : i32
      %add3A_350 = vector.broadcast %add3A_349 : i32 to vector<16xi32>
      %add3A_351 = arith.addi %add3A_350, %iota3A : vector<16xi32>
      %mul3A_352 = arith.constant 50 : i32
      %mul3A_353 = vector.broadcast %mul3A_352 : i32 to vector<16xi32>
      %mul3A_354 = arith.muli %add3A_351, %mul3A_353 : vector<16xi32>
      %add3A_355 = vector.broadcast %add3A_238 : i32 to vector<16xi32>
      %add3A_356 = arith.addi %mul3A_354, %add3A_355 : vector<16xi32>
      %gather3A_357 = tpu.vector_load_idx %arg5[%add3A_356] : memref<6400xi32, #tpu.memory_space<vmem>>[vector<16xi32>], vector<16xi32>,
      %mul3A_358 = arith.constant 128 : i32
      %mul3A_359 = arith.muli %add3A_238, %mul3A_358 : i32
      %multiple_of3A_360 = tpu.assume_multiple %mul3A_359, 128 : i32
      %add3A_361 = arith.constant 112 : i32
      %add3A_362 = arith.addi %multiple_of3A_360, %add3A_361 : i32
      %swap3A_363 = arith.index_cast %add3A_362 : i32 to index
      %swap3A_364 = tpu.vector_load %arg6[%swap3A_363] {strides = array<i32>} : memref<6400xi32, #tpu.memory_space<vmem>>, vector<16xi32>,
      tpu.vector_store %arg6[%swap3A_363], %gather3A_357 {strides = array<i32>} : memref<6400xi32, #tpu.memory_space<vmem>>, vector<16xi32>,
    }
    %scan3A_6 = arith.constant 50 : i32
    %multiple_of3A = arith.constant 0 : i32
    %multiple_of3A_7 = tpu.assume_multiple %multiple_of3A, 128 : i32
    %dma_start3A = arith.constant 0 : i32
    %dma_start3A_8 = arith.constant 0 : i32
    %dma_start3A_9 = arith.constant 0 : i32
    %dma_start3A_10 = tpu.memref_slice %arg7[%dma_start3A, %dma_start3A_8, %dma_start3A_9] : memref<5x128x64xf32, #tpu.memory_space<vmem>> -> memref<1x128x64xf32, #tpu.memory_space<vmem>>
    %dma_start3A_11 = tpu.memref_squeeze %dma_start3A_10 : memref<1x128x64xf32, #tpu.memory_space<vmem>> -> memref<128x64xf32, #tpu.memory_space<vmem>>
    %dma_start3A_12 = tpu.memref_slice %arg6[%multiple_of3A_7] : memref<6400xi32, #tpu.memory_space<vmem>> -> memref<128xi32, #tpu.memory_space<vmem>>
    %dma_start3A_13 = arith.constant 0 : i32
    %dma_start3A_14 = arith.constant 0 : i32
    %dma_start3A_15 = tpu.memref_slice %arg2[%dma_start3A_13, %dma_start3A_14] : memref<100000x64xf32, #tpu.memory_space<hbm>> -> memref<100000x64xf32, #tpu.memory_space<hbm>>
    tpu.enqueue_indirect_dma source(%dma_start3A_15 : memref<100000x64xf32, #tpu.memory_space<hbm>>) target(%dma_start3A_11 : memref<128x64xf32, #tpu.memory_space<vmem>>) offsets(%dma_start3A_12 : memref<128xi32, #tpu.memory_space<vmem>>) semaphore(%arg10 : memref<!tpu.dma_semaphore, #tpu.memory_space<semaphore_mem>>)
    %multiple_of3A_16 = arith.constant 128 : i32
    %multiple_of3A_17 = tpu.assume_multiple %multiple_of3A_16, 128 : i32
    %dma_start3A_18 = arith.constant 1 : i32
    %dma_start3A_19 = arith.constant 0 : i32
    %dma_start3A_20 = arith.constant 0 : i32
    %dma_start3A_21 = tpu.memref_slice %arg7[%dma_start3A_18, %dma_start3A_19, %dma_start3A_20] : memref<5x128x64xf32, #tpu.memory_space<vmem>> -> memref<1x128x64xf32, #tpu.memory_space<vmem>>
    %dma_start3A_22 = tpu.memref_squeeze %dma_start3A_21 : memref<1x128x64xf32, #tpu.memory_space<vmem>> -> memref<128x64xf32, #tpu.memory_space<vmem>>
    %dma_start3A_23 = tpu.memref_slice %arg6[%multiple_of3A_17] : memref<6400xi32, #tpu.memory_space<vmem>> -> memref<128xi32, #tpu.memory_space<vmem>>
    %dma_start3A_24 = arith.constant 0 : i32
    %dma_start3A_25 = arith.constant 0 : i32
    %dma_start3A_26 = tpu.memref_slice %arg2[%dma_start3A_24, %dma_start3A_25] : memref<100000x64xf32, #tpu.memory_space<hbm>> -> memref<100000x64xf32, #tpu.memory_space<hbm>>
    tpu.enqueue_indirect_dma source(%dma_start3A_26 : memref<100000x64xf32, #tpu.memory_space<hbm>>) target(%dma_start3A_22 : memref<128x64xf32, #tpu.memory_space<vmem>>) offsets(%dma_start3A_23 : memref<128xi32, #tpu.memory_space<vmem>>) semaphore(%arg11 : memref<!tpu.dma_semaphore, #tpu.memory_space<semaphore_mem>>)
    %multiple_of3A_27 = arith.constant 256 : i32
    %multiple_of3A_28 = tpu.assume_multiple %multiple_of3A_27, 128 : i32
    %dma_start3A_29 = arith.constant 2 : i32
    %dma_start3A_30 = arith.constant 0 : i32
    %dma_start3A_31 = arith.constant 0 : i32
    %dma_start3A_32 = tpu.memref_slice %arg7[%dma_start3A_29, %dma_start3A_30, %dma_start3A_31] : memref<5x128x64xf32, #tpu.memory_space<vmem>> -> memref<1x128x64xf32, #tpu.memory_space<vmem>>
    %dma_start3A_33 = tpu.memref_squeeze %dma_start3A_32 : memref<1x128x64xf32, #tpu.memory_space<vmem>> -> memref<128x64xf32, #tpu.memory_space<vmem>>
    %dma_start3A_34 = tpu.memref_slice %arg6[%multiple_of3A_28] : memref<6400xi32, #tpu.memory_space<vmem>> -> memref<128xi32, #tpu.memory_space<vmem>>
    %dma_start3A_35 = arith.constant 0 : i32
    %dma_start3A_36 = arith.constant 0 : i32
    %dma_start3A_37 = tpu.memref_slice %arg2[%dma_start3A_35, %dma_start3A_36] : memref<100000x64xf32, #tpu.memory_space<hbm>> -> memref<100000x64xf32, #tpu.memory_space<hbm>>
    tpu.enqueue_indirect_dma source(%dma_start3A_37 : memref<100000x64xf32, #tpu.memory_space<hbm>>) target(%dma_start3A_33 : memref<128x64xf32, #tpu.memory_space<vmem>>) offsets(%dma_start3A_34 : memref<128xi32, #tpu.memory_space<vmem>>) semaphore(%arg12 : memref<!tpu.dma_semaphore, #tpu.memory_space<semaphore_mem>>)
    %multiple_of3A_38 = arith.constant 384 : i32
    %multiple_of3A_39 = tpu.assume_multiple %multiple_of3A_38, 128 : i32
    %dma_start3A_40 = arith.constant 3 : i32
    %dma_start3A_41 = arith.constant 0 : i32
    %dma_start3A_42 = arith.constant 0 : i32
    %dma_start3A_43 = tpu.memref_slice %arg7[%dma_start3A_40, %dma_start3A_41, %dma_start3A_42] : memref<5x128x64xf32, #tpu.memory_space<vmem>> -> memref<1x128x64xf32, #tpu.memory_space<vmem>>
    %dma_start3A_44 = tpu.memref_squeeze %dma_start3A_43 : memref<1x128x64xf32, #tpu.memory_space<vmem>> -> memref<128x64xf32, #tpu.memory_space<vmem>>
    %dma_start3A_45 = tpu.memref_slice %arg6[%multiple_of3A_39] : memref<6400xi32, #tpu.memory_space<vmem>> -> memref<128xi32, #tpu.memory_space<vmem>>
    %dma_start3A_46 = arith.constant 0 : i32
    %dma_start3A_47 = arith.constant 0 : i32
    %dma_start3A_48 = tpu.memref_slice %arg2[%dma_start3A_46, %dma_start3A_47] : memref<100000x64xf32, #tpu.memory_space<hbm>> -> memref<100000x64xf32, #tpu.memory_space<hbm>>
    tpu.enqueue_indirect_dma source(%dma_start3A_48 : memref<100000x64xf32, #tpu.memory_space<hbm>>) target(%dma_start3A_44 : memref<128x64xf32, #tpu.memory_space<vmem>>) offsets(%dma_start3A_45 : memref<128xi32, #tpu.memory_space<vmem>>) semaphore(%arg13 : memref<!tpu.dma_semaphore, #tpu.memory_space<semaphore_mem>>)
    %multiple_of3A_49 = arith.constant 512 : i32
    %multiple_of3A_50 = tpu.assume_multiple %multiple_of3A_49, 128 : i32
    %dma_start3A_51 = arith.constant 4 : i32
    %dma_start3A_52 = arith.constant 0 : i32
    %dma_start3A_53 = arith.constant 0 : i32
    %dma_start3A_54 = tpu.memref_slice %arg7[%dma_start3A_51, %dma_start3A_52, %dma_start3A_53] : memref<5x128x64xf32, #tpu.memory_space<vmem>> -> memref<1x128x64xf32, #tpu.memory_space<vmem>>
    %dma_start3A_55 = tpu.memref_squeeze %dma_start3A_54 : memref<1x128x64xf32, #tpu.memory_space<vmem>> -> memref<128x64xf32, #tpu.memory_space<vmem>>
    %dma_start3A_56 = tpu.memref_slice %arg6[%multiple_of3A_50] : memref<6400xi32, #tpu.memory_space<vmem>> -> memref<128xi32, #tpu.memory_space<vmem>>
    %dma_start3A_57 = arith.constant 0 : i32
    %dma_start3A_58 = arith.constant 0 : i32
    %dma_start3A_59 = tpu.memref_slice %arg2[%dma_start3A_57, %dma_start3A_58] : memref<100000x64xf32, #tpu.memory_space<hbm>> -> memref<100000x64xf32, #tpu.memory_space<hbm>>
    tpu.enqueue_indirect_dma source(%dma_start3A_59 : memref<100000x64xf32, #tpu.memory_space<hbm>>) target(%dma_start3A_55 : memref<128x64xf32, #tpu.memory_space<vmem>>) offsets(%dma_start3A_56 : memref<128xi32, #tpu.memory_space<vmem>>) semaphore(%arg14 : memref<!tpu.dma_semaphore, #tpu.memory_space<semaphore_mem>>)
    %scan3A_60 = arith.constant 0 : i32
    %scan3A_61 = arith.constant 10 : i32
    %scan3A_62 = arith.addi %scan3A_60, %scan3A_61 : i32
    %scan3A_63 = arith.constant 1 : i32
    scf.for %scan3A_234 = %scan3A_60 to %scan3A_62 step %scan3A_63  : i32 {
      %mul3A_235 = arith.constant 1 : i32
      %mul3A_236 = arith.muli %scan3A_234, %mul3A_235 : i32
      %add3A_237 = arith.constant 0 : i32
      %add3A_238 = arith.addi %add3A_237, %mul3A_236 : i32
      %mul3A_239 = arith.constant 5 : i32
      %mul3A_240 = arith.muli %add3A_238, %mul3A_239 : i32
      %add3A_241 = arith.constant 0 : i32
      %add3A_242 = arith.addi %mul3A_240, %add3A_241 : i32
      %dma_wait3A_243 = arith.constant 0 : i32
      %dma_wait3A_244 = arith.constant 0 : i32
      %dma_wait3A_245 = arith.constant 0 : i32
      %dma_wait3A_246 = tpu.memref_slice %arg7[%dma_wait3A_243, %dma_wait3A_244, %dma_wait3A_245] : memref<5x128x64xf32, #tpu.memory_space<vmem>> -> memref<1x128x64xf32, #tpu.memory_space<vmem>>
      %dma_wait3A_247 = tpu.memref_squeeze %dma_wait3A_246 : memref<1x128x64xf32, #tpu.memory_space<vmem>> -> memref<128x64xf32, #tpu.memory_space<vmem>>
      %dma_wait3A_248 = arith.constant 0 : i32
      %dma_wait3A_249 = arith.constant 0 : i32
      %dma_wait3A_250 = tpu.memref_slice %arg2[%dma_wait3A_248, %dma_wait3A_249] : memref<100000x64xf32, #tpu.memory_space<hbm>> -> memref<128x64xf32, #tpu.memory_space<hbm>>
      %dma_wait3A_251 = arith.constant 0 : i32
      %dma_wait3A_252 = arith.constant 0 : i32
      %dma_wait3A_253 = tpu.memref_slice %arg7[%dma_wait3A_243, %dma_wait3A_251, %dma_wait3A_252] : memref<5x128x64xf32, #tpu.memory_space<vmem>> -> memref<1x128x64xf32, #tpu.memory_space<vmem>>
      %dma_wait3A_254 = tpu.memref_squeeze %dma_wait3A_253 : memref<1x128x64xf32, #tpu.memory_space<vmem>> -> memref<128x64xf32, #tpu.memory_space<vmem>>
      %dma_wait3A_255 = arith.constant 0 : i32
      %dma_wait3A_256 = arith.constant 0 : i32
      %dma_wait3A_257 = tpu.memref_slice %arg2[%dma_wait3A_255, %dma_wait3A_256] : memref<100000x64xf32, #tpu.memory_space<hbm>> -> memref<128x64xf32, #tpu.memory_space<hbm>>
      tpu.wait_dma2 semaphore(%arg10 : memref<!tpu.dma_semaphore, #tpu.memory_space<semaphore_mem>>) src(%dma_wait3A_257 : memref<128x64xf32, #tpu.memory_space<hbm>>) dst(%dma_wait3A_254 : memref<128x64xf32, #tpu.memory_space<vmem>>)
      %gt3A = arith.constant 0 : i32
      %gt3A_258 = arith.cmpi sgt, %add3A_238, %gt3A : i32
      %convert_element_type3A = arith.extui %gt3A_258 : i1 to i32
      %cond3A = arith.constant 0 : i32
      %cond3A_259 = arith.cmpi ne, %convert_element_type3A, %cond3A : i32
      scf.if %cond3A_259 {
        %dma_wait3A_569 = arith.constant 0 : i32
        %dma_wait3A_570 = arith.constant 0 : i32
        %dma_wait3A_571 = arith.constant 0 : i32
        %dma_wait3A_572 = arith.constant 0 : i32
        %dma_wait3A_573 = arith.constant 0 : i32
        %dma_wait3A_574 = tpu.memref_slice %arg8[%dma_wait3A_569, %dma_wait3A_571, %dma_wait3A_572, %dma_wait3A_573] : memref<5x8x8x128xf32, #tpu.memory_space<vmem>> -> memref<1x8x8x128xf32, #tpu.memory_space<vmem>>
        %dma_wait3A_575 = tpu.memref_squeeze %dma_wait3A_574 : memref<1x8x8x128xf32, #tpu.memory_space<vmem>> -> memref<8x8x128xf32, #tpu.memory_space<vmem>>
        %dma_wait3A_576 = arith.constant 0 : i32
        %dma_wait3A_577 = arith.constant 0 : i32
        %dma_wait3A_578 = arith.constant 0 : i32
        %dma_wait3A_579 = arith.constant 0 : i32
        %dma_wait3A_580 = tpu.memref_slice %arg4[%dma_wait3A_570, %dma_wait3A_576, %dma_wait3A_577, %dma_wait3A_578, %dma_wait3A_579] : memref<50x8x32x8x128xf32, #tpu.memory_space<hbm>> -> memref<1x8x32x8x128xf32, #tpu.memory_space<hbm>>
        %dma_wait3A_581 = tpu.memref_squeeze %dma_wait3A_580 : memref<1x8x32x8x128xf32, #tpu.memory_space<hbm>> -> memref<8x32x8x128xf32, #tpu.memory_space<hbm>>
        %dma_wait3A_582 = arith.constant 0 : i32
        %dma_wait3A_583 = arith.constant 0 : i32
        %dma_wait3A_584 = arith.constant 0 : i32
        %dma_wait3A_585 = tpu.memref_slice %dma_wait3A_581[%dma_wait3A_582, %add3A, %dma_wait3A_583, %dma_wait3A_584] : memref<8x32x8x128xf32, #tpu.memory_space<hbm>> -> memref<8x1x8x128xf32, #tpu.memory_space<hbm>>
        %dma_wait3A_586 = tpu.memref_squeeze %dma_wait3A_585 : memref<8x1x8x128xf32, #tpu.memory_space<hbm>> -> memref<8x8x128xf32, #tpu.memory_space<hbm>>
        %dma_wait3A_587 = arith.constant 0 : i32
        %dma_wait3A_588 = arith.constant 0 : i32
        %dma_wait3A_589 = arith.constant 0 : i32
        %dma_wait3A_590 = arith.constant 0 : i32
        %dma_wait3A_591 = tpu.memref_slice %arg4[%dma_wait3A_570, %dma_wait3A_587, %dma_wait3A_588, %dma_wait3A_589, %dma_wait3A_590] : memref<50x8x32x8x128xf32, #tpu.memory_space<hbm>> -> memref<1x8x32x8x128xf32, #tpu.memory_space<hbm>>
        %dma_wait3A_592 = tpu.memref_squeeze %dma_wait3A_591 : memref<1x8x32x8x128xf32, #tpu.memory_space<hbm>> -> memref<8x32x8x128xf32, #tpu.memory_space<hbm>>
        %dma_wait3A_593 = arith.constant 0 : i32
        %dma_wait3A_594 = arith.constant 0 : i32
        %dma_wait3A_595 = arith.constant 0 : i32
        %dma_wait3A_596 = tpu.memref_slice %dma_wait3A_592[%dma_wait3A_593, %add3A, %dma_wait3A_594, %dma_wait3A_595] : memref<8x32x8x128xf32, #tpu.memory_space<hbm>> -> memref<8x1x8x128xf32, #tpu.memory_space<hbm>>
        %dma_wait3A_597 = tpu.memref_squeeze %dma_wait3A_596 : memref<8x1x8x128xf32, #tpu.memory_space<hbm>> -> memref<8x8x128xf32, #tpu.memory_space<hbm>>
        %dma_wait3A_598 = arith.constant 0 : i32
        %dma_wait3A_599 = arith.constant 0 : i32
        %dma_wait3A_600 = arith.constant 0 : i32
        %dma_wait3A_601 = tpu.memref_slice %arg8[%dma_wait3A_569, %dma_wait3A_598, %dma_wait3A_599, %dma_wait3A_600] : memref<5x8x8x128xf32, #tpu.memory_space<vmem>> -> memref<1x8x8x128xf32, #tpu.memory_space<vmem>>
        %dma_wait3A_602 = tpu.memref_squeeze %dma_wait3A_601 : memref<1x8x8x128xf32, #tpu.memory_space<vmem>> -> memref<8x8x128xf32, #tpu.memory_space<vmem>>
        tpu.wait_dma2 semaphore(%arg15 : memref<!tpu.dma_semaphore, #tpu.memory_space<semaphore_mem>>) src(%dma_wait3A_602 : memref<8x8x128xf32, #tpu.memory_space<vmem>>) dst(%dma_wait3A_597 : memref<8x8x128xf32, #tpu.memory_space<hbm>>)
      } else {
      }
      %parallel_loop3A = arith.constant 0 : i32
      %parallel_loop3A_260 = arith.constant 128 : i32
      %parallel_loop3A_261 = arith.constant 1 : i32
      %parallel_loop3A_262 = arith.constant 0 : i32
      %parallel_loop3A_263 = arith.constant 0 : i32
      scf.for %parallel_loop3A_569 = %parallel_loop3A to %parallel_loop3A_260 step %parallel_loop3A_261  : i32 {
        %parallel_loop3A_570 = arith.constant 0 : i32
        %parallel_loop3A_571 = vector.broadcast %parallel_loop3A_570 : i32 to vector<16xi32>
        %parallel_loop3A_572 = arith.muli %iota3A, %parallel_loop3A_571 : vector<16xi32>
        %parallel_loop3A_573 = vector.broadcast %parallel_loop3A_569 : i32 to vector<16xi32>
        %parallel_loop3A_574 = arith.addi %parallel_loop3A_572, %parallel_loop3A_573 : vector<16xi32>
        %parallel_loop3A_575 = arith.constant 0 : i32
        %parallel_loop3A_576 = vector.broadcast %parallel_loop3A_575 : i32 to vector<16xi32>
        %parallel_loop3A_577 = arith.addi %parallel_loop3A_576, %iota3A : vector<16xi32>
        %parallel_loop3A_578 = arith.constant 0 : i32
        %parallel_loop3A_579 = arith.constant 0 : i32
        %parallel_loop3A_580 = tpu.memref_slice %arg7[%parallel_loop3A_262, %parallel_loop3A_578, %parallel_loop3A_579] : memref<5x128x64xf32, #tpu.memory_space<vmem>> -> memref<1x128x64xf32, #tpu.memory_space<vmem>>
        %parallel_loop3A_581 = tpu.memref_squeeze %parallel_loop3A_580 : memref<1x128x64xf32, #tpu.memory_space<vmem>> -> memref<128x64xf32, #tpu.memory_space<vmem>>
        %parallel_loop3A_582 = arith.index_cast %parallel_loop3A_569 : i32 to index
        %parallel_loop3A_583 = arith.constant 0 : index
        %parallel_loop3A_584 = tpu.vector_load %parallel_loop3A_581[%parallel_loop3A_582, %parallel_loop3A_583] {strides = array<i32>} : memref<128x64xf32, #tpu.memory_space<vmem>>, vector<16xf32>,
        %parallel_loop3A_585 = arith.constant 8 : i32
        %parallel_loop3A_586 = vector.broadcast %parallel_loop3A_585 : i32 to vector<16xi32>
        %parallel_loop3A_587 = arith.divsi %parallel_loop3A_577, %parallel_loop3A_586 : vector<16xi32>
        %parallel_loop3A_588 = arith.constant 0 : i32
        %parallel_loop3A_589 = vector.broadcast %parallel_loop3A_588 : i32 to vector<16xi32>
        %parallel_loop3A_590 = arith.cmpi sgt, %parallel_loop3A_577, %parallel_loop3A_589 : vector<16xi32>
        %parallel_loop3A_591 = arith.extui %parallel_loop3A_590 : vector<16xi1> to vector<16xi32>
        %parallel_loop3A_592 = arith.constant 0 : i32
        %parallel_loop3A_593 = vector.broadcast %parallel_loop3A_592 : i32 to vector<16xi32>
        %parallel_loop3A_594 = arith.cmpi slt, %parallel_loop3A_577, %parallel_loop3A_593 : vector<16xi32>
        %parallel_loop3A_595 = arith.extui %parallel_loop3A_594 : vector<16xi1> to vector<16xi32>
        %parallel_loop3A_596 = arith.subi %parallel_loop3A_591, %parallel_loop3A_595 : vector<16xi32>
        %parallel_loop3A_597 = arith.constant 0 : i32
        %parallel_loop3A_598 = arith.cmpi sgt, %parallel_loop3A_585, %parallel_loop3A_597 : i32
        %parallel_loop3A_599 = arith.extui %parallel_loop3A_598 : i1 to i32
        %parallel_loop3A_600 = arith.constant 0 : i32
        %parallel_loop3A_601 = arith.cmpi slt, %parallel_loop3A_585, %parallel_loop3A_600 : i32
        %parallel_loop3A_602 = arith.extui %parallel_loop3A_601 : i1 to i32
        %parallel_loop3A_603 = arith.subi %parallel_loop3A_599, %parallel_loop3A_602 : i32
        %parallel_loop3A_604 = vector.broadcast %parallel_loop3A_603 : i32 to vector<16xi32>
        %parallel_loop3A_605 = arith.cmpi ne, %parallel_loop3A_596, %parallel_loop3A_604 : vector<16xi32>
        %parallel_loop3A_606 = vector.broadcast %parallel_loop3A_585 : i32 to vector<16xi32>
        %parallel_loop3A_607 = arith.remsi %parallel_loop3A_577, %parallel_loop3A_606 : vector<16xi32>
        %parallel_loop3A_608 = arith.constant 0 : i32
        %parallel_loop3A_609 = vector.broadcast %parallel_loop3A_608 : i32 to vector<16xi32>
        %parallel_loop3A_610 = arith.cmpi ne, %parallel_loop3A_607, %parallel_loop3A_609 : vector<16xi32>
        %parallel_loop3A_611 = arith.andi %parallel_loop3A_605, %parallel_loop3A_610 : vector<16xi1>
        %parallel_loop3A_612 = arith.constant 1 : i32
        %parallel_loop3A_613 = vector.broadcast %parallel_loop3A_612 : i32 to vector<16xi32>
        %parallel_loop3A_614 = arith.subi %parallel_loop3A_587, %parallel_loop3A_613 : vector<16xi32>
        %parallel_loop3A_615 = arith.select %parallel_loop3A_611, %parallel_loop3A_614, %parallel_loop3A_587 : vector<16xi1>, vector<16xi32>
        %parallel_loop3A_616 = arith.constant 8 : i32
        %parallel_loop3A_617 = arith.constant 0 : i32
        %parallel_loop3A_618 = arith.cmpi eq, %parallel_loop3A_616, %parallel_loop3A_617 : i32
        %parallel_loop3A_619 = arith.constant 1 : i32
        %parallel_loop3A_620 = arith.select %parallel_loop3A_618, %parallel_loop3A_619, %parallel_loop3A_616 : i32
        %parallel_loop3A_621 = vector.broadcast %parallel_loop3A_620 : i32 to vector<16xi32>
        %parallel_loop3A_622 = arith.remsi %parallel_loop3A_577, %parallel_loop3A_621 : vector<16xi32>
        %parallel_loop3A_623 = arith.constant 0 : i32
        %parallel_loop3A_624 = vector.broadcast %parallel_loop3A_623 : i32 to vector<16xi32>
        %parallel_loop3A_625 = arith.cmpi ne, %parallel_loop3A_622, %parallel_loop3A_624 : vector<16xi32>
        %parallel_loop3A_626 = arith.constant 0 : i32
        %parallel_loop3A_627 = vector.broadcast %parallel_loop3A_626 : i32 to vector<16xi32>
        %parallel_loop3A_628 = arith.cmpi slt, %parallel_loop3A_622, %parallel_loop3A_627 : vector<16xi32>
        %parallel_loop3A_629 = arith.constant 0 : i32
        %parallel_loop3A_630 = arith.cmpi slt, %parallel_loop3A_620, %parallel_loop3A_629 : i32
        %parallel_loop3A_631 = vector.broadcast %parallel_loop3A_630 : i1 to vector<16xi1>
        %parallel_loop3A_632 = vector.broadcast %parallel_loop3A_631 : vector<16xi1> to vector<16xi1>
        %parallel_loop3A_633 = arith.xori %parallel_loop3A_628, %parallel_loop3A_632 : vector<16xi1>
        %parallel_loop3A_634 = arith.andi %parallel_loop3A_633, %parallel_loop3A_625 : vector<16xi1>
        %parallel_loop3A_635 = vector.broadcast %parallel_loop3A_620 : i32 to vector<16xi32>
        %parallel_loop3A_636 = arith.addi %parallel_loop3A_622, %parallel_loop3A_635 : vector<16xi32>
        %parallel_loop3A_637 = arith.select %parallel_loop3A_634, %parallel_loop3A_636, %parallel_loop3A_622 : vector<16xi1>, vector<16xi32>
        %parallel_loop3A_638 = arith.constant 0 : i32
        %parallel_loop3A_639 = arith.constant 0 : i32
        %parallel_loop3A_640 = arith.constant 0 : i32
        %parallel_loop3A_641 = tpu.memref_slice %arg8[%parallel_loop3A_263, %parallel_loop3A_638, %parallel_loop3A_639, %parallel_loop3A_640] : memref<5x8x8x128xf32, #tpu.memory_space<vmem>> -> memref<1x8x8x128xf32, #tpu.memory_space<vmem>>
        %parallel_loop3A_642 = tpu.memref_squeeze %parallel_loop3A_641 : memref<1x8x8x128xf32, #tpu.memory_space<vmem>> -> memref<8x8x128xf32, #tpu.memory_space<vmem>>
        tpu.vector_store_idx %parallel_loop3A_642[%parallel_loop3A_615, %parallel_loop3A_637, %parallel_loop3A_574], %parallel_loop3A_584 : memref<8x8x128xf32, #tpu.memory_space<vmem>>[vector<16xi32>, vector<16xi32>, vector<16xi32>], vector<16xf32>,
        %parallel_loop3A_643 = arith.constant 16 : i32
        %parallel_loop3A_644 = vector.broadcast %parallel_loop3A_643 : i32 to vector<16xi32>
        %parallel_loop3A_645 = arith.addi %parallel_loop3A_644, %iota3A : vector<16xi32>
        %parallel_loop3A_646 = arith.constant 0 : i32
        %parallel_loop3A_647 = arith.constant 0 : i32
        %parallel_loop3A_648 = tpu.memref_slice %arg7[%parallel_loop3A_262, %parallel_loop3A_646, %parallel_loop3A_647] : memref<5x128x64xf32, #tpu.memory_space<vmem>> -> memref<1x128x64xf32, #tpu.memory_space<vmem>>
        %parallel_loop3A_649 = tpu.memref_squeeze %parallel_loop3A_648 : memref<1x128x64xf32, #tpu.memory_space<vmem>> -> memref<128x64xf32, #tpu.memory_space<vmem>>
        %parallel_loop3A_650 = arith.index_cast %parallel_loop3A_569 : i32 to index
        %parallel_loop3A_651 = arith.constant 16 : index
        %parallel_loop3A_652 = tpu.vector_load %parallel_loop3A_649[%parallel_loop3A_650, %parallel_loop3A_651] {strides = array<i32>} : memref<128x64xf32, #tpu.memory_space<vmem>>, vector<16xf32>,
        %parallel_loop3A_653 = arith.constant 8 : i32
        %parallel_loop3A_654 = vector.broadcast %parallel_loop3A_653 : i32 to vector<16xi32>
        %parallel_loop3A_655 = arith.divsi %parallel_loop3A_645, %parallel_loop3A_654 : vector<16xi32>
        %parallel_loop3A_656 = arith.constant 0 : i32
        %parallel_loop3A_657 = vector.broadcast %parallel_loop3A_656 : i32 to vector<16xi32>
        %parallel_loop3A_658 = arith.cmpi sgt, %parallel_loop3A_645, %parallel_loop3A_657 : vector<16xi32>
        %parallel_loop3A_659 = arith.extui %parallel_loop3A_658 : vector<16xi1> to vector<16xi32>
        %parallel_loop3A_660 = arith.constant 0 : i32
        %parallel_loop3A_661 = vector.broadcast %parallel_loop3A_660 : i32 to vector<16xi32>
        %parallel_loop3A_662 = arith.cmpi slt, %parallel_loop3A_645, %parallel_loop3A_661 : vector<16xi32>
        %parallel_loop3A_663 = arith.extui %parallel_loop3A_662 : vector<16xi1> to vector<16xi32>
        %parallel_loop3A_664 = arith.subi %parallel_loop3A_659, %parallel_loop3A_663 : vector<16xi32>
        %parallel_loop3A_665 = arith.constant 0 : i32
        %parallel_loop3A_666 = arith.cmpi sgt, %parallel_loop3A_653, %parallel_loop3A_665 : i32
        %parallel_loop3A_667 = arith.extui %parallel_loop3A_666 : i1 to i32
        %parallel_loop3A_668 = arith.constant 0 : i32
        %parallel_loop3A_669 = arith.cmpi slt, %parallel_loop3A_653, %parallel_loop3A_668 : i32
        %parallel_loop3A_670 = arith.extui %parallel_loop3A_669 : i1 to i32
        %parallel_loop3A_671 = arith.subi %parallel_loop3A_667, %parallel_loop3A_670 : i32
        %parallel_loop3A_672 = vector.broadcast %parallel_loop3A_671 : i32 to vector<16xi32>
        %parallel_loop3A_673 = arith.cmpi ne, %parallel_loop3A_664, %parallel_loop3A_672 : vector<16xi32>
        %parallel_loop3A_674 = vector.broadcast %parallel_loop3A_653 : i32 to vector<16xi32>
        %parallel_loop3A_675 = arith.remsi %parallel_loop3A_645, %parallel_loop3A_674 : vector<16xi32>
        %parallel_loop3A_676 = arith.constant 0 : i32
        %parallel_loop3A_677 = vector.broadcast %parallel_loop3A_676 : i32 to vector<16xi32>
        %parallel_loop3A_678 = arith.cmpi ne, %parallel_loop3A_675, %parallel_loop3A_677 : vector<16xi32>
        %parallel_loop3A_679 = arith.andi %parallel_loop3A_673, %parallel_loop3A_678 : vector<16xi1>
        %parallel_loop3A_680 = arith.constant 1 : i32
        %parallel_loop3A_681 = vector.broadcast %parallel_loop3A_680 : i32 to vector<16xi32>
        %parallel_loop3A_682 = arith.subi %parallel_loop3A_655, %parallel_loop3A_681 : vector<16xi32>
        %parallel_loop3A_683 = arith.select %parallel_loop3A_679, %parallel_loop3A_682, %parallel_loop3A_655 : vector<16xi1>, vector<16xi32>
        %parallel_loop3A_684 = arith.constant 8 : i32
        %parallel_loop3A_685 = arith.constant 0 : i32
        %parallel_loop3A_686 = arith.cmpi eq, %parallel_loop3A_684, %parallel_loop3A_685 : i32
        %parallel_loop3A_687 = arith.constant 1 : i32
        %parallel_loop3A_688 = arith.select %parallel_loop3A_686, %parallel_loop3A_687, %parallel_loop3A_684 : i32
        %parallel_loop3A_689 = vector.broadcast %parallel_loop3A_688 : i32 to vector<16xi32>
        %parallel_loop3A_690 = arith.remsi %parallel_loop3A_645, %parallel_loop3A_689 : vector<16xi32>
        %parallel_loop3A_691 = arith.constant 0 : i32
        %parallel_loop3A_692 = vector.broadcast %parallel_loop3A_691 : i32 to vector<16xi32>
        %parallel_loop3A_693 = arith.cmpi ne, %parallel_loop3A_690, %parallel_loop3A_692 : vector<16xi32>
        %parallel_loop3A_694 = arith.constant 0 : i32
        %parallel_loop3A_695 = vector.broadcast %parallel_loop3A_694 : i32 to vector<16xi32>
        %parallel_loop3A_696 = arith.cmpi slt, %parallel_loop3A_690, %parallel_loop3A_695 : vector<16xi32>
        %parallel_loop3A_697 = arith.constant 0 : i32
        %parallel_loop3A_698 = arith.cmpi slt, %parallel_loop3A_688, %parallel_loop3A_697 : i32
        %parallel_loop3A_699 = vector.broadcast %parallel_loop3A_698 : i1 to vector<16xi1>
        %parallel_loop3A_700 = vector.broadcast %parallel_loop3A_699 : vector<16xi1> to vector<16xi1>
        %parallel_loop3A_701 = arith.xori %parallel_loop3A_696, %parallel_loop3A_700 : vector<16xi1>
        %parallel_loop3A_702 = arith.andi %parallel_loop3A_701, %parallel_loop3A_693 : vector<16xi1>
        %parallel_loop3A_703 = vector.broadcast %parallel_loop3A_688 : i32 to vector<16xi32>
        %parallel_loop3A_704 = arith.addi %parallel_loop3A_690, %parallel_loop3A_703 : vector<16xi32>
        %parallel_loop3A_705 = arith.select %parallel_loop3A_702, %parallel_loop3A_704, %parallel_loop3A_690 : vector<16xi1>, vector<16xi32>
        %parallel_loop3A_706 = arith.constant 0 : i32
        %parallel_loop3A_707 = arith.constant 0 : i32
        %parallel_loop3A_708 = arith.constant 0 : i32
        %parallel_loop3A_709 = tpu.memref_slice %arg8[%parallel_loop3A_263, %parallel_loop3A_706, %parallel_loop3A_707, %parallel_loop3A_708] : memref<5x8x8x128xf32, #tpu.memory_space<vmem>> -> memref<1x8x8x128xf32, #tpu.memory_space<vmem>>
        %parallel_loop3A_710 = tpu.memref_squeeze %parallel_loop3A_709 : memref<1x8x8x128xf32, #tpu.memory_space<vmem>> -> memref<8x8x128xf32, #tpu.memory_space<vmem>>
        tpu.vector_store_idx %parallel_loop3A_710[%parallel_loop3A_683, %parallel_loop3A_705, %parallel_loop3A_574], %parallel_loop3A_652 : memref<8x8x128xf32, #tpu.memory_space<vmem>>[vector<16xi32>, vector<16xi32>, vector<16xi32>], vector<16xf32>,
        %parallel_loop3A_711 = arith.constant 32 : i32
        %parallel_loop3A_712 = vector.broadcast %parallel_loop3A_711 : i32 to vector<16xi32>
        %parallel_loop3A_713 = arith.addi %parallel_loop3A_712, %iota3A : vector<16xi32>
        %parallel_loop3A_714 = arith.constant 0 : i32
        %parallel_loop3A_715 = arith.constant 0 : i32
        %parallel_loop3A_716 = tpu.memref_slice %arg7[%parallel_loop3A_262, %parallel_loop3A_714, %parallel_loop3A_715] : memref<5x128x64xf32, #tpu.memory_space<vmem>> -> memref<1x128x64xf32, #tpu.memory_space<vmem>>
        %parallel_loop3A_717 = tpu.memref_squeeze %parallel_loop3A_716 : memref<1x128x64xf32, #tpu.memory_space<vmem>> -> memref<128x64xf32, #tpu.memory_space<vmem>>
        %parallel_loop3A_718 = arith.index_cast %parallel_loop3A_569 : i32 to index
        %parallel_loop3A_719 = arith.constant 32 : index
        %parallel_loop3A_720 = tpu.vector_load %parallel_loop3A_717[%parallel_loop3A_718, %parallel_loop3A_719] {strides = array<i32>} : memref<128x64xf32, #tpu.memory_space<vmem>>, vector<16xf32>,
        %parallel_loop3A_721 = arith.constant 8 : i32
        %parallel_loop3A_722 = vector.broadcast %parallel_loop3A_721 : i32 to vector<16xi32>
        %parallel_loop3A_723 = arith.divsi %parallel_loop3A_713, %parallel_loop3A_722 : vector<16xi32>
        %parallel_loop3A_724 = arith.constant 0 : i32
        %parallel_loop3A_725 = vector.broadcast %parallel_loop3A_724 : i32 to vector<16xi32>
        %parallel_loop3A_726 = arith.cmpi sgt, %parallel_loop3A_713, %parallel_loop3A_725 : vector<16xi32>
        %parallel_loop3A_727 = arith.extui %parallel_loop3A_726 : vector<16xi1> to vector<16xi32>
        %parallel_loop3A_728 = arith.constant 0 : i32
        %parallel_loop3A_729 = vector.broadcast %parallel_loop3A_728 : i32 to vector<16xi32>
        %parallel_loop3A_730 = arith.cmpi slt, %parallel_loop3A_713, %parallel_loop3A_729 : vector<16xi32>
        %parallel_loop3A_731 = arith.extui %parallel_loop3A_730 : vector<16xi1> to vector<16xi32>
        %parallel_loop3A_732 = arith.subi %parallel_loop3A_727, %parallel_loop3A_731 : vector<16xi32>
        %parallel_loop3A_733 = arith.constant 0 : i32
        %parallel_loop3A_734 = arith.cmpi sgt, %parallel_loop3A_721, %parallel_loop3A_733 : i32
        %parallel_loop3A_735 = arith.extui %parallel_loop3A_734 : i1 to i32
        %parallel_loop3A_736 = arith.constant 0 : i32
        %parallel_loop3A_737 = arith.cmpi slt, %parallel_loop3A_721, %parallel_loop3A_736 : i32
        %parallel_loop3A_738 = arith.extui %parallel_loop3A_737 : i1 to i32
        %parallel_loop3A_739 = arith.subi %parallel_loop3A_735, %parallel_loop3A_738 : i32
        %parallel_loop3A_740 = vector.broadcast %parallel_loop3A_739 : i32 to vector<16xi32>
        %parallel_loop3A_741 = arith.cmpi ne, %parallel_loop3A_732, %parallel_loop3A_740 : vector<16xi32>
        %parallel_loop3A_742 = vector.broadcast %parallel_loop3A_721 : i32 to vector<16xi32>
        %parallel_loop3A_743 = arith.remsi %parallel_loop3A_713, %parallel_loop3A_742 : vector<16xi32>
        %parallel_loop3A_744 = arith.constant 0 : i32
        %parallel_loop3A_745 = vector.broadcast %parallel_loop3A_744 : i32 to vector<16xi32>
        %parallel_loop3A_746 = arith.cmpi ne, %parallel_loop3A_743, %parallel_loop3A_745 : vector<16xi32>
        %parallel_loop3A_747 = arith.andi %parallel_loop3A_741, %parallel_loop3A_746 : vector<16xi1>
        %parallel_loop3A_748 = arith.constant 1 : i32
        %parallel_loop3A_749 = vector.broadcast %parallel_loop3A_748 : i32 to vector<16xi32>
        %parallel_loop3A_750 = arith.subi %parallel_loop3A_723, %parallel_loop3A_749 : vector<16xi32>
        %parallel_loop3A_751 = arith.select %parallel_loop3A_747, %parallel_loop3A_750, %parallel_loop3A_723 : vector<16xi1>, vector<16xi32>
        %parallel_loop3A_752 = arith.constant 8 : i32
        %parallel_loop3A_753 = arith.constant 0 : i32
        %parallel_loop3A_754 = arith.cmpi eq, %parallel_loop3A_752, %parallel_loop3A_753 : i32
        %parallel_loop3A_755 = arith.constant 1 : i32
        %parallel_loop3A_756 = arith.select %parallel_loop3A_754, %parallel_loop3A_755, %parallel_loop3A_752 : i32
        %parallel_loop3A_757 = vector.broadcast %parallel_loop3A_756 : i32 to vector<16xi32>
        %parallel_loop3A_758 = arith.remsi %parallel_loop3A_713, %parallel_loop3A_757 : vector<16xi32>
        %parallel_loop3A_759 = arith.constant 0 : i32
        %parallel_loop3A_760 = vector.broadcast %parallel_loop3A_759 : i32 to vector<16xi32>
        %parallel_loop3A_761 = arith.cmpi ne, %parallel_loop3A_758, %parallel_loop3A_760 : vector<16xi32>
        %parallel_loop3A_762 = arith.constant 0 : i32
        %parallel_loop3A_763 = vector.broadcast %parallel_loop3A_762 : i32 to vector<16xi32>
        %parallel_loop3A_764 = arith.cmpi slt, %parallel_loop3A_758, %parallel_loop3A_763 : vector<16xi32>
        %parallel_loop3A_765 = arith.constant 0 : i32
        %parallel_loop3A_766 = arith.cmpi slt, %parallel_loop3A_756, %parallel_loop3A_765 : i32
        %parallel_loop3A_767 = vector.broadcast %parallel_loop3A_766 : i1 to vector<16xi1>
        %parallel_loop3A_768 = vector.broadcast %parallel_loop3A_767 : vector<16xi1> to vector<16xi1>
        %parallel_loop3A_769 = arith.xori %parallel_loop3A_764, %parallel_loop3A_768 : vector<16xi1>
        %parallel_loop3A_770 = arith.andi %parallel_loop3A_769, %parallel_loop3A_761 : vector<16xi1>
        %parallel_loop3A_771 = vector.broadcast %parallel_loop3A_756 : i32 to vector<16xi32>
        %parallel_loop3A_772 = arith.addi %parallel_loop3A_758, %parallel_loop3A_771 : vector<16xi32>
        %parallel_loop3A_773 = arith.select %parallel_loop3A_770, %parallel_loop3A_772, %parallel_loop3A_758 : vector<16xi1>, vector<16xi32>
        %parallel_loop3A_774 = arith.constant 0 : i32
        %parallel_loop3A_775 = arith.constant 0 : i32
        %parallel_loop3A_776 = arith.constant 0 : i32
        %parallel_loop3A_777 = tpu.memref_slice %arg8[%parallel_loop3A_263, %parallel_loop3A_774, %parallel_loop3A_775, %parallel_loop3A_776] : memref<5x8x8x128xf32, #tpu.memory_space<vmem>> -> memref<1x8x8x128xf32, #tpu.memory_space<vmem>>
        %parallel_loop3A_778 = tpu.memref_squeeze %parallel_loop3A_777 : memref<1x8x8x128xf32, #tpu.memory_space<vmem>> -> memref<8x8x128xf32, #tpu.memory_space<vmem>>
        tpu.vector_store_idx %parallel_loop3A_778[%parallel_loop3A_751, %parallel_loop3A_773, %parallel_loop3A_574], %parallel_loop3A_720 : memref<8x8x128xf32, #tpu.memory_space<vmem>>[vector<16xi32>, vector<16xi32>, vector<16xi32>], vector<16xf32>,
        %parallel_loop3A_779 = arith.constant 48 : i32
        %parallel_loop3A_780 = vector.broadcast %parallel_loop3A_779 : i32 to vector<16xi32>
        %parallel_loop3A_781 = arith.addi %parallel_loop3A_780, %iota3A : vector<16xi32>
        %parallel_loop3A_782 = arith.constant 0 : i32
        %parallel_loop3A_783 = arith.constant 0 : i32
        %parallel_loop3A_784 = tpu.memref_slice %arg7[%parallel_loop3A_262, %parallel_loop3A_782, %parallel_loop3A_783] : memref<5x128x64xf32, #tpu.memory_space<vmem>> -> memref<1x128x64xf32, #tpu.memory_space<vmem>>
        %parallel_loop3A_785 = tpu.memref_squeeze %parallel_loop3A_784 : memref<1x128x64xf32, #tpu.memory_space<vmem>> -> memref<128x64xf32, #tpu.memory_space<vmem>>
        %parallel_loop3A_786 = arith.index_cast %parallel_loop3A_569 : i32 to index
        %parallel_loop3A_787 = arith.constant 48 : index
        %parallel_loop3A_788 = tpu.vector_load %parallel_loop3A_785[%parallel_loop3A_786, %parallel_loop3A_787] {strides = array<i32>} : memref<128x64xf32, #tpu.memory_space<vmem>>, vector<16xf32>,
        %parallel_loop3A_789 = arith.constant 8 : i32
        %parallel_loop3A_790 = vector.broadcast %parallel_loop3A_789 : i32 to vector<16xi32>
        %parallel_loop3A_791 = arith.divsi %parallel_loop3A_781, %parallel_loop3A_790 : vector<16xi32>
        %parallel_loop3A_792 = arith.constant 0 : i32
        %parallel_loop3A_793 = vector.broadcast %parallel_loop3A_792 : i32 to vector<16xi32>
        %parallel_loop3A_794 = arith.cmpi sgt, %parallel_loop3A_781, %parallel_loop3A_793 : vector<16xi32>
        %parallel_loop3A_795 = arith.extui %parallel_loop3A_794 : vector<16xi1> to vector<16xi32>
        %parallel_loop3A_796 = arith.constant 0 : i32
        %parallel_loop3A_797 = vector.broadcast %parallel_loop3A_796 : i32 to vector<16xi32>
        %parallel_loop3A_798 = arith.cmpi slt, %parallel_loop3A_781, %parallel_loop3A_797 : vector<16xi32>
        %parallel_loop3A_799 = arith.extui %parallel_loop3A_798 : vector<16xi1> to vector<16xi32>
        %parallel_loop3A_800 = arith.subi %parallel_loop3A_795, %parallel_loop3A_799 : vector<16xi32>
        %parallel_loop3A_801 = arith.constant 0 : i32
        %parallel_loop3A_802 = arith.cmpi sgt, %parallel_loop3A_789, %parallel_loop3A_801 : i32
        %parallel_loop3A_803 = arith.extui %parallel_loop3A_802 : i1 to i32
        %parallel_loop3A_804 = arith.constant 0 : i32
        %parallel_loop3A_805 = arith.cmpi slt, %parallel_loop3A_789, %parallel_loop3A_804 : i32
        %parallel_loop3A_806 = arith.extui %parallel_loop3A_805 : i1 to i32
        %parallel_loop3A_807 = arith.subi %parallel_loop3A_803, %parallel_loop3A_806 : i32
        %parallel_loop3A_808 = vector.broadcast %parallel_loop3A_807 : i32 to vector<16xi32>
        %parallel_loop3A_809 = arith.cmpi ne, %parallel_loop3A_800, %parallel_loop3A_808 : vector<16xi32>
        %parallel_loop3A_810 = vector.broadcast %parallel_loop3A_789 : i32 to vector<16xi32>
        %parallel_loop3A_811 = arith.remsi %parallel_loop3A_781, %parallel_loop3A_810 : vector<16xi32>
        %parallel_loop3A_812 = arith.constant 0 : i32
        %parallel_loop3A_813 = vector.broadcast %parallel_loop3A_812 : i32 to vector<16xi32>
        %parallel_loop3A_814 = arith.cmpi ne, %parallel_loop3A_811, %parallel_loop3A_813 : vector<16xi32>
        %parallel_loop3A_815 = arith.andi %parallel_loop3A_809, %parallel_loop3A_814 : vector<16xi1>
        %parallel_loop3A_816 = arith.constant 1 : i32
        %parallel_loop3A_817 = vector.broadcast %parallel_loop3A_816 : i32 to vector<16xi32>
        %parallel_loop3A_818 = arith.subi %parallel_loop3A_791, %parallel_loop3A_817 : vector<16xi32>
        %parallel_loop3A_819 = arith.select %parallel_loop3A_815, %parallel_loop3A_818, %parallel_loop3A_791 : vector<16xi1>, vector<16xi32>
        %parallel_loop3A_820 = arith.constant 8 : i32
        %parallel_loop3A_821 = arith.constant 0 : i32
        %parallel_loop3A_822 = arith.cmpi eq, %parallel_loop3A_820, %parallel_loop3A_821 : i32
        %parallel_loop3A_823 = arith.constant 1 : i32
        %parallel_loop3A_824 = arith.select %parallel_loop3A_822, %parallel_loop3A_823, %parallel_loop3A_820 : i32
        %parallel_loop3A_825 = vector.broadcast %parallel_loop3A_824 : i32 to vector<16xi32>
        %parallel_loop3A_826 = arith.remsi %parallel_loop3A_781, %parallel_loop3A_825 : vector<16xi32>
        %parallel_loop3A_827 = arith.constant 0 : i32
        %parallel_loop3A_828 = vector.broadcast %parallel_loop3A_827 : i32 to vector<16xi32>
        %parallel_loop3A_829 = arith.cmpi ne, %parallel_loop3A_826, %parallel_loop3A_828 : vector<16xi32>
        %parallel_loop3A_830 = arith.constant 0 : i32
        %parallel_loop3A_831 = vector.broadcast %parallel_loop3A_830 : i32 to vector<16xi32>
        %parallel_loop3A_832 = arith.cmpi slt, %parallel_loop3A_826, %parallel_loop3A_831 : vector<16xi32>
        %parallel_loop3A_833 = arith.constant 0 : i32
        %parallel_loop3A_834 = arith.cmpi slt, %parallel_loop3A_824, %parallel_loop3A_833 : i32
        %parallel_loop3A_835 = vector.broadcast %parallel_loop3A_834 : i1 to vector<16xi1>
        %parallel_loop3A_836 = vector.broadcast %parallel_loop3A_835 : vector<16xi1> to vector<16xi1>
        %parallel_loop3A_837 = arith.xori %parallel_loop3A_832, %parallel_loop3A_836 : vector<16xi1>
        %parallel_loop3A_838 = arith.andi %parallel_loop3A_837, %parallel_loop3A_829 : vector<16xi1>
        %parallel_loop3A_839 = vector.broadcast %parallel_loop3A_824 : i32 to vector<16xi32>
        %parallel_loop3A_840 = arith.addi %parallel_loop3A_826, %parallel_loop3A_839 : vector<16xi32>
        %parallel_loop3A_841 = arith.select %parallel_loop3A_838, %parallel_loop3A_840, %parallel_loop3A_826 : vector<16xi1>, vector<16xi32>
        %parallel_loop3A_842 = arith.constant 0 : i32
        %parallel_loop3A_843 = arith.constant 0 : i32
        %parallel_loop3A_844 = arith.constant 0 : i32
        %parallel_loop3A_845 = tpu.memref_slice %arg8[%parallel_loop3A_263, %parallel_loop3A_842, %parallel_loop3A_843, %parallel_loop3A_844] : memref<5x8x8x128xf32, #tpu.memory_space<vmem>> -> memref<1x8x8x128xf32, #tpu.memory_space<vmem>>
        %parallel_loop3A_846 = tpu.memref_squeeze %parallel_loop3A_845 : memref<1x8x8x128xf32, #tpu.memory_space<vmem>> -> memref<8x8x128xf32, #tpu.memory_space<vmem>>
        tpu.vector_store_idx %parallel_loop3A_846[%parallel_loop3A_819, %parallel_loop3A_841, %parallel_loop3A_574], %parallel_loop3A_788 : memref<8x8x128xf32, #tpu.memory_space<vmem>>[vector<16xi32>, vector<16xi32>, vector<16xi32>], vector<16xf32>,
      } {sc.loop_unroll_factor = 1 : i64, sc.parallel_access}
      %dma_start3A_264 = arith.constant 0 : i32
      %dma_start3A_265 = arith.constant 0 : i32
      %dma_start3A_266 = arith.constant 0 : i32
      %dma_start3A_267 = arith.constant 0 : i32
      %dma_start3A_268 = tpu.memref_slice %arg8[%dma_start3A_264, %dma_start3A_265, %dma_start3A_266, %dma_start3A_267] : memref<5x8x8x128xf32, #tpu.memory_space<vmem>> -> memref<1x8x8x128xf32, #tpu.memory_space<vmem>>
      %dma_start3A_269 = tpu.memref_squeeze %dma_start3A_268 : memref<1x8x8x128xf32, #tpu.memory_space<vmem>> -> memref<8x8x128xf32, #tpu.memory_space<vmem>>
      %dma_start3A_270 = arith.constant 0 : i32
      %dma_start3A_271 = arith.constant 0 : i32
      %dma_start3A_272 = arith.constant 0 : i32
      %dma_start3A_273 = arith.constant 0 : i32
      %dma_start3A_274 = tpu.memref_slice %arg4[%add3A_242, %dma_start3A_270, %dma_start3A_271, %dma_start3A_272, %dma_start3A_273] : memref<50x8x32x8x128xf32, #tpu.memory_space<hbm>> -> memref<1x8x32x8x128xf32, #tpu.memory_space<hbm>>
      %dma_start3A_275 = tpu.memref_squeeze %dma_start3A_274 : memref<1x8x32x8x128xf32, #tpu.memory_space<hbm>> -> memref<8x32x8x128xf32, #tpu.memory_space<hbm>>
      %dma_start3A_276 = arith.constant 0 : i32
      %dma_start3A_277 = arith.constant 0 : i32
      %dma_start3A_278 = arith.constant 0 : i32
      %dma_start3A_279 = tpu.memref_slice %dma_start3A_275[%dma_start3A_276, %add3A, %dma_start3A_277, %dma_start3A_278] : memref<8x32x8x128xf32, #tpu.memory_space<hbm>> -> memref<8x1x8x128xf32, #tpu.memory_space<hbm>>
      %dma_start3A_280 = tpu.memref_squeeze %dma_start3A_279 : memref<8x1x8x128xf32, #tpu.memory_space<hbm>> -> memref<8x8x128xf32, #tpu.memory_space<hbm>>
      %dma_start3A_281 = arith.constant 0 : i32
      %dma_start3A_282 = arith.constant 0 : i32
      %dma_start3A_283 = arith.constant 0 : i32
      %dma_start3A_284 = arith.constant 0 : i32
      %dma_start3A_285 = tpu.memref_slice %arg4[%add3A_242, %dma_start3A_281, %dma_start3A_282, %dma_start3A_283, %dma_start3A_284] : memref<50x8x32x8x128xf32, #tpu.memory_space<hbm>> -> memref<1x8x32x8x128xf32, #tpu.memory_space<hbm>>
      %dma_start3A_286 = tpu.memref_squeeze %dma_start3A_285 : memref<1x8x32x8x128xf32, #tpu.memory_space<hbm>> -> memref<8x32x8x128xf32, #tpu.memory_space<hbm>>
      %dma_start3A_287 = arith.constant 0 : i32
      %dma_start3A_288 = arith.constant 0 : i32
      %dma_start3A_289 = arith.constant 0 : i32
      %dma_start3A_290 = tpu.memref_slice %dma_start3A_286[%dma_start3A_287, %add3A, %dma_start3A_288, %dma_start3A_289] : memref<8x32x8x128xf32, #tpu.memory_space<hbm>> -> memref<8x1x8x128xf32, #tpu.memory_space<hbm>>
      %dma_start3A_291 = tpu.memref_squeeze %dma_start3A_290 : memref<8x1x8x128xf32, #tpu.memory_space<hbm>> -> memref<8x8x128xf32, #tpu.memory_space<hbm>>
      %dma_start3A_292 = arith.constant 0 : i32
      %dma_start3A_293 = arith.constant 0 : i32
      %dma_start3A_294 = arith.constant 0 : i32
      %dma_start3A_295 = tpu.memref_slice %arg8[%dma_start3A_264, %dma_start3A_292, %dma_start3A_293, %dma_start3A_294] : memref<5x8x8x128xf32, #tpu.memory_space<vmem>> -> memref<1x8x8x128xf32, #tpu.memory_space<vmem>>
      %dma_start3A_296 = tpu.memref_squeeze %dma_start3A_295 : memref<1x8x8x128xf32, #tpu.memory_space<vmem>> -> memref<8x8x128xf32, #tpu.memory_space<vmem>>
      tpu.enqueue_dma source(%dma_start3A_296 : memref<8x8x128xf32, #tpu.memory_space<vmem>>) target(%dma_start3A_291 : memref<8x8x128xf32, #tpu.memory_space<hbm>>) target_semaphore(%arg15 : memref<!tpu.dma_semaphore, #tpu.memory_space<semaphore_mem>>)
      %lt3A = arith.constant 9 : i32
      %lt3A_297 = arith.cmpi slt, %add3A_238, %lt3A : i32
      %convert_element_type3A_298 = arith.extui %lt3A_297 : i1 to i32
      %cond3A_299 = arith.constant 0 : i32
      %cond3A_300 = arith.cmpi ne, %convert_element_type3A_298, %cond3A_299 : i32
      scf.if %cond3A_300 {
        %add3A_569 = arith.constant 5 : i32
        %add3A_570 = arith.addi %add3A_242, %add3A_569 : i32
        %mul3A_571 = arith.constant 128 : i32
        %mul3A_572 = arith.muli %add3A_570, %mul3A_571 : i32
        %multiple_of3A_573 = tpu.assume_multiple %mul3A_572, 128 : i32
        %dma_start3A_574 = arith.constant 0 : i32
        %dma_start3A_575 = arith.constant 0 : i32
        %dma_start3A_576 = arith.constant 0 : i32
        %dma_start3A_577 = tpu.memref_slice %arg7[%dma_start3A_574, %dma_start3A_575, %dma_start3A_576] : memref<5x128x64xf32, #tpu.memory_space<vmem>> -> memref<1x128x64xf32, #tpu.memory_space<vmem>>
        %dma_start3A_578 = tpu.memref_squeeze %dma_start3A_577 : memref<1x128x64xf32, #tpu.memory_space<vmem>> -> memref<128x64xf32, #tpu.memory_space<vmem>>
        %dma_start3A_579 = tpu.memref_slice %arg6[%multiple_of3A_573] : memref<6400xi32, #tpu.memory_space<vmem>> -> memref<128xi32, #tpu.memory_space<vmem>>
        %dma_start3A_580 = arith.constant 0 : i32
        %dma_start3A_581 = arith.constant 0 : i32
        %dma_start3A_582 = tpu.memref_slice %arg2[%dma_start3A_580, %dma_start3A_581] : memref<100000x64xf32, #tpu.memory_space<hbm>> -> memref<100000x64xf32, #tpu.memory_space<hbm>>
        tpu.enqueue_indirect_dma source(%dma_start3A_582 : memref<100000x64xf32, #tpu.memory_space<hbm>>) target(%dma_start3A_578 : memref<128x64xf32, #tpu.memory_space<vmem>>) offsets(%dma_start3A_579 : memref<128xi32, #tpu.memory_space<vmem>>) semaphore(%arg10 : memref<!tpu.dma_semaphore, #tpu.memory_space<semaphore_mem>>)
      } else {
      }
      %mul3A_301 = arith.constant 5 : i32
      %mul3A_302 = arith.muli %add3A_238, %mul3A_301 : i32
      %add3A_303 = arith.constant 1 : i32
      %add3A_304 = arith.addi %mul3A_302, %add3A_303 : i32
      %dma_wait3A_305 = arith.constant 1 : i32
      %dma_wait3A_306 = arith.constant 0 : i32
      %dma_wait3A_307 = arith.constant 0 : i32
      %dma_wait3A_308 = tpu.memref_slice %arg7[%dma_wait3A_305, %dma_wait3A_306, %dma_wait3A_307] : memref<5x128x64xf32, #tpu.memory_space<vmem>> -> memref<1x128x64xf32, #tpu.memory_space<vmem>>
      %dma_wait3A_309 = tpu.memref_squeeze %dma_wait3A_308 : memref<1x128x64xf32, #tpu.memory_space<vmem>> -> memref<128x64xf32, #tpu.memory_space<vmem>>
      %dma_wait3A_310 = arith.constant 0 : i32
      %dma_wait3A_311 = arith.constant 0 : i32
      %dma_wait3A_312 = tpu.memref_slice %arg2[%dma_wait3A_310, %dma_wait3A_311] : memref<100000x64xf32, #tpu.memory_space<hbm>> -> memref<128x64xf32, #tpu.memory_space<hbm>>
      %dma_wait3A_313 = arith.constant 0 : i32
      %dma_wait3A_314 = arith.constant 0 : i32
      %dma_wait3A_315 = tpu.memref_slice %arg7[%dma_wait3A_305, %dma_wait3A_313, %dma_wait3A_314] : memref<5x128x64xf32, #tpu.memory_space<vmem>> -> memref<1x128x64xf32, #tpu.memory_space<vmem>>
      %dma_wait3A_316 = tpu.memref_squeeze %dma_wait3A_315 : memref<1x128x64xf32, #tpu.memory_space<vmem>> -> memref<128x64xf32, #tpu.memory_space<vmem>>
      %dma_wait3A_317 = arith.constant 0 : i32
      %dma_wait3A_318 = arith.constant 0 : i32
      %dma_wait3A_319 = tpu.memref_slice %arg2[%dma_wait3A_317, %dma_wait3A_318] : memref<100000x64xf32, #tpu.memory_space<hbm>> -> memref<128x64xf32, #tpu.memory_space<hbm>>
      tpu.wait_dma2 semaphore(%arg11 : memref<!tpu.dma_semaphore, #tpu.memory_space<semaphore_mem>>) src(%dma_wait3A_319 : memref<128x64xf32, #tpu.memory_space<hbm>>) dst(%dma_wait3A_316 : memref<128x64xf32, #tpu.memory_space<vmem>>)
      %gt3A_320 = arith.constant 0 : i32
      %gt3A_321 = arith.cmpi sgt, %add3A_238, %gt3A_320 : i32
      %convert_element_type3A_322 = arith.extui %gt3A_321 : i1 to i32
      %cond3A_323 = arith.constant 0 : i32
      %cond3A_324 = arith.cmpi ne, %convert_element_type3A_322, %cond3A_323 : i32
      scf.if %cond3A_324 {
        %dma_wait3A_569 = arith.constant 1 : i32
        %dma_wait3A_570 = arith.constant 0 : i32
        %dma_wait3A_571 = arith.constant 0 : i32
        %dma_wait3A_572 = arith.constant 0 : i32
        %dma_wait3A_573 = arith.constant 0 : i32
        %dma_wait3A_574 = tpu.memref_slice %arg8[%dma_wait3A_569, %dma_wait3A_571, %dma_wait3A_572, %dma_wait3A_573] : memref<5x8x8x128xf32, #tpu.memory_space<vmem>> -> memref<1x8x8x128xf32, #tpu.memory_space<vmem>>
        %dma_wait3A_575 = tpu.memref_squeeze %dma_wait3A_574 : memref<1x8x8x128xf32, #tpu.memory_space<vmem>> -> memref<8x8x128xf32, #tpu.memory_space<vmem>>
        %dma_wait3A_576 = arith.constant 0 : i32
        %dma_wait3A_577 = arith.constant 0 : i32
        %dma_wait3A_578 = arith.constant 0 : i32
        %dma_wait3A_579 = arith.constant 0 : i32
        %dma_wait3A_580 = tpu.memref_slice %arg4[%dma_wait3A_570, %dma_wait3A_576, %dma_wait3A_577, %dma_wait3A_578, %dma_wait3A_579] : memref<50x8x32x8x128xf32, #tpu.memory_space<hbm>> -> memref<1x8x32x8x128xf32, #tpu.memory_space<hbm>>
        %dma_wait3A_581 = tpu.memref_squeeze %dma_wait3A_580 : memref<1x8x32x8x128xf32, #tpu.memory_space<hbm>> -> memref<8x32x8x128xf32, #tpu.memory_space<hbm>>
        %dma_wait3A_582 = arith.constant 0 : i32
        %dma_wait3A_583 = arith.constant 0 : i32
        %dma_wait3A_584 = arith.constant 0 : i32
        %dma_wait3A_585 = tpu.memref_slice %dma_wait3A_581[%dma_wait3A_582, %add3A, %dma_wait3A_583, %dma_wait3A_584] : memref<8x32x8x128xf32, #tpu.memory_space<hbm>> -> memref<8x1x8x128xf32, #tpu.memory_space<hbm>>
        %dma_wait3A_586 = tpu.memref_squeeze %dma_wait3A_585 : memref<8x1x8x128xf32, #tpu.memory_space<hbm>> -> memref<8x8x128xf32, #tpu.memory_space<hbm>>
        %dma_wait3A_587 = arith.constant 0 : i32
        %dma_wait3A_588 = arith.constant 0 : i32
        %dma_wait3A_589 = arith.constant 0 : i32
        %dma_wait3A_590 = arith.constant 0 : i32
        %dma_wait3A_591 = tpu.memref_slice %arg4[%dma_wait3A_570, %dma_wait3A_587, %dma_wait3A_588, %dma_wait3A_589, %dma_wait3A_590] : memref<50x8x32x8x128xf32, #tpu.memory_space<hbm>> -> memref<1x8x32x8x128xf32, #tpu.memory_space<hbm>>
        %dma_wait3A_592 = tpu.memref_squeeze %dma_wait3A_591 : memref<1x8x32x8x128xf32, #tpu.memory_space<hbm>> -> memref<8x32x8x128xf32, #tpu.memory_space<hbm>>
        %dma_wait3A_593 = arith.constant 0 : i32
        %dma_wait3A_594 = arith.constant 0 : i32
        %dma_wait3A_595 = arith.constant 0 : i32
        %dma_wait3A_596 = tpu.memref_slice %dma_wait3A_592[%dma_wait3A_593, %add3A, %dma_wait3A_594, %dma_wait3A_595] : memref<8x32x8x128xf32, #tpu.memory_space<hbm>> -> memref<8x1x8x128xf32, #tpu.memory_space<hbm>>
        %dma_wait3A_597 = tpu.memref_squeeze %dma_wait3A_596 : memref<8x1x8x128xf32, #tpu.memory_space<hbm>> -> memref<8x8x128xf32, #tpu.memory_space<hbm>>
        %dma_wait3A_598 = arith.constant 0 : i32
        %dma_wait3A_599 = arith.constant 0 : i32
        %dma_wait3A_600 = arith.constant 0 : i32
        %dma_wait3A_601 = tpu.memref_slice %arg8[%dma_wait3A_569, %dma_wait3A_598, %dma_wait3A_599, %dma_wait3A_600] : memref<5x8x8x128xf32, #tpu.memory_space<vmem>> -> memref<1x8x8x128xf32, #tpu.memory_space<vmem>>
        %dma_wait3A_602 = tpu.memref_squeeze %dma_wait3A_601 : memref<1x8x8x128xf32, #tpu.memory_space<vmem>> -> memref<8x8x128xf32, #tpu.memory_space<vmem>>
        tpu.wait_dma2 semaphore(%arg16 : memref<!tpu.dma_semaphore, #tpu.memory_space<semaphore_mem>>) src(%dma_wait3A_602 : memref<8x8x128xf32, #tpu.memory_space<vmem>>) dst(%dma_wait3A_597 : memref<8x8x128xf32, #tpu.memory_space<hbm>>)
      } else {
      }
      %parallel_loop3A_325 = arith.constant 0 : i32
      %parallel_loop3A_326 = arith.constant 128 : i32
      %parallel_loop3A_327 = arith.constant 1 : i32
      %parallel_loop3A_328 = arith.constant 1 : i32
      %parallel_loop3A_329 = arith.constant 1 : i32
      scf.for %parallel_loop3A_569 = %parallel_loop3A_325 to %parallel_loop3A_326 step %parallel_loop3A_327  : i32 {
        %parallel_loop3A_570 = arith.constant 0 : i32
        %parallel_loop3A_571 = vector.broadcast %parallel_loop3A_570 : i32 to vector<16xi32>
        %parallel_loop3A_572 = arith.muli %iota3A, %parallel_loop3A_571 : vector<16xi32>
        %parallel_loop3A_573 = vector.broadcast %parallel_loop3A_569 : i32 to vector<16xi32>
        %parallel_loop3A_574 = arith.addi %parallel_loop3A_572, %parallel_loop3A_573 : vector<16xi32>
        %parallel_loop3A_575 = arith.constant 0 : i32
        %parallel_loop3A_576 = vector.broadcast %parallel_loop3A_575 : i32 to vector<16xi32>
        %parallel_loop3A_577 = arith.addi %parallel_loop3A_576, %iota3A : vector<16xi32>
        %parallel_loop3A_578 = arith.constant 0 : i32
        %parallel_loop3A_579 = arith.constant 0 : i32
        %parallel_loop3A_580 = tpu.memref_slice %arg7[%parallel_loop3A_328, %parallel_loop3A_578, %parallel_loop3A_579] : memref<5x128x64xf32, #tpu.memory_space<vmem>> -> memref<1x128x64xf32, #tpu.memory_space<vmem>>
        %parallel_loop3A_581 = tpu.memref_squeeze %parallel_loop3A_580 : memref<1x128x64xf32, #tpu.memory_space<vmem>> -> memref<128x64xf32, #tpu.memory_space<vmem>>
        %parallel_loop3A_582 = arith.index_cast %parallel_loop3A_569 : i32 to index
        %parallel_loop3A_583 = arith.constant 0 : index
        %parallel_loop3A_584 = tpu.vector_load %parallel_loop3A_581[%parallel_loop3A_582, %parallel_loop3A_583] {strides = array<i32>} : memref<128x64xf32, #tpu.memory_space<vmem>>, vector<16xf32>,
        %parallel_loop3A_585 = arith.constant 8 : i32
        %parallel_loop3A_586 = vector.broadcast %parallel_loop3A_585 : i32 to vector<16xi32>
        %parallel_loop3A_587 = arith.divsi %parallel_loop3A_577, %parallel_loop3A_586 : vector<16xi32>
        %parallel_loop3A_588 = arith.constant 0 : i32
        %parallel_loop3A_589 = vector.broadcast %parallel_loop3A_588 : i32 to vector<16xi32>
        %parallel_loop3A_590 = arith.cmpi sgt, %parallel_loop3A_577, %parallel_loop3A_589 : vector<16xi32>
        %parallel_loop3A_591 = arith.extui %parallel_loop3A_590 : vector<16xi1> to vector<16xi32>
        %parallel_loop3A_592 = arith.constant 0 : i32
        %parallel_loop3A_593 = vector.broadcast %parallel_loop3A_592 : i32 to vector<16xi32>
        %parallel_loop3A_594 = arith.cmpi slt, %parallel_loop3A_577, %parallel_loop3A_593 : vector<16xi32>
        %parallel_loop3A_595 = arith.extui %parallel_loop3A_594 : vector<16xi1> to vector<16xi32>
        %parallel_loop3A_596 = arith.subi %parallel_loop3A_591, %parallel_loop3A_595 : vector<16xi32>
        %parallel_loop3A_597 = arith.constant 0 : i32
        %parallel_loop3A_598 = arith.cmpi sgt, %parallel_loop3A_585, %parallel_loop3A_597 : i32
        %parallel_loop3A_599 = arith.extui %parallel_loop3A_598 : i1 to i32
        %parallel_loop3A_600 = arith.constant 0 : i32
        %parallel_loop3A_601 = arith.cmpi slt, %parallel_loop3A_585, %parallel_loop3A_600 : i32
        %parallel_loop3A_602 = arith.extui %parallel_loop3A_601 : i1 to i32
        %parallel_loop3A_603 = arith.subi %parallel_loop3A_599, %parallel_loop3A_602 : i32
        %parallel_loop3A_604 = vector.broadcast %parallel_loop3A_603 : i32 to vector<16xi32>
        %parallel_loop3A_605 = arith.cmpi ne, %parallel_loop3A_596, %parallel_loop3A_604 : vector<16xi32>
        %parallel_loop3A_606 = vector.broadcast %parallel_loop3A_585 : i32 to vector<16xi32>
        %parallel_loop3A_607 = arith.remsi %parallel_loop3A_577, %parallel_loop3A_606 : vector<16xi32>
        %parallel_loop3A_608 = arith.constant 0 : i32
        %parallel_loop3A_609 = vector.broadcast %parallel_loop3A_608 : i32 to vector<16xi32>
        %parallel_loop3A_610 = arith.cmpi ne, %parallel_loop3A_607, %parallel_loop3A_609 : vector<16xi32>
        %parallel_loop3A_611 = arith.andi %parallel_loop3A_605, %parallel_loop3A_610 : vector<16xi1>
        %parallel_loop3A_612 = arith.constant 1 : i32
        %parallel_loop3A_613 = vector.broadcast %parallel_loop3A_612 : i32 to vector<16xi32>
        %parallel_loop3A_614 = arith.subi %parallel_loop3A_587, %parallel_loop3A_613 : vector<16xi32>
        %parallel_loop3A_615 = arith.select %parallel_loop3A_611, %parallel_loop3A_614, %parallel_loop3A_587 : vector<16xi1>, vector<16xi32>
        %parallel_loop3A_616 = arith.constant 8 : i32
        %parallel_loop3A_617 = arith.constant 0 : i32
        %parallel_loop3A_618 = arith.cmpi eq, %parallel_loop3A_616, %parallel_loop3A_617 : i32
        %parallel_loop3A_619 = arith.constant 1 : i32
        %parallel_loop3A_620 = arith.select %parallel_loop3A_618, %parallel_loop3A_619, %parallel_loop3A_616 : i32
        %parallel_loop3A_621 = vector.broadcast %parallel_loop3A_620 : i32 to vector<16xi32>
        %parallel_loop3A_622 = arith.remsi %parallel_loop3A_577, %parallel_loop3A_621 : vector<16xi32>
        %parallel_loop3A_623 = arith.constant 0 : i32
        %parallel_loop3A_624 = vector.broadcast %parallel_loop3A_623 : i32 to vector<16xi32>
        %parallel_loop3A_625 = arith.cmpi ne, %parallel_loop3A_622, %parallel_loop3A_624 : vector<16xi32>
        %parallel_loop3A_626 = arith.constant 0 : i32
        %parallel_loop3A_627 = vector.broadcast %parallel_loop3A_626 : i32 to vector<16xi32>
        %parallel_loop3A_628 = arith.cmpi slt, %parallel_loop3A_622, %parallel_loop3A_627 : vector<16xi32>
        %parallel_loop3A_629 = arith.constant 0 : i32
        %parallel_loop3A_630 = arith.cmpi slt, %parallel_loop3A_620, %parallel_loop3A_629 : i32
        %parallel_loop3A_631 = vector.broadcast %parallel_loop3A_630 : i1 to vector<16xi1>
        %parallel_loop3A_632 = vector.broadcast %parallel_loop3A_631 : vector<16xi1> to vector<16xi1>
        %parallel_loop3A_633 = arith.xori %parallel_loop3A_628, %parallel_loop3A_632 : vector<16xi1>
        %parallel_loop3A_634 = arith.andi %parallel_loop3A_633, %parallel_loop3A_625 : vector<16xi1>
        %parallel_loop3A_635 = vector.broadcast %parallel_loop3A_620 : i32 to vector<16xi32>
        %parallel_loop3A_636 = arith.addi %parallel_loop3A_622, %parallel_loop3A_635 : vector<16xi32>
        %parallel_loop3A_637 = arith.select %parallel_loop3A_634, %parallel_loop3A_636, %parallel_loop3A_622 : vector<16xi1>, vector<16xi32>
        %parallel_loop3A_638 = arith.constant 0 : i32
        %parallel_loop3A_639 = arith.constant 0 : i32
        %parallel_loop3A_640 = arith.constant 0 : i32
        %parallel_loop3A_641 = tpu.memref_slice %arg8[%parallel_loop3A_329, %parallel_loop3A_638, %parallel_loop3A_639, %parallel_loop3A_640] : memref<5x8x8x128xf32, #tpu.memory_space<vmem>> -> memref<1x8x8x128xf32, #tpu.memory_space<vmem>>
        %parallel_loop3A_642 = tpu.memref_squeeze %parallel_loop3A_641 : memref<1x8x8x128xf32, #tpu.memory_space<vmem>> -> memref<8x8x128xf32, #tpu.memory_space<vmem>>
        tpu.vector_store_idx %parallel_loop3A_642[%parallel_loop3A_615, %parallel_loop3A_637, %parallel_loop3A_574], %parallel_loop3A_584 : memref<8x8x128xf32, #tpu.memory_space<vmem>>[vector<16xi32>, vector<16xi32>, vector<16xi32>], vector<16xf32>,
        %parallel_loop3A_643 = arith.constant 16 : i32
        %parallel_loop3A_644 = vector.broadcast %parallel_loop3A_643 : i32 to vector<16xi32>
        %parallel_loop3A_645 = arith.addi %parallel_loop3A_644, %iota3A : vector<16xi32>
        %parallel_loop3A_646 = arith.constant 0 : i32
        %parallel_loop3A_647 = arith.constant 0 : i32
        %parallel_loop3A_648 = tpu.memref_slice %arg7[%parallel_loop3A_328, %parallel_loop3A_646, %parallel_loop3A_647] : memref<5x128x64xf32, #tpu.memory_space<vmem>> -> memref<1x128x64xf32, #tpu.memory_space<vmem>>
        %parallel_loop3A_649 = tpu.memref_squeeze %parallel_loop3A_648 : memref<1x128x64xf32, #tpu.memory_space<vmem>> -> memref<128x64xf32, #tpu.memory_space<vmem>>
        %parallel_loop3A_650 = arith.index_cast %parallel_loop3A_569 : i32 to index
        %parallel_loop3A_651 = arith.constant 16 : index
        %parallel_loop3A_652 = tpu.vector_load %parallel_loop3A_649[%parallel_loop3A_650, %parallel_loop3A_651] {strides = array<i32>} : memref<128x64xf32, #tpu.memory_space<vmem>>, vector<16xf32>,
        %parallel_loop3A_653 = arith.constant 8 : i32
        %parallel_loop3A_654 = vector.broadcast %parallel_loop3A_653 : i32 to vector<16xi32>
        %parallel_loop3A_655 = arith.divsi %parallel_loop3A_645, %parallel_loop3A_654 : vector<16xi32>
        %parallel_loop3A_656 = arith.constant 0 : i32
        %parallel_loop3A_657 = vector.broadcast %parallel_loop3A_656 : i32 to vector<16xi32>
        %parallel_loop3A_658 = arith.cmpi sgt, %parallel_loop3A_645, %parallel_loop3A_657 : vector<16xi32>
        %parallel_loop3A_659 = arith.extui %parallel_loop3A_658 : vector<16xi1> to vector<16xi32>
        %parallel_loop3A_660 = arith.constant 0 : i32
        %parallel_loop3A_661 = vector.broadcast %parallel_loop3A_660 : i32 to vector<16xi32>
        %parallel_loop3A_662 = arith.cmpi slt, %parallel_loop3A_645, %parallel_loop3A_661 : vector<16xi32>
        %parallel_loop3A_663 = arith.extui %parallel_loop3A_662 : vector<16xi1> to vector<16xi32>
        %parallel_loop3A_664 = arith.subi %parallel_loop3A_659, %parallel_loop3A_663 : vector<16xi32>
        %parallel_loop3A_665 = arith.constant 0 : i32
        %parallel_loop3A_666 = arith.cmpi sgt, %parallel_loop3A_653, %parallel_loop3A_665 : i32
        %parallel_loop3A_667 = arith.extui %parallel_loop3A_666 : i1 to i32
        %parallel_loop3A_668 = arith.constant 0 : i32
        %parallel_loop3A_669 = arith.cmpi slt, %parallel_loop3A_653, %parallel_loop3A_668 : i32
        %parallel_loop3A_670 = arith.extui %parallel_loop3A_669 : i1 to i32
        %parallel_loop3A_671 = arith.subi %parallel_loop3A_667, %parallel_loop3A_670 : i32
        %parallel_loop3A_672 = vector.broadcast %parallel_loop3A_671 : i32 to vector<16xi32>
        %parallel_loop3A_673 = arith.cmpi ne, %parallel_loop3A_664, %parallel_loop3A_672 : vector<16xi32>
        %parallel_loop3A_674 = vector.broadcast %parallel_loop3A_653 : i32 to vector<16xi32>
        %parallel_loop3A_675 = arith.remsi %parallel_loop3A_645, %parallel_loop3A_674 : vector<16xi32>
        %parallel_loop3A_676 = arith.constant 0 : i32
        %parallel_loop3A_677 = vector.broadcast %parallel_loop3A_676 : i32 to vector<16xi32>
        %parallel_loop3A_678 = arith.cmpi ne, %parallel_loop3A_675, %parallel_loop3A_677 : vector<16xi32>
        %parallel_loop3A_679 = arith.andi %parallel_loop3A_673, %parallel_loop3A_678 : vector<16xi1>
        %parallel_loop3A_680 = arith.constant 1 : i32
        %parallel_loop3A_681 = vector.broadcast %parallel_loop3A_680 : i32 to vector<16xi32>
        %parallel_loop3A_682 = arith.subi %parallel_loop3A_655, %parallel_loop3A_681 : vector<16xi32>
        %parallel_loop3A_683 = arith.select %parallel_loop3A_679, %parallel_loop3A_682, %parallel_loop3A_655 : vector<16xi1>, vector<16xi32>
        %parallel_loop3A_684 = arith.constant 8 : i32
        %parallel_loop3A_685 = arith.constant 0 : i32
        %parallel_loop3A_686 = arith.cmpi eq, %parallel_loop3A_684, %parallel_loop3A_685 : i32
        %parallel_loop3A_687 = arith.constant 1 : i32
        %parallel_loop3A_688 = arith.select %parallel_loop3A_686, %parallel_loop3A_687, %parallel_loop3A_684 : i32
        %parallel_loop3A_689 = vector.broadcast %parallel_loop3A_688 : i32 to vector<16xi32>
        %parallel_loop3A_690 = arith.remsi %parallel_loop3A_645, %parallel_loop3A_689 : vector<16xi32>
        %parallel_loop3A_691 = arith.constant 0 : i32
        %parallel_loop3A_692 = vector.broadcast %parallel_loop3A_691 : i32 to vector<16xi32>
        %parallel_loop3A_693 = arith.cmpi ne, %parallel_loop3A_690, %parallel_loop3A_692 : vector<16xi32>
        %parallel_loop3A_694 = arith.constant 0 : i32
        %parallel_loop3A_695 = vector.broadcast %parallel_loop3A_694 : i32 to vector<16xi32>
        %parallel_loop3A_696 = arith.cmpi slt, %parallel_loop3A_690, %parallel_loop3A_695 : vector<16xi32>
        %parallel_loop3A_697 = arith.constant 0 : i32
        %parallel_loop3A_698 = arith.cmpi slt, %parallel_loop3A_688, %parallel_loop3A_697 : i32
        %parallel_loop3A_699 = vector.broadcast %parallel_loop3A_698 : i1 to vector<16xi1>
        %parallel_loop3A_700 = vector.broadcast %parallel_loop3A_699 : vector<16xi1> to vector<16xi1>
        %parallel_loop3A_701 = arith.xori %parallel_loop3A_696, %parallel_loop3A_700 : vector<16xi1>
        %parallel_loop3A_702 = arith.andi %parallel_loop3A_701, %parallel_loop3A_693 : vector<16xi1>
        %parallel_loop3A_703 = vector.broadcast %parallel_loop3A_688 : i32 to vector<16xi32>
        %parallel_loop3A_704 = arith.addi %parallel_loop3A_690, %parallel_loop3A_703 : vector<16xi32>
        %parallel_loop3A_705 = arith.select %parallel_loop3A_702, %parallel_loop3A_704, %parallel_loop3A_690 : vector<16xi1>, vector<16xi32>
        %parallel_loop3A_706 = arith.constant 0 : i32
        %parallel_loop3A_707 = arith.constant 0 : i32
        %parallel_loop3A_708 = arith.constant 0 : i32
        %parallel_loop3A_709 = tpu.memref_slice %arg8[%parallel_loop3A_329, %parallel_loop3A_706, %parallel_loop3A_707, %parallel_loop3A_708] : memref<5x8x8x128xf32, #tpu.memory_space<vmem>> -> memref<1x8x8x128xf32, #tpu.memory_space<vmem>>
        %parallel_loop3A_710 = tpu.memref_squeeze %parallel_loop3A_709 : memref<1x8x8x128xf32, #tpu.memory_space<vmem>> -> memref<8x8x128xf32, #tpu.memory_space<vmem>>
        tpu.vector_store_idx %parallel_loop3A_710[%parallel_loop3A_683, %parallel_loop3A_705, %parallel_loop3A_574], %parallel_loop3A_652 : memref<8x8x128xf32, #tpu.memory_space<vmem>>[vector<16xi32>, vector<16xi32>, vector<16xi32>], vector<16xf32>,
        %parallel_loop3A_711 = arith.constant 32 : i32
        %parallel_loop3A_712 = vector.broadcast %parallel_loop3A_711 : i32 to vector<16xi32>
        %parallel_loop3A_713 = arith.addi %parallel_loop3A_712, %iota3A : vector<16xi32>
        %parallel_loop3A_714 = arith.constant 0 : i32
        %parallel_loop3A_715 = arith.constant 0 : i32
        %parallel_loop3A_716 = tpu.memref_slice %arg7[%parallel_loop3A_328, %parallel_loop3A_714, %parallel_loop3A_715] : memref<5x128x64xf32, #tpu.memory_space<vmem>> -> memref<1x128x64xf32, #tpu.memory_space<vmem>>
        %parallel_loop3A_717 = tpu.memref_squeeze %parallel_loop3A_716 : memref<1x128x64xf32, #tpu.memory_space<vmem>> -> memref<128x64xf32, #tpu.memory_space<vmem>>
        %parallel_loop3A_718 = arith.index_cast %parallel_loop3A_569 : i32 to index
        %parallel_loop3A_719 = arith.constant 32 : index
        %parallel_loop3A_720 = tpu.vector_load %parallel_loop3A_717[%parallel_loop3A_718, %parallel_loop3A_719] {strides = array<i32>} : memref<128x64xf32, #tpu.memory_space<vmem>>, vector<16xf32>,
        %parallel_loop3A_721 = arith.constant 8 : i32
        %parallel_loop3A_722 = vector.broadcast %parallel_loop3A_721 : i32 to vector<16xi32>
        %parallel_loop3A_723 = arith.divsi %parallel_loop3A_713, %parallel_loop3A_722 : vector<16xi32>
        %parallel_loop3A_724 = arith.constant 0 : i32
        %parallel_loop3A_725 = vector.broadcast %parallel_loop3A_724 : i32 to vector<16xi32>
        %parallel_loop3A_726 = arith.cmpi sgt, %parallel_loop3A_713, %parallel_loop3A_725 : vector<16xi32>
        %parallel_loop3A_727 = arith.extui %parallel_loop3A_726 : vector<16xi1> to vector<16xi32>
        %parallel_loop3A_728 = arith.constant 0 : i32
        %parallel_loop3A_729 = vector.broadcast %parallel_loop3A_728 : i32 to vector<16xi32>
        %parallel_loop3A_730 = arith.cmpi slt, %parallel_loop3A_713, %parallel_loop3A_729 : vector<16xi32>
        %parallel_loop3A_731 = arith.extui %parallel_loop3A_730 : vector<16xi1> to vector<16xi32>
        %parallel_loop3A_732 = arith.subi %parallel_loop3A_727, %parallel_loop3A_731 : vector<16xi32>
        %parallel_loop3A_733 = arith.constant 0 : i32
        %parallel_loop3A_734 = arith.cmpi sgt, %parallel_loop3A_721, %parallel_loop3A_733 : i32
        %parallel_loop3A_735 = arith.extui %parallel_loop3A_734 : i1 to i32
        %parallel_loop3A_736 = arith.constant 0 : i32
        %parallel_loop3A_737 = arith.cmpi slt, %parallel_loop3A_721, %parallel_loop3A_736 : i32
        %parallel_loop3A_738 = arith.extui %parallel_loop3A_737 : i1 to i32
        %parallel_loop3A_739 = arith.subi %parallel_loop3A_735, %parallel_loop3A_738 : i32
        %parallel_loop3A_740 = vector.broadcast %parallel_loop3A_739 : i32 to vector<16xi32>
        %parallel_loop3A_741 = arith.cmpi ne, %parallel_loop3A_732, %parallel_loop3A_740 : vector<16xi32>
        %parallel_loop3A_742 = vector.broadcast %parallel_loop3A_721 : i32 to vector<16xi32>
        %parallel_loop3A_743 = arith.remsi %parallel_loop3A_713, %parallel_loop3A_742 : vector<16xi32>
        %parallel_loop3A_744 = arith.constant 0 : i32
        %parallel_loop3A_745 = vector.broadcast %parallel_loop3A_744 : i32 to vector<16xi32>
        %parallel_loop3A_746 = arith.cmpi ne, %parallel_loop3A_743, %parallel_loop3A_745 : vector<16xi32>
        %parallel_loop3A_747 = arith.andi %parallel_loop3A_741, %parallel_loop3A_746 : vector<16xi1>
        %parallel_loop3A_748 = arith.constant 1 : i32
        %parallel_loop3A_749 = vector.broadcast %parallel_loop3A_748 : i32 to vector<16xi32>
        %parallel_loop3A_750 = arith.subi %parallel_loop3A_723, %parallel_loop3A_749 : vector<16xi32>
        %parallel_loop3A_751 = arith.select %parallel_loop3A_747, %parallel_loop3A_750, %parallel_loop3A_723 : vector<16xi1>, vector<16xi32>
        %parallel_loop3A_752 = arith.constant 8 : i32
        %parallel_loop3A_753 = arith.constant 0 : i32
        %parallel_loop3A_754 = arith.cmpi eq, %parallel_loop3A_752, %parallel_loop3A_753 : i32
        %parallel_loop3A_755 = arith.constant 1 : i32
        %parallel_loop3A_756 = arith.select %parallel_loop3A_754, %parallel_loop3A_755, %parallel_loop3A_752 : i32
        %parallel_loop3A_757 = vector.broadcast %parallel_loop3A_756 : i32 to vector<16xi32>
        %parallel_loop3A_758 = arith.remsi %parallel_loop3A_713, %parallel_loop3A_757 : vector<16xi32>
        %parallel_loop3A_759 = arith.constant 0 : i32
        %parallel_loop3A_760 = vector.broadcast %parallel_loop3A_759 : i32 to vector<16xi32>
        %parallel_loop3A_761 = arith.cmpi ne, %parallel_loop3A_758, %parallel_loop3A_760 : vector<16xi32>
        %parallel_loop3A_762 = arith.constant 0 : i32
        %parallel_loop3A_763 = vector.broadcast %parallel_loop3A_762 : i32 to vector<16xi32>
        %parallel_loop3A_764 = arith.cmpi slt, %parallel_loop3A_758, %parallel_loop3A_763 : vector<16xi32>
        %parallel_loop3A_765 = arith.constant 0 : i32
        %parallel_loop3A_766 = arith.cmpi slt, %parallel_loop3A_756, %parallel_loop3A_765 : i32
        %parallel_loop3A_767 = vector.broadcast %parallel_loop3A_766 : i1 to vector<16xi1>
        %parallel_loop3A_768 = vector.broadcast %parallel_loop3A_767 : vector<16xi1> to vector<16xi1>
        %parallel_loop3A_769 = arith.xori %parallel_loop3A_764, %parallel_loop3A_768 : vector<16xi1>
        %parallel_loop3A_770 = arith.andi %parallel_loop3A_769, %parallel_loop3A_761 : vector<16xi1>
        %parallel_loop3A_771 = vector.broadcast %parallel_loop3A_756 : i32 to vector<16xi32>
        %parallel_loop3A_772 = arith.addi %parallel_loop3A_758, %parallel_loop3A_771 : vector<16xi32>
        %parallel_loop3A_773 = arith.select %parallel_loop3A_770, %parallel_loop3A_772, %parallel_loop3A_758 : vector<16xi1>, vector<16xi32>
        %parallel_loop3A_774 = arith.constant 0 : i32
        %parallel_loop3A_775 = arith.constant 0 : i32
        %parallel_loop3A_776 = arith.constant 0 : i32
        %parallel_loop3A_777 = tpu.memref_slice %arg8[%parallel_loop3A_329, %parallel_loop3A_774, %parallel_loop3A_775, %parallel_loop3A_776] : memref<5x8x8x128xf32, #tpu.memory_space<vmem>> -> memref<1x8x8x128xf32, #tpu.memory_space<vmem>>
        %parallel_loop3A_778 = tpu.memref_squeeze %parallel_loop3A_777 : memref<1x8x8x128xf32, #tpu.memory_space<vmem>> -> memref<8x8x128xf32, #tpu.memory_space<vmem>>
        tpu.vector_store_idx %parallel_loop3A_778[%parallel_loop3A_751, %parallel_loop3A_773, %parallel_loop3A_574], %parallel_loop3A_720 : memref<8x8x128xf32, #tpu.memory_space<vmem>>[vector<16xi32>, vector<16xi32>, vector<16xi32>], vector<16xf32>,
        %parallel_loop3A_779 = arith.constant 48 : i32
        %parallel_loop3A_780 = vector.broadcast %parallel_loop3A_779 : i32 to vector<16xi32>
        %parallel_loop3A_781 = arith.addi %parallel_loop3A_780, %iota3A : vector<16xi32>
        %parallel_loop3A_782 = arith.constant 0 : i32
        %parallel_loop3A_783 = arith.constant 0 : i32
        %parallel_loop3A_784 = tpu.memref_slice %arg7[%parallel_loop3A_328, %parallel_loop3A_782, %parallel_loop3A_783] : memref<5x128x64xf32, #tpu.memory_space<vmem>> -> memref<1x128x64xf32, #tpu.memory_space<vmem>>
        %parallel_loop3A_785 = tpu.memref_squeeze %parallel_loop3A_784 : memref<1x128x64xf32, #tpu.memory_space<vmem>> -> memref<128x64xf32, #tpu.memory_space<vmem>>
        %parallel_loop3A_786 = arith.index_cast %parallel_loop3A_569 : i32 to index
        %parallel_loop3A_787 = arith.constant 48 : index
        %parallel_loop3A_788 = tpu.vector_load %parallel_loop3A_785[%parallel_loop3A_786, %parallel_loop3A_787] {strides = array<i32>} : memref<128x64xf32, #tpu.memory_space<vmem>>, vector<16xf32>,
        %parallel_loop3A_789 = arith.constant 8 : i32
        %parallel_loop3A_790 = vector.broadcast %parallel_loop3A_789 : i32 to vector<16xi32>
        %parallel_loop3A_791 = arith.divsi %parallel_loop3A_781, %parallel_loop3A_790 : vector<16xi32>
        %parallel_loop3A_792 = arith.constant 0 : i32
        %parallel_loop3A_793 = vector.broadcast %parallel_loop3A_792 : i32 to vector<16xi32>
        %parallel_loop3A_794 = arith.cmpi sgt, %parallel_loop3A_781, %parallel_loop3A_793 : vector<16xi32>
        %parallel_loop3A_795 = arith.extui %parallel_loop3A_794 : vector<16xi1> to vector<16xi32>
        %parallel_loop3A_796 = arith.constant 0 : i32
        %parallel_loop3A_797 = vector.broadcast %parallel_loop3A_796 : i32 to vector<16xi32>
        %parallel_loop3A_798 = arith.cmpi slt, %parallel_loop3A_781, %parallel_loop3A_797 : vector<16xi32>
        %parallel_loop3A_799 = arith.extui %parallel_loop3A_798 : vector<16xi1> to vector<16xi32>
        %parallel_loop3A_800 = arith.subi %parallel_loop3A_795, %parallel_loop3A_799 : vector<16xi32>
        %parallel_loop3A_801 = arith.constant 0 : i32
        %parallel_loop3A_802 = arith.cmpi sgt, %parallel_loop3A_789, %parallel_loop3A_801 : i32
        %parallel_loop3A_803 = arith.extui %parallel_loop3A_802 : i1 to i32
        %parallel_loop3A_804 = arith.constant 0 : i32
        %parallel_loop3A_805 = arith.cmpi slt, %parallel_loop3A_789, %parallel_loop3A_804 : i32
        %parallel_loop3A_806 = arith.extui %parallel_loop3A_805 : i1 to i32
        %parallel_loop3A_807 = arith.subi %parallel_loop3A_803, %parallel_loop3A_806 : i32
        %parallel_loop3A_808 = vector.broadcast %parallel_loop3A_807 : i32 to vector<16xi32>
        %parallel_loop3A_809 = arith.cmpi ne, %parallel_loop3A_800, %parallel_loop3A_808 : vector<16xi32>
        %parallel_loop3A_810 = vector.broadcast %parallel_loop3A_789 : i32 to vector<16xi32>
        %parallel_loop3A_811 = arith.remsi %parallel_loop3A_781, %parallel_loop3A_810 : vector<16xi32>
        %parallel_loop3A_812 = arith.constant 0 : i32
        %parallel_loop3A_813 = vector.broadcast %parallel_loop3A_812 : i32 to vector<16xi32>
        %parallel_loop3A_814 = arith.cmpi ne, %parallel_loop3A_811, %parallel_loop3A_813 : vector<16xi32>
        %parallel_loop3A_815 = arith.andi %parallel_loop3A_809, %parallel_loop3A_814 : vector<16xi1>
        %parallel_loop3A_816 = arith.constant 1 : i32
        %parallel_loop3A_817 = vector.broadcast %parallel_loop3A_816 : i32 to vector<16xi32>
        %parallel_loop3A_818 = arith.subi %parallel_loop3A_791, %parallel_loop3A_817 : vector<16xi32>
        %parallel_loop3A_819 = arith.select %parallel_loop3A_815, %parallel_loop3A_818, %parallel_loop3A_791 : vector<16xi1>, vector<16xi32>
        %parallel_loop3A_820 = arith.constant 8 : i32
        %parallel_loop3A_821 = arith.constant 0 : i32
        %parallel_loop3A_822 = arith.cmpi eq, %parallel_loop3A_820, %parallel_loop3A_821 : i32
        %parallel_loop3A_823 = arith.constant 1 : i32
        %parallel_loop3A_824 = arith.select %parallel_loop3A_822, %parallel_loop3A_823, %parallel_loop3A_820 : i32
        %parallel_loop3A_825 = vector.broadcast %parallel_loop3A_824 : i32 to vector<16xi32>
        %parallel_loop3A_826 = arith.remsi %parallel_loop3A_781, %parallel_loop3A_825 : vector<16xi32>
        %parallel_loop3A_827 = arith.constant 0 : i32
        %parallel_loop3A_828 = vector.broadcast %parallel_loop3A_827 : i32 to vector<16xi32>
        %parallel_loop3A_829 = arith.cmpi ne, %parallel_loop3A_826, %parallel_loop3A_828 : vector<16xi32>
        %parallel_loop3A_830 = arith.constant 0 : i32
        %parallel_loop3A_831 = vector.broadcast %parallel_loop3A_830 : i32 to vector<16xi32>
        %parallel_loop3A_832 = arith.cmpi slt, %parallel_loop3A_826, %parallel_loop3A_831 : vector<16xi32>
        %parallel_loop3A_833 = arith.constant 0 : i32
        %parallel_loop3A_834 = arith.cmpi slt, %parallel_loop3A_824, %parallel_loop3A_833 : i32
        %parallel_loop3A_835 = vector.broadcast %parallel_loop3A_834 : i1 to vector<16xi1>
        %parallel_loop3A_836 = vector.broadcast %parallel_loop3A_835 : vector<16xi1> to vector<16xi1>
        %parallel_loop3A_837 = arith.xori %parallel_loop3A_832, %parallel_loop3A_836 : vector<16xi1>
        %parallel_loop3A_838 = arith.andi %parallel_loop3A_837, %parallel_loop3A_829 : vector<16xi1>
        %parallel_loop3A_839 = vector.broadcast %parallel_loop3A_824 : i32 to vector<16xi32>
        %parallel_loop3A_840 = arith.addi %parallel_loop3A_826, %parallel_loop3A_839 : vector<16xi32>
        %parallel_loop3A_841 = arith.select %parallel_loop3A_838, %parallel_loop3A_840, %parallel_loop3A_826 : vector<16xi1>, vector<16xi32>
        %parallel_loop3A_842 = arith.constant 0 : i32
        %parallel_loop3A_843 = arith.constant 0 : i32
        %parallel_loop3A_844 = arith.constant 0 : i32
        %parallel_loop3A_845 = tpu.memref_slice %arg8[%parallel_loop3A_329, %parallel_loop3A_842, %parallel_loop3A_843, %parallel_loop3A_844] : memref<5x8x8x128xf32, #tpu.memory_space<vmem>> -> memref<1x8x8x128xf32, #tpu.memory_space<vmem>>
        %parallel_loop3A_846 = tpu.memref_squeeze %parallel_loop3A_845 : memref<1x8x8x128xf32, #tpu.memory_space<vmem>> -> memref<8x8x128xf32, #tpu.memory_space<vmem>>
        tpu.vector_store_idx %parallel_loop3A_846[%parallel_loop3A_819, %parallel_loop3A_841, %parallel_loop3A_574], %parallel_loop3A_788 : memref<8x8x128xf32, #tpu.memory_space<vmem>>[vector<16xi32>, vector<16xi32>, vector<16xi32>], vector<16xf32>,
      } {sc.loop_unroll_factor = 1 : i64, sc.parallel_access}
      %dma_start3A_330 = arith.constant 1 : i32
      %dma_start3A_331 = arith.constant 0 : i32
      %dma_start3A_332 = arith.constant 0 : i32
      %dma_start3A_333 = arith.constant 0 : i32
      %dma_start3A_334 = tpu.memref_slice %arg8[%dma_start3A_330, %dma_start3A_331, %dma_start3A_332, %dma_start3A_333] : memref<5x8x8x128xf32, #tpu.memory_space<vmem>> -> memref<1x8x8x128xf32, #tpu.memory_space<vmem>>
      %dma_start3A_335 = tpu.memref_squeeze %dma_start3A_334 : memref<1x8x8x128xf32, #tpu.memory_space<vmem>> -> memref<8x8x128xf32, #tpu.memory_space<vmem>>
      %dma_start3A_336 = arith.constant 0 : i32
      %dma_start3A_337 = arith.constant 0 : i32
      %dma_start3A_338 = arith.constant 0 : i32
      %dma_start3A_339 = arith.constant 0 : i32
      %dma_start3A_340 = tpu.memref_slice %arg4[%add3A_304, %dma_start3A_336, %dma_start3A_337, %dma_start3A_338, %dma_start3A_339] : memref<50x8x32x8x128xf32, #tpu.memory_space<hbm>> -> memref<1x8x32x8x128xf32, #tpu.memory_space<hbm>>
      %dma_start3A_341 = tpu.memref_squeeze %dma_start3A_340 : memref<1x8x32x8x128xf32, #tpu.memory_space<hbm>> -> memref<8x32x8x128xf32, #tpu.memory_space<hbm>>
      %dma_start3A_342 = arith.constant 0 : i32
      %dma_start3A_343 = arith.constant 0 : i32
      %dma_start3A_344 = arith.constant 0 : i32
      %dma_start3A_345 = tpu.memref_slice %dma_start3A_341[%dma_start3A_342, %add3A, %dma_start3A_343, %dma_start3A_344] : memref<8x32x8x128xf32, #tpu.memory_space<hbm>> -> memref<8x1x8x128xf32, #tpu.memory_space<hbm>>
      %dma_start3A_346 = tpu.memref_squeeze %dma_start3A_345 : memref<8x1x8x128xf32, #tpu.memory_space<hbm>> -> memref<8x8x128xf32, #tpu.memory_space<hbm>>
      %dma_start3A_347 = arith.constant 0 : i32
      %dma_start3A_348 = arith.constant 0 : i32
      %dma_start3A_349 = arith.constant 0 : i32
      %dma_start3A_350 = arith.constant 0 : i32
      %dma_start3A_351 = tpu.memref_slice %arg4[%add3A_304, %dma_start3A_347, %dma_start3A_348, %dma_start3A_349, %dma_start3A_350] : memref<50x8x32x8x128xf32, #tpu.memory_space<hbm>> -> memref<1x8x32x8x128xf32, #tpu.memory_space<hbm>>
      %dma_start3A_352 = tpu.memref_squeeze %dma_start3A_351 : memref<1x8x32x8x128xf32, #tpu.memory_space<hbm>> -> memref<8x32x8x128xf32, #tpu.memory_space<hbm>>
      %dma_start3A_353 = arith.constant 0 : i32
      %dma_start3A_354 = arith.constant 0 : i32
      %dma_start3A_355 = arith.constant 0 : i32
      %dma_start3A_356 = tpu.memref_slice %dma_start3A_352[%dma_start3A_353, %add3A, %dma_start3A_354, %dma_start3A_355] : memref<8x32x8x128xf32, #tpu.memory_space<hbm>> -> memref<8x1x8x128xf32, #tpu.memory_space<hbm>>
      %dma_start3A_357 = tpu.memref_squeeze %dma_start3A_356 : memref<8x1x8x128xf32, #tpu.memory_space<hbm>> -> memref<8x8x128xf32, #tpu.memory_space<hbm>>
      %dma_start3A_358 = arith.constant 0 : i32
      %dma_start3A_359 = arith.constant 0 : i32
      %dma_start3A_360 = arith.constant 0 : i32
      %dma_start3A_361 = tpu.memref_slice %arg8[%dma_start3A_330, %dma_start3A_358, %dma_start3A_359, %dma_start3A_360] : memref<5x8x8x128xf32, #tpu.memory_space<vmem>> -> memref<1x8x8x128xf32, #tpu.memory_space<vmem>>
      %dma_start3A_362 = tpu.memref_squeeze %dma_start3A_361 : memref<1x8x8x128xf32, #tpu.memory_space<vmem>> -> memref<8x8x128xf32, #tpu.memory_space<vmem>>
      tpu.enqueue_dma source(%dma_start3A_362 : memref<8x8x128xf32, #tpu.memory_space<vmem>>) target(%dma_start3A_357 : memref<8x8x128xf32, #tpu.memory_space<hbm>>) target_semaphore(%arg16 : memref<!tpu.dma_semaphore, #tpu.memory_space<semaphore_mem>>)
      %lt3A_363 = arith.constant 9 : i32
      %lt3A_364 = arith.cmpi slt, %add3A_238, %lt3A_363 : i32
      %convert_element_type3A_365 = arith.extui %lt3A_364 : i1 to i32
      %cond3A_366 = arith.constant 0 : i32
      %cond3A_367 = arith.cmpi ne, %convert_element_type3A_365, %cond3A_366 : i32
      scf.if %cond3A_367 {
        %add3A_569 = arith.constant 5 : i32
        %add3A_570 = arith.addi %add3A_304, %add3A_569 : i32
        %mul3A_571 = arith.constant 128 : i32
        %mul3A_572 = arith.muli %add3A_570, %mul3A_571 : i32
        %multiple_of3A_573 = tpu.assume_multiple %mul3A_572, 128 : i32
        %dma_start3A_574 = arith.constant 1 : i32
        %dma_start3A_575 = arith.constant 0 : i32
        %dma_start3A_576 = arith.constant 0 : i32
        %dma_start3A_577 = tpu.memref_slice %arg7[%dma_start3A_574, %dma_start3A_575, %dma_start3A_576] : memref<5x128x64xf32, #tpu.memory_space<vmem>> -> memref<1x128x64xf32, #tpu.memory_space<vmem>>
        %dma_start3A_578 = tpu.memref_squeeze %dma_start3A_577 : memref<1x128x64xf32, #tpu.memory_space<vmem>> -> memref<128x64xf32, #tpu.memory_space<vmem>>
        %dma_start3A_579 = tpu.memref_slice %arg6[%multiple_of3A_573] : memref<6400xi32, #tpu.memory_space<vmem>> -> memref<128xi32, #tpu.memory_space<vmem>>
        %dma_start3A_580 = arith.constant 0 : i32
        %dma_start3A_581 = arith.constant 0 : i32
        %dma_start3A_582 = tpu.memref_slice %arg2[%dma_start3A_580, %dma_start3A_581] : memref<100000x64xf32, #tpu.memory_space<hbm>> -> memref<100000x64xf32, #tpu.memory_space<hbm>>
        tpu.enqueue_indirect_dma source(%dma_start3A_582 : memref<100000x64xf32, #tpu.memory_space<hbm>>) target(%dma_start3A_578 : memref<128x64xf32, #tpu.memory_space<vmem>>) offsets(%dma_start3A_579 : memref<128xi32, #tpu.memory_space<vmem>>) semaphore(%arg11 : memref<!tpu.dma_semaphore, #tpu.memory_space<semaphore_mem>>)
      } else {
      }
      %mul3A_368 = arith.constant 5 : i32
      %mul3A_369 = arith.muli %add3A_238, %mul3A_368 : i32
      %add3A_370 = arith.constant 2 : i32
      %add3A_371 = arith.addi %mul3A_369, %add3A_370 : i32
      %dma_wait3A_372 = arith.constant 2 : i32
      %dma_wait3A_373 = arith.constant 0 : i32
      %dma_wait3A_374 = arith.constant 0 : i32
      %dma_wait3A_375 = tpu.memref_slice %arg7[%dma_wait3A_372, %dma_wait3A_373, %dma_wait3A_374] : memref<5x128x64xf32, #tpu.memory_space<vmem>> -> memref<1x128x64xf32, #tpu.memory_space<vmem>>
      %dma_wait3A_376 = tpu.memref_squeeze %dma_wait3A_375 : memref<1x128x64xf32, #tpu.memory_space<vmem>> -> memref<128x64xf32, #tpu.memory_space<vmem>>
      %dma_wait3A_377 = arith.constant 0 : i32
      %dma_wait3A_378 = arith.constant 0 : i32
      %dma_wait3A_379 = tpu.memref_slice %arg2[%dma_wait3A_377, %dma_wait3A_378] : memref<100000x64xf32, #tpu.memory_space<hbm>> -> memref<128x64xf32, #tpu.memory_space<hbm>>
      %dma_wait3A_380 = arith.constant 0 : i32
      %dma_wait3A_381 = arith.constant 0 : i32
      %dma_wait3A_382 = tpu.memref_slice %arg7[%dma_wait3A_372, %dma_wait3A_380, %dma_wait3A_381] : memref<5x128x64xf32, #tpu.memory_space<vmem>> -> memref<1x128x64xf32, #tpu.memory_space<vmem>>
      %dma_wait3A_383 = tpu.memref_squeeze %dma_wait3A_382 : memref<1x128x64xf32, #tpu.memory_space<vmem>> -> memref<128x64xf32, #tpu.memory_space<vmem>>
      %dma_wait3A_384 = arith.constant 0 : i32
      %dma_wait3A_385 = arith.constant 0 : i32
      %dma_wait3A_386 = tpu.memref_slice %arg2[%dma_wait3A_384, %dma_wait3A_385] : memref<100000x64xf32, #tpu.memory_space<hbm>> -> memref<128x64xf32, #tpu.memory_space<hbm>>
      tpu.wait_dma2 semaphore(%arg12 : memref<!tpu.dma_semaphore, #tpu.memory_space<semaphore_mem>>) src(%dma_wait3A_386 : memref<128x64xf32, #tpu.memory_space<hbm>>) dst(%dma_wait3A_383 : memref<128x64xf32, #tpu.memory_space<vmem>>)
      %gt3A_387 = arith.constant 0 : i32
      %gt3A_388 = arith.cmpi sgt, %add3A_238, %gt3A_387 : i32
      %convert_element_type3A_389 = arith.extui %gt3A_388 : i1 to i32
      %cond3A_390 = arith.constant 0 : i32
      %cond3A_391 = arith.cmpi ne, %convert_element_type3A_389, %cond3A_390 : i32
      scf.if %cond3A_391 {
        %dma_wait3A_569 = arith.constant 2 : i32
        %dma_wait3A_570 = arith.constant 0 : i32
        %dma_wait3A_571 = arith.constant 0 : i32
        %dma_wait3A_572 = arith.constant 0 : i32
        %dma_wait3A_573 = arith.constant 0 : i32
        %dma_wait3A_574 = tpu.memref_slice %arg8[%dma_wait3A_569, %dma_wait3A_571, %dma_wait3A_572, %dma_wait3A_573] : memref<5x8x8x128xf32, #tpu.memory_space<vmem>> -> memref<1x8x8x128xf32, #tpu.memory_space<vmem>>
        %dma_wait3A_575 = tpu.memref_squeeze %dma_wait3A_574 : memref<1x8x8x128xf32, #tpu.memory_space<vmem>> -> memref<8x8x128xf32, #tpu.memory_space<vmem>>
        %dma_wait3A_576 = arith.constant 0 : i32
        %dma_wait3A_577 = arith.constant 0 : i32
        %dma_wait3A_578 = arith.constant 0 : i32
        %dma_wait3A_579 = arith.constant 0 : i32
        %dma_wait3A_580 = tpu.memref_slice %arg4[%dma_wait3A_570, %dma_wait3A_576, %dma_wait3A_577, %dma_wait3A_578, %dma_wait3A_579] : memref<50x8x32x8x128xf32, #tpu.memory_space<hbm>> -> memref<1x8x32x8x128xf32, #tpu.memory_space<hbm>>
        %dma_wait3A_581 = tpu.memref_squeeze %dma_wait3A_580 : memref<1x8x32x8x128xf32, #tpu.memory_space<hbm>> -> memref<8x32x8x128xf32, #tpu.memory_space<hbm>>
        %dma_wait3A_582 = arith.constant 0 : i32
        %dma_wait3A_583 = arith.constant 0 : i32
        %dma_wait3A_584 = arith.constant 0 : i32
        %dma_wait3A_585 = tpu.memref_slice %dma_wait3A_581[%dma_wait3A_582, %add3A, %dma_wait3A_583, %dma_wait3A_584] : memref<8x32x8x128xf32, #tpu.memory_space<hbm>> -> memref<8x1x8x128xf32, #tpu.memory_space<hbm>>
        %dma_wait3A_586 = tpu.memref_squeeze %dma_wait3A_585 : memref<8x1x8x128xf32, #tpu.memory_space<hbm>> -> memref<8x8x128xf32, #tpu.memory_space<hbm>>
        %dma_wait3A_587 = arith.constant 0 : i32
        %dma_wait3A_588 = arith.constant 0 : i32
        %dma_wait3A_589 = arith.constant 0 : i32
        %dma_wait3A_590 = arith.constant 0 : i32
        %dma_wait3A_591 = tpu.memref_slice %arg4[%dma_wait3A_570, %dma_wait3A_587, %dma_wait3A_588, %dma_wait3A_589, %dma_wait3A_590] : memref<50x8x32x8x128xf32, #tpu.memory_space<hbm>> -> memref<1x8x32x8x128xf32, #tpu.memory_space<hbm>>
        %dma_wait3A_592 = tpu.memref_squeeze %dma_wait3A_591 : memref<1x8x32x8x128xf32, #tpu.memory_space<hbm>> -> memref<8x32x8x128xf32, #tpu.memory_space<hbm>>
        %dma_wait3A_593 = arith.constant 0 : i32
        %dma_wait3A_594 = arith.constant 0 : i32
        %dma_wait3A_595 = arith.constant 0 : i32
        %dma_wait3A_596 = tpu.memref_slice %dma_wait3A_592[%dma_wait3A_593, %add3A, %dma_wait3A_594, %dma_wait3A_595] : memref<8x32x8x128xf32, #tpu.memory_space<hbm>> -> memref<8x1x8x128xf32, #tpu.memory_space<hbm>>
        %dma_wait3A_597 = tpu.memref_squeeze %dma_wait3A_596 : memref<8x1x8x128xf32, #tpu.memory_space<hbm>> -> memref<8x8x128xf32, #tpu.memory_space<hbm>>
        %dma_wait3A_598 = arith.constant 0 : i32
        %dma_wait3A_599 = arith.constant 0 : i32
        %dma_wait3A_600 = arith.constant 0 : i32
        %dma_wait3A_601 = tpu.memref_slice %arg8[%dma_wait3A_569, %dma_wait3A_598, %dma_wait3A_599, %dma_wait3A_600] : memref<5x8x8x128xf32, #tpu.memory_space<vmem>> -> memref<1x8x8x128xf32, #tpu.memory_space<vmem>>
        %dma_wait3A_602 = tpu.memref_squeeze %dma_wait3A_601 : memref<1x8x8x128xf32, #tpu.memory_space<vmem>> -> memref<8x8x128xf32, #tpu.memory_space<vmem>>
        tpu.wait_dma2 semaphore(%arg17 : memref<!tpu.dma_semaphore, #tpu.memory_space<semaphore_mem>>) src(%dma_wait3A_602 : memref<8x8x128xf32, #tpu.memory_space<vmem>>) dst(%dma_wait3A_597 : memref<8x8x128xf32, #tpu.memory_space<hbm>>)
      } else {
      }
      %parallel_loop3A_392 = arith.constant 0 : i32
      %parallel_loop3A_393 = arith.constant 128 : i32
      %parallel_loop3A_394 = arith.constant 1 : i32
      %parallel_loop3A_395 = arith.constant 2 : i32
      %parallel_loop3A_396 = arith.constant 2 : i32
      scf.for %parallel_loop3A_569 = %parallel_loop3A_392 to %parallel_loop3A_393 step %parallel_loop3A_394  : i32 {
        %parallel_loop3A_570 = arith.constant 0 : i32
        %parallel_loop3A_571 = vector.broadcast %parallel_loop3A_570 : i32 to vector<16xi32>
        %parallel_loop3A_572 = arith.muli %iota3A, %parallel_loop3A_571 : vector<16xi32>
        %parallel_loop3A_573 = vector.broadcast %parallel_loop3A_569 : i32 to vector<16xi32>
        %parallel_loop3A_574 = arith.addi %parallel_loop3A_572, %parallel_loop3A_573 : vector<16xi32>
        %parallel_loop3A_575 = arith.constant 0 : i32
        %parallel_loop3A_576 = vector.broadcast %parallel_loop3A_575 : i32 to vector<16xi32>
        %parallel_loop3A_577 = arith.addi %parallel_loop3A_576, %iota3A : vector<16xi32>
        %parallel_loop3A_578 = arith.constant 0 : i32
        %parallel_loop3A_579 = arith.constant 0 : i32
        %parallel_loop3A_580 = tpu.memref_slice %arg7[%parallel_loop3A_395, %parallel_loop3A_578, %parallel_loop3A_579] : memref<5x128x64xf32, #tpu.memory_space<vmem>> -> memref<1x128x64xf32, #tpu.memory_space<vmem>>
        %parallel_loop3A_581 = tpu.memref_squeeze %parallel_loop3A_580 : memref<1x128x64xf32, #tpu.memory_space<vmem>> -> memref<128x64xf32, #tpu.memory_space<vmem>>
        %parallel_loop3A_582 = arith.index_cast %parallel_loop3A_569 : i32 to index
        %parallel_loop3A_583 = arith.constant 0 : index
        %parallel_loop3A_584 = tpu.vector_load %parallel_loop3A_581[%parallel_loop3A_582, %parallel_loop3A_583] {strides = array<i32>} : memref<128x64xf32, #tpu.memory_space<vmem>>, vector<16xf32>,
        %parallel_loop3A_585 = arith.constant 8 : i32
        %parallel_loop3A_586 = vector.broadcast %parallel_loop3A_585 : i32 to vector<16xi32>
        %parallel_loop3A_587 = arith.divsi %parallel_loop3A_577, %parallel_loop3A_586 : vector<16xi32>
        %parallel_loop3A_588 = arith.constant 0 : i32
        %parallel_loop3A_589 = vector.broadcast %parallel_loop3A_588 : i32 to vector<16xi32>
        %parallel_loop3A_590 = arith.cmpi sgt, %parallel_loop3A_577, %parallel_loop3A_589 : vector<16xi32>
        %parallel_loop3A_591 = arith.extui %parallel_loop3A_590 : vector<16xi1> to vector<16xi32>
        %parallel_loop3A_592 = arith.constant 0 : i32
        %parallel_loop3A_593 = vector.broadcast %parallel_loop3A_592 : i32 to vector<16xi32>
        %parallel_loop3A_594 = arith.cmpi slt, %parallel_loop3A_577, %parallel_loop3A_593 : vector<16xi32>
        %parallel_loop3A_595 = arith.extui %parallel_loop3A_594 : vector<16xi1> to vector<16xi32>
        %parallel_loop3A_596 = arith.subi %parallel_loop3A_591, %parallel_loop3A_595 : vector<16xi32>
        %parallel_loop3A_597 = arith.constant 0 : i32
        %parallel_loop3A_598 = arith.cmpi sgt, %parallel_loop3A_585, %parallel_loop3A_597 : i32
        %parallel_loop3A_599 = arith.extui %parallel_loop3A_598 : i1 to i32
        %parallel_loop3A_600 = arith.constant 0 : i32
        %parallel_loop3A_601 = arith.cmpi slt, %parallel_loop3A_585, %parallel_loop3A_600 : i32
        %parallel_loop3A_602 = arith.extui %parallel_loop3A_601 : i1 to i32
        %parallel_loop3A_603 = arith.subi %parallel_loop3A_599, %parallel_loop3A_602 : i32
        %parallel_loop3A_604 = vector.broadcast %parallel_loop3A_603 : i32 to vector<16xi32>
        %parallel_loop3A_605 = arith.cmpi ne, %parallel_loop3A_596, %parallel_loop3A_604 : vector<16xi32>
        %parallel_loop3A_606 = vector.broadcast %parallel_loop3A_585 : i32 to vector<16xi32>
        %parallel_loop3A_607 = arith.remsi %parallel_loop3A_577, %parallel_loop3A_606 : vector<16xi32>
        %parallel_loop3A_608 = arith.constant 0 : i32
        %parallel_loop3A_609 = vector.broadcast %parallel_loop3A_608 : i32 to vector<16xi32>
        %parallel_loop3A_610 = arith.cmpi ne, %parallel_loop3A_607, %parallel_loop3A_609 : vector<16xi32>
        %parallel_loop3A_611 = arith.andi %parallel_loop3A_605, %parallel_loop3A_610 : vector<16xi1>
        %parallel_loop3A_612 = arith.constant 1 : i32
        %parallel_loop3A_613 = vector.broadcast %parallel_loop3A_612 : i32 to vector<16xi32>
        %parallel_loop3A_614 = arith.subi %parallel_loop3A_587, %parallel_loop3A_613 : vector<16xi32>
        %parallel_loop3A_615 = arith.select %parallel_loop3A_611, %parallel_loop3A_614, %parallel_loop3A_587 : vector<16xi1>, vector<16xi32>
        %parallel_loop3A_616 = arith.constant 8 : i32
        %parallel_loop3A_617 = arith.constant 0 : i32
        %parallel_loop3A_618 = arith.cmpi eq, %parallel_loop3A_616, %parallel_loop3A_617 : i32
        %parallel_loop3A_619 = arith.constant 1 : i32
        %parallel_loop3A_620 = arith.select %parallel_loop3A_618, %parallel_loop3A_619, %parallel_loop3A_616 : i32
        %parallel_loop3A_621 = vector.broadcast %parallel_loop3A_620 : i32 to vector<16xi32>
        %parallel_loop3A_622 = arith.remsi %parallel_loop3A_577, %parallel_loop3A_621 : vector<16xi32>
        %parallel_loop3A_623 = arith.constant 0 : i32
        %parallel_loop3A_624 = vector.broadcast %parallel_loop3A_623 : i32 to vector<16xi32>
        %parallel_loop3A_625 = arith.cmpi ne, %parallel_loop3A_622, %parallel_loop3A_624 : vector<16xi32>
        %parallel_loop3A_626 = arith.constant 0 : i32
        %parallel_loop3A_627 = vector.broadcast %parallel_loop3A_626 : i32 to vector<16xi32>
        %parallel_loop3A_628 = arith.cmpi slt, %parallel_loop3A_622, %parallel_loop3A_627 : vector<16xi32>
        %parallel_loop3A_629 = arith.constant 0 : i32
        %parallel_loop3A_630 = arith.cmpi slt, %parallel_loop3A_620, %parallel_loop3A_629 : i32
        %parallel_loop3A_631 = vector.broadcast %parallel_loop3A_630 : i1 to vector<16xi1>
        %parallel_loop3A_632 = vector.broadcast %parallel_loop3A_631 : vector<16xi1> to vector<16xi1>
        %parallel_loop3A_633 = arith.xori %parallel_loop3A_628, %parallel_loop3A_632 : vector<16xi1>
        %parallel_loop3A_634 = arith.andi %parallel_loop3A_633, %parallel_loop3A_625 : vector<16xi1>
        %parallel_loop3A_635 = vector.broadcast %parallel_loop3A_620 : i32 to vector<16xi32>
        %parallel_loop3A_636 = arith.addi %parallel_loop3A_622, %parallel_loop3A_635 : vector<16xi32>
        %parallel_loop3A_637 = arith.select %parallel_loop3A_634, %parallel_loop3A_636, %parallel_loop3A_622 : vector<16xi1>, vector<16xi32>
        %parallel_loop3A_638 = arith.constant 0 : i32
        %parallel_loop3A_639 = arith.constant 0 : i32
        %parallel_loop3A_640 = arith.constant 0 : i32
        %parallel_loop3A_641 = tpu.memref_slice %arg8[%parallel_loop3A_396, %parallel_loop3A_638, %parallel_loop3A_639, %parallel_loop3A_640] : memref<5x8x8x128xf32, #tpu.memory_space<vmem>> -> memref<1x8x8x128xf32, #tpu.memory_space<vmem>>
        %parallel_loop3A_642 = tpu.memref_squeeze %parallel_loop3A_641 : memref<1x8x8x128xf32, #tpu.memory_space<vmem>> -> memref<8x8x128xf32, #tpu.memory_space<vmem>>
        tpu.vector_store_idx %parallel_loop3A_642[%parallel_loop3A_615, %parallel_loop3A_637, %parallel_loop3A_574], %parallel_loop3A_584 : memref<8x8x128xf32, #tpu.memory_space<vmem>>[vector<16xi32>, vector<16xi32>, vector<16xi32>], vector<16xf32>,
        %parallel_loop3A_643 = arith.constant 16 : i32
        %parallel_loop3A_644 = vector.broadcast %parallel_loop3A_643 : i32 to vector<16xi32>
        %parallel_loop3A_645 = arith.addi %parallel_loop3A_644, %iota3A : vector<16xi32>
        %parallel_loop3A_646 = arith.constant 0 : i32
        %parallel_loop3A_647 = arith.constant 0 : i32
        %parallel_loop3A_648 = tpu.memref_slice %arg7[%parallel_loop3A_395, %parallel_loop3A_646, %parallel_loop3A_647] : memref<5x128x64xf32, #tpu.memory_space<vmem>> -> memref<1x128x64xf32, #tpu.memory_space<vmem>>
        %parallel_loop3A_649 = tpu.memref_squeeze %parallel_loop3A_648 : memref<1x128x64xf32, #tpu.memory_space<vmem>> -> memref<128x64xf32, #tpu.memory_space<vmem>>
        %parallel_loop3A_650 = arith.index_cast %parallel_loop3A_569 : i32 to index
        %parallel_loop3A_651 = arith.constant 16 : index
        %parallel_loop3A_652 = tpu.vector_load %parallel_loop3A_649[%parallel_loop3A_650, %parallel_loop3A_651] {strides = array<i32>} : memref<128x64xf32, #tpu.memory_space<vmem>>, vector<16xf32>,
        %parallel_loop3A_653 = arith.constant 8 : i32
        %parallel_loop3A_654 = vector.broadcast %parallel_loop3A_653 : i32 to vector<16xi32>
        %parallel_loop3A_655 = arith.divsi %parallel_loop3A_645, %parallel_loop3A_654 : vector<16xi32>
        %parallel_loop3A_656 = arith.constant 0 : i32
        %parallel_loop3A_657 = vector.broadcast %parallel_loop3A_656 : i32 to vector<16xi32>
        %parallel_loop3A_658 = arith.cmpi sgt, %parallel_loop3A_645, %parallel_loop3A_657 : vector<16xi32>
        %parallel_loop3A_659 = arith.extui %parallel_loop3A_658 : vector<16xi1> to vector<16xi32>
        %parallel_loop3A_660 = arith.constant 0 : i32
        %parallel_loop3A_661 = vector.broadcast %parallel_loop3A_660 : i32 to vector<16xi32>
        %parallel_loop3A_662 = arith.cmpi slt, %parallel_loop3A_645, %parallel_loop3A_661 : vector<16xi32>
        %parallel_loop3A_663 = arith.extui %parallel_loop3A_662 : vector<16xi1> to vector<16xi32>
        %parallel_loop3A_664 = arith.subi %parallel_loop3A_659, %parallel_loop3A_663 : vector<16xi32>
        %parallel_loop3A_665 = arith.constant 0 : i32
        %parallel_loop3A_666 = arith.cmpi sgt, %parallel_loop3A_653, %parallel_loop3A_665 : i32
        %parallel_loop3A_667 = arith.extui %parallel_loop3A_666 : i1 to i32
        %parallel_loop3A_668 = arith.constant 0 : i32
        %parallel_loop3A_669 = arith.cmpi slt, %parallel_loop3A_653, %parallel_loop3A_668 : i32
        %parallel_loop3A_670 = arith.extui %parallel_loop3A_669 : i1 to i32
        %parallel_loop3A_671 = arith.subi %parallel_loop3A_667, %parallel_loop3A_670 : i32
        %parallel_loop3A_672 = vector.broadcast %parallel_loop3A_671 : i32 to vector<16xi32>
        %parallel_loop3A_673 = arith.cmpi ne, %parallel_loop3A_664, %parallel_loop3A_672 : vector<16xi32>
        %parallel_loop3A_674 = vector.broadcast %parallel_loop3A_653 : i32 to vector<16xi32>
        %parallel_loop3A_675 = arith.remsi %parallel_loop3A_645, %parallel_loop3A_674 : vector<16xi32>
        %parallel_loop3A_676 = arith.constant 0 : i32
        %parallel_loop3A_677 = vector.broadcast %parallel_loop3A_676 : i32 to vector<16xi32>
        %parallel_loop3A_678 = arith.cmpi ne, %parallel_loop3A_675, %parallel_loop3A_677 : vector<16xi32>
        %parallel_loop3A_679 = arith.andi %parallel_loop3A_673, %parallel_loop3A_678 : vector<16xi1>
        %parallel_loop3A_680 = arith.constant 1 : i32
        %parallel_loop3A_681 = vector.broadcast %parallel_loop3A_680 : i32 to vector<16xi32>
        %parallel_loop3A_682 = arith.subi %parallel_loop3A_655, %parallel_loop3A_681 : vector<16xi32>
        %parallel_loop3A_683 = arith.select %parallel_loop3A_679, %parallel_loop3A_682, %parallel_loop3A_655 : vector<16xi1>, vector<16xi32>
        %parallel_loop3A_684 = arith.constant 8 : i32
        %parallel_loop3A_685 = arith.constant 0 : i32
        %parallel_loop3A_686 = arith.cmpi eq, %parallel_loop3A_684, %parallel_loop3A_685 : i32
        %parallel_loop3A_687 = arith.constant 1 : i32
        %parallel_loop3A_688 = arith.select %parallel_loop3A_686, %parallel_loop3A_687, %parallel_loop3A_684 : i32
        %parallel_loop3A_689 = vector.broadcast %parallel_loop3A_688 : i32 to vector<16xi32>
        %parallel_loop3A_690 = arith.remsi %parallel_loop3A_645, %parallel_loop3A_689 : vector<16xi32>
        %parallel_loop3A_691 = arith.constant 0 : i32
        %parallel_loop3A_692 = vector.broadcast %parallel_loop3A_691 : i32 to vector<16xi32>
        %parallel_loop3A_693 = arith.cmpi ne, %parallel_loop3A_690, %parallel_loop3A_692 : vector<16xi32>
        %parallel_loop3A_694 = arith.constant 0 : i32
        %parallel_loop3A_695 = vector.broadcast %parallel_loop3A_694 : i32 to vector<16xi32>
        %parallel_loop3A_696 = arith.cmpi slt, %parallel_loop3A_690, %parallel_loop3A_695 : vector<16xi32>
        %parallel_loop3A_697 = arith.constant 0 : i32
        %parallel_loop3A_698 = arith.cmpi slt, %parallel_loop3A_688, %parallel_loop3A_697 : i32
        %parallel_loop3A_699 = vector.broadcast %parallel_loop3A_698 : i1 to vector<16xi1>
        %parallel_loop3A_700 = vector.broadcast %parallel_loop3A_699 : vector<16xi1> to vector<16xi1>
        %parallel_loop3A_701 = arith.xori %parallel_loop3A_696, %parallel_loop3A_700 : vector<16xi1>
        %parallel_loop3A_702 = arith.andi %parallel_loop3A_701, %parallel_loop3A_693 : vector<16xi1>
        %parallel_loop3A_703 = vector.broadcast %parallel_loop3A_688 : i32 to vector<16xi32>
        %parallel_loop3A_704 = arith.addi %parallel_loop3A_690, %parallel_loop3A_703 : vector<16xi32>
        %parallel_loop3A_705 = arith.select %parallel_loop3A_702, %parallel_loop3A_704, %parallel_loop3A_690 : vector<16xi1>, vector<16xi32>
        %parallel_loop3A_706 = arith.constant 0 : i32
        %parallel_loop3A_707 = arith.constant 0 : i32
        %parallel_loop3A_708 = arith.constant 0 : i32
        %parallel_loop3A_709 = tpu.memref_slice %arg8[%parallel_loop3A_396, %parallel_loop3A_706, %parallel_loop3A_707, %parallel_loop3A_708] : memref<5x8x8x128xf32, #tpu.memory_space<vmem>> -> memref<1x8x8x128xf32, #tpu.memory_space<vmem>>
        %parallel_loop3A_710 = tpu.memref_squeeze %parallel_loop3A_709 : memref<1x8x8x128xf32, #tpu.memory_space<vmem>> -> memref<8x8x128xf32, #tpu.memory_space<vmem>>
        tpu.vector_store_idx %parallel_loop3A_710[%parallel_loop3A_683, %parallel_loop3A_705, %parallel_loop3A_574], %parallel_loop3A_652 : memref<8x8x128xf32, #tpu.memory_space<vmem>>[vector<16xi32>, vector<16xi32>, vector<16xi32>], vector<16xf32>,
        %parallel_loop3A_711 = arith.constant 32 : i32
        %parallel_loop3A_712 = vector.broadcast %parallel_loop3A_711 : i32 to vector<16xi32>
        %parallel_loop3A_713 = arith.addi %parallel_loop3A_712, %iota3A : vector<16xi32>
        %parallel_loop3A_714 = arith.constant 0 : i32
        %parallel_loop3A_715 = arith.constant 0 : i32
        %parallel_loop3A_716 = tpu.memref_slice %arg7[%parallel_loop3A_395, %parallel_loop3A_714, %parallel_loop3A_715] : memref<5x128x64xf32, #tpu.memory_space<vmem>> -> memref<1x128x64xf32, #tpu.memory_space<vmem>>
        %parallel_loop3A_717 = tpu.memref_squeeze %parallel_loop3A_716 : memref<1x128x64xf32, #tpu.memory_space<vmem>> -> memref<128x64xf32, #tpu.memory_space<vmem>>
        %parallel_loop3A_718 = arith.index_cast %parallel_loop3A_569 : i32 to index
        %parallel_loop3A_719 = arith.constant 32 : index
        %parallel_loop3A_720 = tpu.vector_load %parallel_loop3A_717[%parallel_loop3A_718, %parallel_loop3A_719] {strides = array<i32>} : memref<128x64xf32, #tpu.memory_space<vmem>>, vector<16xf32>,
        %parallel_loop3A_721 = arith.constant 8 : i32
        %parallel_loop3A_722 = vector.broadcast %parallel_loop3A_721 : i32 to vector<16xi32>
        %parallel_loop3A_723 = arith.divsi %parallel_loop3A_713, %parallel_loop3A_722 : vector<16xi32>
        %parallel_loop3A_724 = arith.constant 0 : i32
        %parallel_loop3A_725 = vector.broadcast %parallel_loop3A_724 : i32 to vector<16xi32>
        %parallel_loop3A_726 = arith.cmpi sgt, %parallel_loop3A_713, %parallel_loop3A_725 : vector<16xi32>
        %parallel_loop3A_727 = arith.extui %parallel_loop3A_726 : vector<16xi1> to vector<16xi32>
        %parallel_loop3A_728 = arith.constant 0 : i32
        %parallel_loop3A_729 = vector.broadcast %parallel_loop3A_728 : i32 to vector<16xi32>
        %parallel_loop3A_730 = arith.cmpi slt, %parallel_loop3A_713, %parallel_loop3A_729 : vector<16xi32>
        %parallel_loop3A_731 = arith.extui %parallel_loop3A_730 : vector<16xi1> to vector<16xi32>
        %parallel_loop3A_732 = arith.subi %parallel_loop3A_727, %parallel_loop3A_731 : vector<16xi32>
        %parallel_loop3A_733 = arith.constant 0 : i32
        %parallel_loop3A_734 = arith.cmpi sgt, %parallel_loop3A_721, %parallel_loop3A_733 : i32
        %parallel_loop3A_735 = arith.extui %parallel_loop3A_734 : i1 to i32
        %parallel_loop3A_736 = arith.constant 0 : i32
        %parallel_loop3A_737 = arith.cmpi slt, %parallel_loop3A_721, %parallel_loop3A_736 : i32
        %parallel_loop3A_738 = arith.extui %parallel_loop3A_737 : i1 to i32
        %parallel_loop3A_739 = arith.subi %parallel_loop3A_735, %parallel_loop3A_738 : i32
        %parallel_loop3A_740 = vector.broadcast %parallel_loop3A_739 : i32 to vector<16xi32>
        %parallel_loop3A_741 = arith.cmpi ne, %parallel_loop3A_732, %parallel_loop3A_740 : vector<16xi32>
        %parallel_loop3A_742 = vector.broadcast %parallel_loop3A_721 : i32 to vector<16xi32>
        %parallel_loop3A_743 = arith.remsi %parallel_loop3A_713, %parallel_loop3A_742 : vector<16xi32>
        %parallel_loop3A_744 = arith.constant 0 : i32
        %parallel_loop3A_745 = vector.broadcast %parallel_loop3A_744 : i32 to vector<16xi32>
        %parallel_loop3A_746 = arith.cmpi ne, %parallel_loop3A_743, %parallel_loop3A_745 : vector<16xi32>
        %parallel_loop3A_747 = arith.andi %parallel_loop3A_741, %parallel_loop3A_746 : vector<16xi1>
        %parallel_loop3A_748 = arith.constant 1 : i32
        %parallel_loop3A_749 = vector.broadcast %parallel_loop3A_748 : i32 to vector<16xi32>
        %parallel_loop3A_750 = arith.subi %parallel_loop3A_723, %parallel_loop3A_749 : vector<16xi32>
        %parallel_loop3A_751 = arith.select %parallel_loop3A_747, %parallel_loop3A_750, %parallel_loop3A_723 : vector<16xi1>, vector<16xi32>
        %parallel_loop3A_752 = arith.constant 8 : i32
        %parallel_loop3A_753 = arith.constant 0 : i32
        %parallel_loop3A_754 = arith.cmpi eq, %parallel_loop3A_752, %parallel_loop3A_753 : i32
        %parallel_loop3A_755 = arith.constant 1 : i32
        %parallel_loop3A_756 = arith.select %parallel_loop3A_754, %parallel_loop3A_755, %parallel_loop3A_752 : i32
        %parallel_loop3A_757 = vector.broadcast %parallel_loop3A_756 : i32 to vector<16xi32>
        %parallel_loop3A_758 = arith.remsi %parallel_loop3A_713, %parallel_loop3A_757 : vector<16xi32>
        %parallel_loop3A_759 = arith.constant 0 : i32
        %parallel_loop3A_760 = vector.broadcast %parallel_loop3A_759 : i32 to vector<16xi32>
        %parallel_loop3A_761 = arith.cmpi ne, %parallel_loop3A_758, %parallel_loop3A_760 : vector<16xi32>
        %parallel_loop3A_762 = arith.constant 0 : i32
        %parallel_loop3A_763 = vector.broadcast %parallel_loop3A_762 : i32 to vector<16xi32>
        %parallel_loop3A_764 = arith.cmpi slt, %parallel_loop3A_758, %parallel_loop3A_763 : vector<16xi32>
        %parallel_loop3A_765 = arith.constant 0 : i32
        %parallel_loop3A_766 = arith.cmpi slt, %parallel_loop3A_756, %parallel_loop3A_765 : i32
        %parallel_loop3A_767 = vector.broadcast %parallel_loop3A_766 : i1 to vector<16xi1>
        %parallel_loop3A_768 = vector.broadcast %parallel_loop3A_767 : vector<16xi1> to vector<16xi1>
        %parallel_loop3A_769 = arith.xori %parallel_loop3A_764, %parallel_loop3A_768 : vector<16xi1>
        %parallel_loop3A_770 = arith.andi %parallel_loop3A_769, %parallel_loop3A_761 : vector<16xi1>
        %parallel_loop3A_771 = vector.broadcast %parallel_loop3A_756 : i32 to vector<16xi32>
        %parallel_loop3A_772 = arith.addi %parallel_loop3A_758, %parallel_loop3A_771 : vector<16xi32>
        %parallel_loop3A_773 = arith.select %parallel_loop3A_770, %parallel_loop3A_772, %parallel_loop3A_758 : vector<16xi1>, vector<16xi32>
        %parallel_loop3A_774 = arith.constant 0 : i32
        %parallel_loop3A_775 = arith.constant 0 : i32
        %parallel_loop3A_776 = arith.constant 0 : i32
        %parallel_loop3A_777 = tpu.memref_slice %arg8[%parallel_loop3A_396, %parallel_loop3A_774, %parallel_loop3A_775, %parallel_loop3A_776] : memref<5x8x8x128xf32, #tpu.memory_space<vmem>> -> memref<1x8x8x128xf32, #tpu.memory_space<vmem>>
        %parallel_loop3A_778 = tpu.memref_squeeze %parallel_loop3A_777 : memref<1x8x8x128xf32, #tpu.memory_space<vmem>> -> memref<8x8x128xf32, #tpu.memory_space<vmem>>
        tpu.vector_store_idx %parallel_loop3A_778[%parallel_loop3A_751, %parallel_loop3A_773, %parallel_loop3A_574], %parallel_loop3A_720 : memref<8x8x128xf32, #tpu.memory_space<vmem>>[vector<16xi32>, vector<16xi32>, vector<16xi32>], vector<16xf32>,
        %parallel_loop3A_779 = arith.constant 48 : i32
        %parallel_loop3A_780 = vector.broadcast %parallel_loop3A_779 : i32 to vector<16xi32>
        %parallel_loop3A_781 = arith.addi %parallel_loop3A_780, %iota3A : vector<16xi32>
        %parallel_loop3A_782 = arith.constant 0 : i32
        %parallel_loop3A_783 = arith.constant 0 : i32
        %parallel_loop3A_784 = tpu.memref_slice %arg7[%parallel_loop3A_395, %parallel_loop3A_782, %parallel_loop3A_783] : memref<5x128x64xf32, #tpu.memory_space<vmem>> -> memref<1x128x64xf32, #tpu.memory_space<vmem>>
        %parallel_loop3A_785 = tpu.memref_squeeze %parallel_loop3A_784 : memref<1x128x64xf32, #tpu.memory_space<vmem>> -> memref<128x64xf32, #tpu.memory_space<vmem>>
        %parallel_loop3A_786 = arith.index_cast %parallel_loop3A_569 : i32 to index
        %parallel_loop3A_787 = arith.constant 48 : index
        %parallel_loop3A_788 = tpu.vector_load %parallel_loop3A_785[%parallel_loop3A_786, %parallel_loop3A_787] {strides = array<i32>} : memref<128x64xf32, #tpu.memory_space<vmem>>, vector<16xf32>,
        %parallel_loop3A_789 = arith.constant 8 : i32
        %parallel_loop3A_790 = vector.broadcast %parallel_loop3A_789 : i32 to vector<16xi32>
        %parallel_loop3A_791 = arith.divsi %parallel_loop3A_781, %parallel_loop3A_790 : vector<16xi32>
        %parallel_loop3A_792 = arith.constant 0 : i32
        %parallel_loop3A_793 = vector.broadcast %parallel_loop3A_792 : i32 to vector<16xi32>
        %parallel_loop3A_794 = arith.cmpi sgt, %parallel_loop3A_781, %parallel_loop3A_793 : vector<16xi32>
        %parallel_loop3A_795 = arith.extui %parallel_loop3A_794 : vector<16xi1> to vector<16xi32>
        %parallel_loop3A_796 = arith.constant 0 : i32
        %parallel_loop3A_797 = vector.broadcast %parallel_loop3A_796 : i32 to vector<16xi32>
        %parallel_loop3A_798 = arith.cmpi slt, %parallel_loop3A_781, %parallel_loop3A_797 : vector<16xi32>
        %parallel_loop3A_799 = arith.extui %parallel_loop3A_798 : vector<16xi1> to vector<16xi32>
        %parallel_loop3A_800 = arith.subi %parallel_loop3A_795, %parallel_loop3A_799 : vector<16xi32>
        %parallel_loop3A_801 = arith.constant 0 : i32
        %parallel_loop3A_802 = arith.cmpi sgt, %parallel_loop3A_789, %parallel_loop3A_801 : i32
        %parallel_loop3A_803 = arith.extui %parallel_loop3A_802 : i1 to i32
        %parallel_loop3A_804 = arith.constant 0 : i32
        %parallel_loop3A_805 = arith.cmpi slt, %parallel_loop3A_789, %parallel_loop3A_804 : i32
        %parallel_loop3A_806 = arith.extui %parallel_loop3A_805 : i1 to i32
        %parallel_loop3A_807 = arith.subi %parallel_loop3A_803, %parallel_loop3A_806 : i32
        %parallel_loop3A_808 = vector.broadcast %parallel_loop3A_807 : i32 to vector<16xi32>
        %parallel_loop3A_809 = arith.cmpi ne, %parallel_loop3A_800, %parallel_loop3A_808 : vector<16xi32>
        %parallel_loop3A_810 = vector.broadcast %parallel_loop3A_789 : i32 to vector<16xi32>
        %parallel_loop3A_811 = arith.remsi %parallel_loop3A_781, %parallel_loop3A_810 : vector<16xi32>
        %parallel_loop3A_812 = arith.constant 0 : i32
        %parallel_loop3A_813 = vector.broadcast %parallel_loop3A_812 : i32 to vector<16xi32>
        %parallel_loop3A_814 = arith.cmpi ne, %parallel_loop3A_811, %parallel_loop3A_813 : vector<16xi32>
        %parallel_loop3A_815 = arith.andi %parallel_loop3A_809, %parallel_loop3A_814 : vector<16xi1>
        %parallel_loop3A_816 = arith.constant 1 : i32
        %parallel_loop3A_817 = vector.broadcast %parallel_loop3A_816 : i32 to vector<16xi32>
        %parallel_loop3A_818 = arith.subi %parallel_loop3A_791, %parallel_loop3A_817 : vector<16xi32>
        %parallel_loop3A_819 = arith.select %parallel_loop3A_815, %parallel_loop3A_818, %parallel_loop3A_791 : vector<16xi1>, vector<16xi32>
        %parallel_loop3A_820 = arith.constant 8 : i32
        %parallel_loop3A_821 = arith.constant 0 : i32
        %parallel_loop3A_822 = arith.cmpi eq, %parallel_loop3A_820, %parallel_loop3A_821 : i32
        %parallel_loop3A_823 = arith.constant 1 : i32
        %parallel_loop3A_824 = arith.select %parallel_loop3A_822, %parallel_loop3A_823, %parallel_loop3A_820 : i32
        %parallel_loop3A_825 = vector.broadcast %parallel_loop3A_824 : i32 to vector<16xi32>
        %parallel_loop3A_826 = arith.remsi %parallel_loop3A_781, %parallel_loop3A_825 : vector<16xi32>
        %parallel_loop3A_827 = arith.constant 0 : i32
        %parallel_loop3A_828 = vector.broadcast %parallel_loop3A_827 : i32 to vector<16xi32>
        %parallel_loop3A_829 = arith.cmpi ne, %parallel_loop3A_826, %parallel_loop3A_828 : vector<16xi32>
        %parallel_loop3A_830 = arith.constant 0 : i32
        %parallel_loop3A_831 = vector.broadcast %parallel_loop3A_830 : i32 to vector<16xi32>
        %parallel_loop3A_832 = arith.cmpi slt, %parallel_loop3A_826, %parallel_loop3A_831 : vector<16xi32>
        %parallel_loop3A_833 = arith.constant 0 : i32
        %parallel_loop3A_834 = arith.cmpi slt, %parallel_loop3A_824, %parallel_loop3A_833 : i32
        %parallel_loop3A_835 = vector.broadcast %parallel_loop3A_834 : i1 to vector<16xi1>
        %parallel_loop3A_836 = vector.broadcast %parallel_loop3A_835 : vector<16xi1> to vector<16xi1>
        %parallel_loop3A_837 = arith.xori %parallel_loop3A_832, %parallel_loop3A_836 : vector<16xi1>
        %parallel_loop3A_838 = arith.andi %parallel_loop3A_837, %parallel_loop3A_829 : vector<16xi1>
        %parallel_loop3A_839 = vector.broadcast %parallel_loop3A_824 : i32 to vector<16xi32>
        %parallel_loop3A_840 = arith.addi %parallel_loop3A_826, %parallel_loop3A_839 : vector<16xi32>
        %parallel_loop3A_841 = arith.select %parallel_loop3A_838, %parallel_loop3A_840, %parallel_loop3A_826 : vector<16xi1>, vector<16xi32>
        %parallel_loop3A_842 = arith.constant 0 : i32
        %parallel_loop3A_843 = arith.constant 0 : i32
        %parallel_loop3A_844 = arith.constant 0 : i32
        %parallel_loop3A_845 = tpu.memref_slice %arg8[%parallel_loop3A_396, %parallel_loop3A_842, %parallel_loop3A_843, %parallel_loop3A_844] : memref<5x8x8x128xf32, #tpu.memory_space<vmem>> -> memref<1x8x8x128xf32, #tpu.memory_space<vmem>>
        %parallel_loop3A_846 = tpu.memref_squeeze %parallel_loop3A_845 : memref<1x8x8x128xf32, #tpu.memory_space<vmem>> -> memref<8x8x128xf32, #tpu.memory_space<vmem>>
        tpu.vector_store_idx %parallel_loop3A_846[%parallel_loop3A_819, %parallel_loop3A_841, %parallel_loop3A_574], %parallel_loop3A_788 : memref<8x8x128xf32, #tpu.memory_space<vmem>>[vector<16xi32>, vector<16xi32>, vector<16xi32>], vector<16xf32>,
      } {sc.loop_unroll_factor = 1 : i64, sc.parallel_access}
      %dma_start3A_397 = arith.constant 2 : i32
      %dma_start3A_398 = arith.constant 0 : i32
      %dma_start3A_399 = arith.constant 0 : i32
      %dma_start3A_400 = arith.constant 0 : i32
      %dma_start3A_401 = tpu.memref_slice %arg8[%dma_start3A_397, %dma_start3A_398, %dma_start3A_399, %dma_start3A_400] : memref<5x8x8x128xf32, #tpu.memory_space<vmem>> -> memref<1x8x8x128xf32, #tpu.memory_space<vmem>>
      %dma_start3A_402 = tpu.memref_squeeze %dma_start3A_401 : memref<1x8x8x128xf32, #tpu.memory_space<vmem>> -> memref<8x8x128xf32, #tpu.memory_space<vmem>>
      %dma_start3A_403 = arith.constant 0 : i32
      %dma_start3A_404 = arith.constant 0 : i32
      %dma_start3A_405 = arith.constant 0 : i32
      %dma_start3A_406 = arith.constant 0 : i32
      %dma_start3A_407 = tpu.memref_slice %arg4[%add3A_371, %dma_start3A_403, %dma_start3A_404, %dma_start3A_405, %dma_start3A_406] : memref<50x8x32x8x128xf32, #tpu.memory_space<hbm>> -> memref<1x8x32x8x128xf32, #tpu.memory_space<hbm>>
      %dma_start3A_408 = tpu.memref_squeeze %dma_start3A_407 : memref<1x8x32x8x128xf32, #tpu.memory_space<hbm>> -> memref<8x32x8x128xf32, #tpu.memory_space<hbm>>
      %dma_start3A_409 = arith.constant 0 : i32
      %dma_start3A_410 = arith.constant 0 : i32
      %dma_start3A_411 = arith.constant 0 : i32
      %dma_start3A_412 = tpu.memref_slice %dma_start3A_408[%dma_start3A_409, %add3A, %dma_start3A_410, %dma_start3A_411] : memref<8x32x8x128xf32, #tpu.memory_space<hbm>> -> memref<8x1x8x128xf32, #tpu.memory_space<hbm>>
      %dma_start3A_413 = tpu.memref_squeeze %dma_start3A_412 : memref<8x1x8x128xf32, #tpu.memory_space<hbm>> -> memref<8x8x128xf32, #tpu.memory_space<hbm>>
      %dma_start3A_414 = arith.constant 0 : i32
      %dma_start3A_415 = arith.constant 0 : i32
      %dma_start3A_416 = arith.constant 0 : i32
      %dma_start3A_417 = arith.constant 0 : i32
      %dma_start3A_418 = tpu.memref_slice %arg4[%add3A_371, %dma_start3A_414, %dma_start3A_415, %dma_start3A_416, %dma_start3A_417] : memref<50x8x32x8x128xf32, #tpu.memory_space<hbm>> -> memref<1x8x32x8x128xf32, #tpu.memory_space<hbm>>
      %dma_start3A_419 = tpu.memref_squeeze %dma_start3A_418 : memref<1x8x32x8x128xf32, #tpu.memory_space<hbm>> -> memref<8x32x8x128xf32, #tpu.memory_space<hbm>>
      %dma_start3A_420 = arith.constant 0 : i32
      %dma_start3A_421 = arith.constant 0 : i32
      %dma_start3A_422 = arith.constant 0 : i32
      %dma_start3A_423 = tpu.memref_slice %dma_start3A_419[%dma_start3A_420, %add3A, %dma_start3A_421, %dma_start3A_422] : memref<8x32x8x128xf32, #tpu.memory_space<hbm>> -> memref<8x1x8x128xf32, #tpu.memory_space<hbm>>
      %dma_start3A_424 = tpu.memref_squeeze %dma_start3A_423 : memref<8x1x8x128xf32, #tpu.memory_space<hbm>> -> memref<8x8x128xf32, #tpu.memory_space<hbm>>
      %dma_start3A_425 = arith.constant 0 : i32
      %dma_start3A_426 = arith.constant 0 : i32
      %dma_start3A_427 = arith.constant 0 : i32
      %dma_start3A_428 = tpu.memref_slice %arg8[%dma_start3A_397, %dma_start3A_425, %dma_start3A_426, %dma_start3A_427] : memref<5x8x8x128xf32, #tpu.memory_space<vmem>> -> memref<1x8x8x128xf32, #tpu.memory_space<vmem>>
      %dma_start3A_429 = tpu.memref_squeeze %dma_start3A_428 : memref<1x8x8x128xf32, #tpu.memory_space<vmem>> -> memref<8x8x128xf32, #tpu.memory_space<vmem>>
      tpu.enqueue_dma source(%dma_start3A_429 : memref<8x8x128xf32, #tpu.memory_space<vmem>>) target(%dma_start3A_424 : memref<8x8x128xf32, #tpu.memory_space<hbm>>) target_semaphore(%arg17 : memref<!tpu.dma_semaphore, #tpu.memory_space<semaphore_mem>>)
      %lt3A_430 = arith.constant 9 : i32
      %lt3A_431 = arith.cmpi slt, %add3A_238, %lt3A_430 : i32
      %convert_element_type3A_432 = arith.extui %lt3A_431 : i1 to i32
      %cond3A_433 = arith.constant 0 : i32
      %cond3A_434 = arith.cmpi ne, %convert_element_type3A_432, %cond3A_433 : i32
      scf.if %cond3A_434 {
        %add3A_569 = arith.constant 5 : i32
        %add3A_570 = arith.addi %add3A_371, %add3A_569 : i32
        %mul3A_571 = arith.constant 128 : i32
        %mul3A_572 = arith.muli %add3A_570, %mul3A_571 : i32
        %multiple_of3A_573 = tpu.assume_multiple %mul3A_572, 128 : i32
        %dma_start3A_574 = arith.constant 2 : i32
        %dma_start3A_575 = arith.constant 0 : i32
        %dma_start3A_576 = arith.constant 0 : i32
        %dma_start3A_577 = tpu.memref_slice %arg7[%dma_start3A_574, %dma_start3A_575, %dma_start3A_576] : memref<5x128x64xf32, #tpu.memory_space<vmem>> -> memref<1x128x64xf32, #tpu.memory_space<vmem>>
        %dma_start3A_578 = tpu.memref_squeeze %dma_start3A_577 : memref<1x128x64xf32, #tpu.memory_space<vmem>> -> memref<128x64xf32, #tpu.memory_space<vmem>>
        %dma_start3A_579 = tpu.memref_slice %arg6[%multiple_of3A_573] : memref<6400xi32, #tpu.memory_space<vmem>> -> memref<128xi32, #tpu.memory_space<vmem>>
        %dma_start3A_580 = arith.constant 0 : i32
        %dma_start3A_581 = arith.constant 0 : i32
        %dma_start3A_582 = tpu.memref_slice %arg2[%dma_start3A_580, %dma_start3A_581] : memref<100000x64xf32, #tpu.memory_space<hbm>> -> memref<100000x64xf32, #tpu.memory_space<hbm>>
        tpu.enqueue_indirect_dma source(%dma_start3A_582 : memref<100000x64xf32, #tpu.memory_space<hbm>>) target(%dma_start3A_578 : memref<128x64xf32, #tpu.memory_space<vmem>>) offsets(%dma_start3A_579 : memref<128xi32, #tpu.memory_space<vmem>>) semaphore(%arg12 : memref<!tpu.dma_semaphore, #tpu.memory_space<semaphore_mem>>)
      } else {
      }
      %mul3A_435 = arith.constant 5 : i32
      %mul3A_436 = arith.muli %add3A_238, %mul3A_435 : i32
      %add3A_437 = arith.constant 3 : i32
      %add3A_438 = arith.addi %mul3A_436, %add3A_437 : i32
      %dma_wait3A_439 = arith.constant 3 : i32
      %dma_wait3A_440 = arith.constant 0 : i32
      %dma_wait3A_441 = arith.constant 0 : i32
      %dma_wait3A_442 = tpu.memref_slice %arg7[%dma_wait3A_439, %dma_wait3A_440, %dma_wait3A_441] : memref<5x128x64xf32, #tpu.memory_space<vmem>> -> memref<1x128x64xf32, #tpu.memory_space<vmem>>
      %dma_wait3A_443 = tpu.memref_squeeze %dma_wait3A_442 : memref<1x128x64xf32, #tpu.memory_space<vmem>> -> memref<128x64xf32, #tpu.memory_space<vmem>>
      %dma_wait3A_444 = arith.constant 0 : i32
      %dma_wait3A_445 = arith.constant 0 : i32
      %dma_wait3A_446 = tpu.memref_slice %arg2[%dma_wait3A_444, %dma_wait3A_445] : memref<100000x64xf32, #tpu.memory_space<hbm>> -> memref<128x64xf32, #tpu.memory_space<hbm>>
      %dma_wait3A_447 = arith.constant 0 : i32
      %dma_wait3A_448 = arith.constant 0 : i32
      %dma_wait3A_449 = tpu.memref_slice %arg7[%dma_wait3A_439, %dma_wait3A_447, %dma_wait3A_448] : memref<5x128x64xf32, #tpu.memory_space<vmem>> -> memref<1x128x64xf32, #tpu.memory_space<vmem>>
      %dma_wait3A_450 = tpu.memref_squeeze %dma_wait3A_449 : memref<1x128x64xf32, #tpu.memory_space<vmem>> -> memref<128x64xf32, #tpu.memory_space<vmem>>
      %dma_wait3A_451 = arith.constant 0 : i32
      %dma_wait3A_452 = arith.constant 0 : i32
      %dma_wait3A_453 = tpu.memref_slice %arg2[%dma_wait3A_451, %dma_wait3A_452] : memref<100000x64xf32, #tpu.memory_space<hbm>> -> memref<128x64xf32, #tpu.memory_space<hbm>>
      tpu.wait_dma2 semaphore(%arg13 : memref<!tpu.dma_semaphore, #tpu.memory_space<semaphore_mem>>) src(%dma_wait3A_453 : memref<128x64xf32, #tpu.memory_space<hbm>>) dst(%dma_wait3A_450 : memref<128x64xf32, #tpu.memory_space<vmem>>)
      %gt3A_454 = arith.constant 0 : i32
      %gt3A_455 = arith.cmpi sgt, %add3A_238, %gt3A_454 : i32
      %convert_element_type3A_456 = arith.extui %gt3A_455 : i1 to i32
      %cond3A_457 = arith.constant 0 : i32
      %cond3A_458 = arith.cmpi ne, %convert_element_type3A_456, %cond3A_457 : i32
      scf.if %cond3A_458 {
        %dma_wait3A_569 = arith.constant 3 : i32
        %dma_wait3A_570 = arith.constant 0 : i32
        %dma_wait3A_571 = arith.constant 0 : i32
        %dma_wait3A_572 = arith.constant 0 : i32
        %dma_wait3A_573 = arith.constant 0 : i32
        %dma_wait3A_574 = tpu.memref_slice %arg8[%dma_wait3A_569, %dma_wait3A_571, %dma_wait3A_572, %dma_wait3A_573] : memref<5x8x8x128xf32, #tpu.memory_space<vmem>> -> memref<1x8x8x128xf32, #tpu.memory_space<vmem>>
        %dma_wait3A_575 = tpu.memref_squeeze %dma_wait3A_574 : memref<1x8x8x128xf32, #tpu.memory_space<vmem>> -> memref<8x8x128xf32, #tpu.memory_space<vmem>>
        %dma_wait3A_576 = arith.constant 0 : i32
        %dma_wait3A_577 = arith.constant 0 : i32
        %dma_wait3A_578 = arith.constant 0 : i32
        %dma_wait3A_579 = arith.constant 0 : i32
        %dma_wait3A_580 = tpu.memref_slice %arg4[%dma_wait3A_570, %dma_wait3A_576, %dma_wait3A_577, %dma_wait3A_578, %dma_wait3A_579] : memref<50x8x32x8x128xf32, #tpu.memory_space<hbm>> -> memref<1x8x32x8x128xf32, #tpu.memory_space<hbm>>
        %dma_wait3A_581 = tpu.memref_squeeze %dma_wait3A_580 : memref<1x8x32x8x128xf32, #tpu.memory_space<hbm>> -> memref<8x32x8x128xf32, #tpu.memory_space<hbm>>
        %dma_wait3A_582 = arith.constant 0 : i32
        %dma_wait3A_583 = arith.constant 0 : i32
        %dma_wait3A_584 = arith.constant 0 : i32
        %dma_wait3A_585 = tpu.memref_slice %dma_wait3A_581[%dma_wait3A_582, %add3A, %dma_wait3A_583, %dma_wait3A_584] : memref<8x32x8x128xf32, #tpu.memory_space<hbm>> -> memref<8x1x8x128xf32, #tpu.memory_space<hbm>>
        %dma_wait3A_586 = tpu.memref_squeeze %dma_wait3A_585 : memref<8x1x8x128xf32, #tpu.memory_space<hbm>> -> memref<8x8x128xf32, #tpu.memory_space<hbm>>
        %dma_wait3A_587 = arith.constant 0 : i32
        %dma_wait3A_588 = arith.constant 0 : i32
        %dma_wait3A_589 = arith.constant 0 : i32
        %dma_wait3A_590 = arith.constant 0 : i32
        %dma_wait3A_591 = tpu.memref_slice %arg4[%dma_wait3A_570, %dma_wait3A_587, %dma_wait3A_588, %dma_wait3A_589, %dma_wait3A_590] : memref<50x8x32x8x128xf32, #tpu.memory_space<hbm>> -> memref<1x8x32x8x128xf32, #tpu.memory_space<hbm>>
        %dma_wait3A_592 = tpu.memref_squeeze %dma_wait3A_591 : memref<1x8x32x8x128xf32, #tpu.memory_space<hbm>> -> memref<8x32x8x128xf32, #tpu.memory_space<hbm>>
        %dma_wait3A_593 = arith.constant 0 : i32
        %dma_wait3A_594 = arith.constant 0 : i32
        %dma_wait3A_595 = arith.constant 0 : i32
        %dma_wait3A_596 = tpu.memref_slice %dma_wait3A_592[%dma_wait3A_593, %add3A, %dma_wait3A_594, %dma_wait3A_595] : memref<8x32x8x128xf32, #tpu.memory_space<hbm>> -> memref<8x1x8x128xf32, #tpu.memory_space<hbm>>
        %dma_wait3A_597 = tpu.memref_squeeze %dma_wait3A_596 : memref<8x1x8x128xf32, #tpu.memory_space<hbm>> -> memref<8x8x128xf32, #tpu.memory_space<hbm>>
        %dma_wait3A_598 = arith.constant 0 : i32
        %dma_wait3A_599 = arith.constant 0 : i32
        %dma_wait3A_600 = arith.constant 0 : i32
        %dma_wait3A_601 = tpu.memref_slice %arg8[%dma_wait3A_569, %dma_wait3A_598, %dma_wait3A_599, %dma_wait3A_600] : memref<5x8x8x128xf32, #tpu.memory_space<vmem>> -> memref<1x8x8x128xf32, #tpu.memory_space<vmem>>
        %dma_wait3A_602 = tpu.memref_squeeze %dma_wait3A_601 : memref<1x8x8x128xf32, #tpu.memory_space<vmem>> -> memref<8x8x128xf32, #tpu.memory_space<vmem>>
        tpu.wait_dma2 semaphore(%arg18 : memref<!tpu.dma_semaphore, #tpu.memory_space<semaphore_mem>>) src(%dma_wait3A_602 : memref<8x8x128xf32, #tpu.memory_space<vmem>>) dst(%dma_wait3A_597 : memref<8x8x128xf32, #tpu.memory_space<hbm>>)
      } else {
      }
      %parallel_loop3A_459 = arith.constant 0 : i32
      %parallel_loop3A_460 = arith.constant 128 : i32
      %parallel_loop3A_461 = arith.constant 1 : i32
      %parallel_loop3A_462 = arith.constant 3 : i32
      %parallel_loop3A_463 = arith.constant 3 : i32
      scf.for %parallel_loop3A_569 = %parallel_loop3A_459 to %parallel_loop3A_460 step %parallel_loop3A_461  : i32 {
        %parallel_loop3A_570 = arith.constant 0 : i32
        %parallel_loop3A_571 = vector.broadcast %parallel_loop3A_570 : i32 to vector<16xi32>
        %parallel_loop3A_572 = arith.muli %iota3A, %parallel_loop3A_571 : vector<16xi32>
        %parallel_loop3A_573 = vector.broadcast %parallel_loop3A_569 : i32 to vector<16xi32>
        %parallel_loop3A_574 = arith.addi %parallel_loop3A_572, %parallel_loop3A_573 : vector<16xi32>
        %parallel_loop3A_575 = arith.constant 0 : i32
        %parallel_loop3A_576 = vector.broadcast %parallel_loop3A_575 : i32 to vector<16xi32>
        %parallel_loop3A_577 = arith.addi %parallel_loop3A_576, %iota3A : vector<16xi32>
        %parallel_loop3A_578 = arith.constant 0 : i32
        %parallel_loop3A_579 = arith.constant 0 : i32
        %parallel_loop3A_580 = tpu.memref_slice %arg7[%parallel_loop3A_462, %parallel_loop3A_578, %parallel_loop3A_579] : memref<5x128x64xf32, #tpu.memory_space<vmem>> -> memref<1x128x64xf32, #tpu.memory_space<vmem>>
        %parallel_loop3A_581 = tpu.memref_squeeze %parallel_loop3A_580 : memref<1x128x64xf32, #tpu.memory_space<vmem>> -> memref<128x64xf32, #tpu.memory_space<vmem>>
        %parallel_loop3A_582 = arith.index_cast %parallel_loop3A_569 : i32 to index
        %parallel_loop3A_583 = arith.constant 0 : index
        %parallel_loop3A_584 = tpu.vector_load %parallel_loop3A_581[%parallel_loop3A_582, %parallel_loop3A_583] {strides = array<i32>} : memref<128x64xf32, #tpu.memory_space<vmem>>, vector<16xf32>,
        %parallel_loop3A_585 = arith.constant 8 : i32
        %parallel_loop3A_586 = vector.broadcast %parallel_loop3A_585 : i32 to vector<16xi32>
        %parallel_loop3A_587 = arith.divsi %parallel_loop3A_577, %parallel_loop3A_586 : vector<16xi32>
        %parallel_loop3A_588 = arith.constant 0 : i32
        %parallel_loop3A_589 = vector.broadcast %parallel_loop3A_588 : i32 to vector<16xi32>
        %parallel_loop3A_590 = arith.cmpi sgt, %parallel_loop3A_577, %parallel_loop3A_589 : vector<16xi32>
        %parallel_loop3A_591 = arith.extui %parallel_loop3A_590 : vector<16xi1> to vector<16xi32>
        %parallel_loop3A_592 = arith.constant 0 : i32
        %parallel_loop3A_593 = vector.broadcast %parallel_loop3A_592 : i32 to vector<16xi32>
        %parallel_loop3A_594 = arith.cmpi slt, %parallel_loop3A_577, %parallel_loop3A_593 : vector<16xi32>
        %parallel_loop3A_595 = arith.extui %parallel_loop3A_594 : vector<16xi1> to vector<16xi32>
        %parallel_loop3A_596 = arith.subi %parallel_loop3A_591, %parallel_loop3A_595 : vector<16xi32>
        %parallel_loop3A_597 = arith.constant 0 : i32
        %parallel_loop3A_598 = arith.cmpi sgt, %parallel_loop3A_585, %parallel_loop3A_597 : i32
        %parallel_loop3A_599 = arith.extui %parallel_loop3A_598 : i1 to i32
        %parallel_loop3A_600 = arith.constant 0 : i32
        %parallel_loop3A_601 = arith.cmpi slt, %parallel_loop3A_585, %parallel_loop3A_600 : i32
        %parallel_loop3A_602 = arith.extui %parallel_loop3A_601 : i1 to i32
        %parallel_loop3A_603 = arith.subi %parallel_loop3A_599, %parallel_loop3A_602 : i32
        %parallel_loop3A_604 = vector.broadcast %parallel_loop3A_603 : i32 to vector<16xi32>
        %parallel_loop3A_605 = arith.cmpi ne, %parallel_loop3A_596, %parallel_loop3A_604 : vector<16xi32>
        %parallel_loop3A_606 = vector.broadcast %parallel_loop3A_585 : i32 to vector<16xi32>
        %parallel_loop3A_607 = arith.remsi %parallel_loop3A_577, %parallel_loop3A_606 : vector<16xi32>
        %parallel_loop3A_608 = arith.constant 0 : i32
        %parallel_loop3A_609 = vector.broadcast %parallel_loop3A_608 : i32 to vector<16xi32>
        %parallel_loop3A_610 = arith.cmpi ne, %parallel_loop3A_607, %parallel_loop3A_609 : vector<16xi32>
        %parallel_loop3A_611 = arith.andi %parallel_loop3A_605, %parallel_loop3A_610 : vector<16xi1>
        %parallel_loop3A_612 = arith.constant 1 : i32
        %parallel_loop3A_613 = vector.broadcast %parallel_loop3A_612 : i32 to vector<16xi32>
        %parallel_loop3A_614 = arith.subi %parallel_loop3A_587, %parallel_loop3A_613 : vector<16xi32>
        %parallel_loop3A_615 = arith.select %parallel_loop3A_611, %parallel_loop3A_614, %parallel_loop3A_587 : vector<16xi1>, vector<16xi32>
        %parallel_loop3A_616 = arith.constant 8 : i32
        %parallel_loop3A_617 = arith.constant 0 : i32
        %parallel_loop3A_618 = arith.cmpi eq, %parallel_loop3A_616, %parallel_loop3A_617 : i32
        %parallel_loop3A_619 = arith.constant 1 : i32
        %parallel_loop3A_620 = arith.select %parallel_loop3A_618, %parallel_loop3A_619, %parallel_loop3A_616 : i32
        %parallel_loop3A_621 = vector.broadcast %parallel_loop3A_620 : i32 to vector<16xi32>
        %parallel_loop3A_622 = arith.remsi %parallel_loop3A_577, %parallel_loop3A_621 : vector<16xi32>
        %parallel_loop3A_623 = arith.constant 0 : i32
        %parallel_loop3A_624 = vector.broadcast %parallel_loop3A_623 : i32 to vector<16xi32>
        %parallel_loop3A_625 = arith.cmpi ne, %parallel_loop3A_622, %parallel_loop3A_624 : vector<16xi32>
        %parallel_loop3A_626 = arith.constant 0 : i32
        %parallel_loop3A_627 = vector.broadcast %parallel_loop3A_626 : i32 to vector<16xi32>
        %parallel_loop3A_628 = arith.cmpi slt, %parallel_loop3A_622, %parallel_loop3A_627 : vector<16xi32>
        %parallel_loop3A_629 = arith.constant 0 : i32
        %parallel_loop3A_630 = arith.cmpi slt, %parallel_loop3A_620, %parallel_loop3A_629 : i32
        %parallel_loop3A_631 = vector.broadcast %parallel_loop3A_630 : i1 to vector<16xi1>
        %parallel_loop3A_632 = vector.broadcast %parallel_loop3A_631 : vector<16xi1> to vector<16xi1>
        %parallel_loop3A_633 = arith.xori %parallel_loop3A_628, %parallel_loop3A_632 : vector<16xi1>
        %parallel_loop3A_634 = arith.andi %parallel_loop3A_633, %parallel_loop3A_625 : vector<16xi1>
        %parallel_loop3A_635 = vector.broadcast %parallel_loop3A_620 : i32 to vector<16xi32>
        %parallel_loop3A_636 = arith.addi %parallel_loop3A_622, %parallel_loop3A_635 : vector<16xi32>
        %parallel_loop3A_637 = arith.select %parallel_loop3A_634, %parallel_loop3A_636, %parallel_loop3A_622 : vector<16xi1>, vector<16xi32>
        %parallel_loop3A_638 = arith.constant 0 : i32
        %parallel_loop3A_639 = arith.constant 0 : i32
        %parallel_loop3A_640 = arith.constant 0 : i32
        %parallel_loop3A_641 = tpu.memref_slice %arg8[%parallel_loop3A_463, %parallel_loop3A_638, %parallel_loop3A_639, %parallel_loop3A_640] : memref<5x8x8x128xf32, #tpu.memory_space<vmem>> -> memref<1x8x8x128xf32, #tpu.memory_space<vmem>>
        %parallel_loop3A_642 = tpu.memref_squeeze %parallel_loop3A_641 : memref<1x8x8x128xf32, #tpu.memory_space<vmem>> -> memref<8x8x128xf32, #tpu.memory_space<vmem>>
        tpu.vector_store_idx %parallel_loop3A_642[%parallel_loop3A_615, %parallel_loop3A_637, %parallel_loop3A_574], %parallel_loop3A_584 : memref<8x8x128xf32, #tpu.memory_space<vmem>>[vector<16xi32>, vector<16xi32>, vector<16xi32>], vector<16xf32>,
        %parallel_loop3A_643 = arith.constant 16 : i32
        %parallel_loop3A_644 = vector.broadcast %parallel_loop3A_643 : i32 to vector<16xi32>
        %parallel_loop3A_645 = arith.addi %parallel_loop3A_644, %iota3A : vector<16xi32>
        %parallel_loop3A_646 = arith.constant 0 : i32
        %parallel_loop3A_647 = arith.constant 0 : i32
        %parallel_loop3A_648 = tpu.memref_slice %arg7[%parallel_loop3A_462, %parallel_loop3A_646, %parallel_loop3A_647] : memref<5x128x64xf32, #tpu.memory_space<vmem>> -> memref<1x128x64xf32, #tpu.memory_space<vmem>>
        %parallel_loop3A_649 = tpu.memref_squeeze %parallel_loop3A_648 : memref<1x128x64xf32, #tpu.memory_space<vmem>> -> memref<128x64xf32, #tpu.memory_space<vmem>>
        %parallel_loop3A_650 = arith.index_cast %parallel_loop3A_569 : i32 to index
        %parallel_loop3A_651 = arith.constant 16 : index
        %parallel_loop3A_652 = tpu.vector_load %parallel_loop3A_649[%parallel_loop3A_650, %parallel_loop3A_651] {strides = array<i32>} : memref<128x64xf32, #tpu.memory_space<vmem>>, vector<16xf32>,
        %parallel_loop3A_653 = arith.constant 8 : i32
        %parallel_loop3A_654 = vector.broadcast %parallel_loop3A_653 : i32 to vector<16xi32>
        %parallel_loop3A_655 = arith.divsi %parallel_loop3A_645, %parallel_loop3A_654 : vector<16xi32>
        %parallel_loop3A_656 = arith.constant 0 : i32
        %parallel_loop3A_657 = vector.broadcast %parallel_loop3A_656 : i32 to vector<16xi32>
        %parallel_loop3A_658 = arith.cmpi sgt, %parallel_loop3A_645, %parallel_loop3A_657 : vector<16xi32>
        %parallel_loop3A_659 = arith.extui %parallel_loop3A_658 : vector<16xi1> to vector<16xi32>
        %parallel_loop3A_660 = arith.constant 0 : i32
        %parallel_loop3A_661 = vector.broadcast %parallel_loop3A_660 : i32 to vector<16xi32>
        %parallel_loop3A_662 = arith.cmpi slt, %parallel_loop3A_645, %parallel_loop3A_661 : vector<16xi32>
        %parallel_loop3A_663 = arith.extui %parallel_loop3A_662 : vector<16xi1> to vector<16xi32>
        %parallel_loop3A_664 = arith.subi %parallel_loop3A_659, %parallel_loop3A_663 : vector<16xi32>
        %parallel_loop3A_665 = arith.constant 0 : i32
        %parallel_loop3A_666 = arith.cmpi sgt, %parallel_loop3A_653, %parallel_loop3A_665 : i32
        %parallel_loop3A_667 = arith.extui %parallel_loop3A_666 : i1 to i32
        %parallel_loop3A_668 = arith.constant 0 : i32
        %parallel_loop3A_669 = arith.cmpi slt, %parallel_loop3A_653, %parallel_loop3A_668 : i32
        %parallel_loop3A_670 = arith.extui %parallel_loop3A_669 : i1 to i32
        %parallel_loop3A_671 = arith.subi %parallel_loop3A_667, %parallel_loop3A_670 : i32
        %parallel_loop3A_672 = vector.broadcast %parallel_loop3A_671 : i32 to vector<16xi32>
        %parallel_loop3A_673 = arith.cmpi ne, %parallel_loop3A_664, %parallel_loop3A_672 : vector<16xi32>
        %parallel_loop3A_674 = vector.broadcast %parallel_loop3A_653 : i32 to vector<16xi32>
        %parallel_loop3A_675 = arith.remsi %parallel_loop3A_645, %parallel_loop3A_674 : vector<16xi32>
        %parallel_loop3A_676 = arith.constant 0 : i32
        %parallel_loop3A_677 = vector.broadcast %parallel_loop3A_676 : i32 to vector<16xi32>
        %parallel_loop3A_678 = arith.cmpi ne, %parallel_loop3A_675, %parallel_loop3A_677 : vector<16xi32>
        %parallel_loop3A_679 = arith.andi %parallel_loop3A_673, %parallel_loop3A_678 : vector<16xi1>
        %parallel_loop3A_680 = arith.constant 1 : i32
        %parallel_loop3A_681 = vector.broadcast %parallel_loop3A_680 : i32 to vector<16xi32>
        %parallel_loop3A_682 = arith.subi %parallel_loop3A_655, %parallel_loop3A_681 : vector<16xi32>
        %parallel_loop3A_683 = arith.select %parallel_loop3A_679, %parallel_loop3A_682, %parallel_loop3A_655 : vector<16xi1>, vector<16xi32>
        %parallel_loop3A_684 = arith.constant 8 : i32
        %parallel_loop3A_685 = arith.constant 0 : i32
        %parallel_loop3A_686 = arith.cmpi eq, %parallel_loop3A_684, %parallel_loop3A_685 : i32
        %parallel_loop3A_687 = arith.constant 1 : i32
        %parallel_loop3A_688 = arith.select %parallel_loop3A_686, %parallel_loop3A_687, %parallel_loop3A_684 : i32
        %parallel_loop3A_689 = vector.broadcast %parallel_loop3A_688 : i32 to vector<16xi32>
        %parallel_loop3A_690 = arith.remsi %parallel_loop3A_645, %parallel_loop3A_689 : vector<16xi32>
        %parallel_loop3A_691 = arith.constant 0 : i32
        %parallel_loop3A_692 = vector.broadcast %parallel_loop3A_691 : i32 to vector<16xi32>
        %parallel_loop3A_693 = arith.cmpi ne, %parallel_loop3A_690, %parallel_loop3A_692 : vector<16xi32>
        %parallel_loop3A_694 = arith.constant 0 : i32
        %parallel_loop3A_695 = vector.broadcast %parallel_loop3A_694 : i32 to vector<16xi32>
        %parallel_loop3A_696 = arith.cmpi slt, %parallel_loop3A_690, %parallel_loop3A_695 : vector<16xi32>
        %parallel_loop3A_697 = arith.constant 0 : i32
        %parallel_loop3A_698 = arith.cmpi slt, %parallel_loop3A_688, %parallel_loop3A_697 : i32
        %parallel_loop3A_699 = vector.broadcast %parallel_loop3A_698 : i1 to vector<16xi1>
        %parallel_loop3A_700 = vector.broadcast %parallel_loop3A_699 : vector<16xi1> to vector<16xi1>
        %parallel_loop3A_701 = arith.xori %parallel_loop3A_696, %parallel_loop3A_700 : vector<16xi1>
        %parallel_loop3A_702 = arith.andi %parallel_loop3A_701, %parallel_loop3A_693 : vector<16xi1>
        %parallel_loop3A_703 = vector.broadcast %parallel_loop3A_688 : i32 to vector<16xi32>
        %parallel_loop3A_704 = arith.addi %parallel_loop3A_690, %parallel_loop3A_703 : vector<16xi32>
        %parallel_loop3A_705 = arith.select %parallel_loop3A_702, %parallel_loop3A_704, %parallel_loop3A_690 : vector<16xi1>, vector<16xi32>
        %parallel_loop3A_706 = arith.constant 0 : i32
        %parallel_loop3A_707 = arith.constant 0 : i32
        %parallel_loop3A_708 = arith.constant 0 : i32
        %parallel_loop3A_709 = tpu.memref_slice %arg8[%parallel_loop3A_463, %parallel_loop3A_706, %parallel_loop3A_707, %parallel_loop3A_708] : memref<5x8x8x128xf32, #tpu.memory_space<vmem>> -> memref<1x8x8x128xf32, #tpu.memory_space<vmem>>
        %parallel_loop3A_710 = tpu.memref_squeeze %parallel_loop3A_709 : memref<1x8x8x128xf32, #tpu.memory_space<vmem>> -> memref<8x8x128xf32, #tpu.memory_space<vmem>>
        tpu.vector_store_idx %parallel_loop3A_710[%parallel_loop3A_683, %parallel_loop3A_705, %parallel_loop3A_574], %parallel_loop3A_652 : memref<8x8x128xf32, #tpu.memory_space<vmem>>[vector<16xi32>, vector<16xi32>, vector<16xi32>], vector<16xf32>,
        %parallel_loop3A_711 = arith.constant 32 : i32
        %parallel_loop3A_712 = vector.broadcast %parallel_loop3A_711 : i32 to vector<16xi32>
        %parallel_loop3A_713 = arith.addi %parallel_loop3A_712, %iota3A : vector<16xi32>
        %parallel_loop3A_714 = arith.constant 0 : i32
        %parallel_loop3A_715 = arith.constant 0 : i32
        %parallel_loop3A_716 = tpu.memref_slice %arg7[%parallel_loop3A_462, %parallel_loop3A_714, %parallel_loop3A_715] : memref<5x128x64xf32, #tpu.memory_space<vmem>> -> memref<1x128x64xf32, #tpu.memory_space<vmem>>
        %parallel_loop3A_717 = tpu.memref_squeeze %parallel_loop3A_716 : memref<1x128x64xf32, #tpu.memory_space<vmem>> -> memref<128x64xf32, #tpu.memory_space<vmem>>
        %parallel_loop3A_718 = arith.index_cast %parallel_loop3A_569 : i32 to index
        %parallel_loop3A_719 = arith.constant 32 : index
        %parallel_loop3A_720 = tpu.vector_load %parallel_loop3A_717[%parallel_loop3A_718, %parallel_loop3A_719] {strides = array<i32>} : memref<128x64xf32, #tpu.memory_space<vmem>>, vector<16xf32>,
        %parallel_loop3A_721 = arith.constant 8 : i32
        %parallel_loop3A_722 = vector.broadcast %parallel_loop3A_721 : i32 to vector<16xi32>
        %parallel_loop3A_723 = arith.divsi %parallel_loop3A_713, %parallel_loop3A_722 : vector<16xi32>
        %parallel_loop3A_724 = arith.constant 0 : i32
        %parallel_loop3A_725 = vector.broadcast %parallel_loop3A_724 : i32 to vector<16xi32>
        %parallel_loop3A_726 = arith.cmpi sgt, %parallel_loop3A_713, %parallel_loop3A_725 : vector<16xi32>
        %parallel_loop3A_727 = arith.extui %parallel_loop3A_726 : vector<16xi1> to vector<16xi32>
        %parallel_loop3A_728 = arith.constant 0 : i32
        %parallel_loop3A_729 = vector.broadcast %parallel_loop3A_728 : i32 to vector<16xi32>
        %parallel_loop3A_730 = arith.cmpi slt, %parallel_loop3A_713, %parallel_loop3A_729 : vector<16xi32>
        %parallel_loop3A_731 = arith.extui %parallel_loop3A_730 : vector<16xi1> to vector<16xi32>
        %parallel_loop3A_732 = arith.subi %parallel_loop3A_727, %parallel_loop3A_731 : vector<16xi32>
        %parallel_loop3A_733 = arith.constant 0 : i32
        %parallel_loop3A_734 = arith.cmpi sgt, %parallel_loop3A_721, %parallel_loop3A_733 : i32
        %parallel_loop3A_735 = arith.extui %parallel_loop3A_734 : i1 to i32
        %parallel_loop3A_736 = arith.constant 0 : i32
        %parallel_loop3A_737 = arith.cmpi slt, %parallel_loop3A_721, %parallel_loop3A_736 : i32
        %parallel_loop3A_738 = arith.extui %parallel_loop3A_737 : i1 to i32
        %parallel_loop3A_739 = arith.subi %parallel_loop3A_735, %parallel_loop3A_738 : i32
        %parallel_loop3A_740 = vector.broadcast %parallel_loop3A_739 : i32 to vector<16xi32>
        %parallel_loop3A_741 = arith.cmpi ne, %parallel_loop3A_732, %parallel_loop3A_740 : vector<16xi32>
        %parallel_loop3A_742 = vector.broadcast %parallel_loop3A_721 : i32 to vector<16xi32>
        %parallel_loop3A_743 = arith.remsi %parallel_loop3A_713, %parallel_loop3A_742 : vector<16xi32>
        %parallel_loop3A_744 = arith.constant 0 : i32
        %parallel_loop3A_745 = vector.broadcast %parallel_loop3A_744 : i32 to vector<16xi32>
        %parallel_loop3A_746 = arith.cmpi ne, %parallel_loop3A_743, %parallel_loop3A_745 : vector<16xi32>
        %parallel_loop3A_747 = arith.andi %parallel_loop3A_741, %parallel_loop3A_746 : vector<16xi1>
        %parallel_loop3A_748 = arith.constant 1 : i32
        %parallel_loop3A_749 = vector.broadcast %parallel_loop3A_748 : i32 to vector<16xi32>
        %parallel_loop3A_750 = arith.subi %parallel_loop3A_723, %parallel_loop3A_749 : vector<16xi32>
        %parallel_loop3A_751 = arith.select %parallel_loop3A_747, %parallel_loop3A_750, %parallel_loop3A_723 : vector<16xi1>, vector<16xi32>
        %parallel_loop3A_752 = arith.constant 8 : i32
        %parallel_loop3A_753 = arith.constant 0 : i32
        %parallel_loop3A_754 = arith.cmpi eq, %parallel_loop3A_752, %parallel_loop3A_753 : i32
        %parallel_loop3A_755 = arith.constant 1 : i32
        %parallel_loop3A_756 = arith.select %parallel_loop3A_754, %parallel_loop3A_755, %parallel_loop3A_752 : i32
        %parallel_loop3A_757 = vector.broadcast %parallel_loop3A_756 : i32 to vector<16xi32>
        %parallel_loop3A_758 = arith.remsi %parallel_loop3A_713, %parallel_loop3A_757 : vector<16xi32>
        %parallel_loop3A_759 = arith.constant 0 : i32
        %parallel_loop3A_760 = vector.broadcast %parallel_loop3A_759 : i32 to vector<16xi32>
        %parallel_loop3A_761 = arith.cmpi ne, %parallel_loop3A_758, %parallel_loop3A_760 : vector<16xi32>
        %parallel_loop3A_762 = arith.constant 0 : i32
        %parallel_loop3A_763 = vector.broadcast %parallel_loop3A_762 : i32 to vector<16xi32>
        %parallel_loop3A_764 = arith.cmpi slt, %parallel_loop3A_758, %parallel_loop3A_763 : vector<16xi32>
        %parallel_loop3A_765 = arith.constant 0 : i32
        %parallel_loop3A_766 = arith.cmpi slt, %parallel_loop3A_756, %parallel_loop3A_765 : i32
        %parallel_loop3A_767 = vector.broadcast %parallel_loop3A_766 : i1 to vector<16xi1>
        %parallel_loop3A_768 = vector.broadcast %parallel_loop3A_767 : vector<16xi1> to vector<16xi1>
        %parallel_loop3A_769 = arith.xori %parallel_loop3A_764, %parallel_loop3A_768 : vector<16xi1>
        %parallel_loop3A_770 = arith.andi %parallel_loop3A_769, %parallel_loop3A_761 : vector<16xi1>
        %parallel_loop3A_771 = vector.broadcast %parallel_loop3A_756 : i32 to vector<16xi32>
        %parallel_loop3A_772 = arith.addi %parallel_loop3A_758, %parallel_loop3A_771 : vector<16xi32>
        %parallel_loop3A_773 = arith.select %parallel_loop3A_770, %parallel_loop3A_772, %parallel_loop3A_758 : vector<16xi1>, vector<16xi32>
        %parallel_loop3A_774 = arith.constant 0 : i32
        %parallel_loop3A_775 = arith.constant 0 : i32
        %parallel_loop3A_776 = arith.constant 0 : i32
        %parallel_loop3A_777 = tpu.memref_slice %arg8[%parallel_loop3A_463, %parallel_loop3A_774, %parallel_loop3A_775, %parallel_loop3A_776] : memref<5x8x8x128xf32, #tpu.memory_space<vmem>> -> memref<1x8x8x128xf32, #tpu.memory_space<vmem>>
        %parallel_loop3A_778 = tpu.memref_squeeze %parallel_loop3A_777 : memref<1x8x8x128xf32, #tpu.memory_space<vmem>> -> memref<8x8x128xf32, #tpu.memory_space<vmem>>
        tpu.vector_store_idx %parallel_loop3A_778[%parallel_loop3A_751, %parallel_loop3A_773, %parallel_loop3A_574], %parallel_loop3A_720 : memref<8x8x128xf32, #tpu.memory_space<vmem>>[vector<16xi32>, vector<16xi32>, vector<16xi32>], vector<16xf32>,
        %parallel_loop3A_779 = arith.constant 48 : i32
        %parallel_loop3A_780 = vector.broadcast %parallel_loop3A_779 : i32 to vector<16xi32>
        %parallel_loop3A_781 = arith.addi %parallel_loop3A_780, %iota3A : vector<16xi32>
        %parallel_loop3A_782 = arith.constant 0 : i32
        %parallel_loop3A_783 = arith.constant 0 : i32
        %parallel_loop3A_784 = tpu.memref_slice %arg7[%parallel_loop3A_462, %parallel_loop3A_782, %parallel_loop3A_783] : memref<5x128x64xf32, #tpu.memory_space<vmem>> -> memref<1x128x64xf32, #tpu.memory_space<vmem>>
        %parallel_loop3A_785 = tpu.memref_squeeze %parallel_loop3A_784 : memref<1x128x64xf32, #tpu.memory_space<vmem>> -> memref<128x64xf32, #tpu.memory_space<vmem>>
        %parallel_loop3A_786 = arith.index_cast %parallel_loop3A_569 : i32 to index
        %parallel_loop3A_787 = arith.constant 48 : index
        %parallel_loop3A_788 = tpu.vector_load %parallel_loop3A_785[%parallel_loop3A_786, %parallel_loop3A_787] {strides = array<i32>} : memref<128x64xf32, #tpu.memory_space<vmem>>, vector<16xf32>,
        %parallel_loop3A_789 = arith.constant 8 : i32
        %parallel_loop3A_790 = vector.broadcast %parallel_loop3A_789 : i32 to vector<16xi32>
        %parallel_loop3A_791 = arith.divsi %parallel_loop3A_781, %parallel_loop3A_790 : vector<16xi32>
        %parallel_loop3A_792 = arith.constant 0 : i32
        %parallel_loop3A_793 = vector.broadcast %parallel_loop3A_792 : i32 to vector<16xi32>
        %parallel_loop3A_794 = arith.cmpi sgt, %parallel_loop3A_781, %parallel_loop3A_793 : vector<16xi32>
        %parallel_loop3A_795 = arith.extui %parallel_loop3A_794 : vector<16xi1> to vector<16xi32>
        %parallel_loop3A_796 = arith.constant 0 : i32
        %parallel_loop3A_797 = vector.broadcast %parallel_loop3A_796 : i32 to vector<16xi32>
        %parallel_loop3A_798 = arith.cmpi slt, %parallel_loop3A_781, %parallel_loop3A_797 : vector<16xi32>
        %parallel_loop3A_799 = arith.extui %parallel_loop3A_798 : vector<16xi1> to vector<16xi32>
        %parallel_loop3A_800 = arith.subi %parallel_loop3A_795, %parallel_loop3A_799 : vector<16xi32>
        %parallel_loop3A_801 = arith.constant 0 : i32
        %parallel_loop3A_802 = arith.cmpi sgt, %parallel_loop3A_789, %parallel_loop3A_801 : i32
        %parallel_loop3A_803 = arith.extui %parallel_loop3A_802 : i1 to i32
        %parallel_loop3A_804 = arith.constant 0 : i32
        %parallel_loop3A_805 = arith.cmpi slt, %parallel_loop3A_789, %parallel_loop3A_804 : i32
        %parallel_loop3A_806 = arith.extui %parallel_loop3A_805 : i1 to i32
        %parallel_loop3A_807 = arith.subi %parallel_loop3A_803, %parallel_loop3A_806 : i32
        %parallel_loop3A_808 = vector.broadcast %parallel_loop3A_807 : i32 to vector<16xi32>
        %parallel_loop3A_809 = arith.cmpi ne, %parallel_loop3A_800, %parallel_loop3A_808 : vector<16xi32>
        %parallel_loop3A_810 = vector.broadcast %parallel_loop3A_789 : i32 to vector<16xi32>
        %parallel_loop3A_811 = arith.remsi %parallel_loop3A_781, %parallel_loop3A_810 : vector<16xi32>
        %parallel_loop3A_812 = arith.constant 0 : i32
        %parallel_loop3A_813 = vector.broadcast %parallel_loop3A_812 : i32 to vector<16xi32>
        %parallel_loop3A_814 = arith.cmpi ne, %parallel_loop3A_811, %parallel_loop3A_813 : vector<16xi32>
        %parallel_loop3A_815 = arith.andi %parallel_loop3A_809, %parallel_loop3A_814 : vector<16xi1>
        %parallel_loop3A_816 = arith.constant 1 : i32
        %parallel_loop3A_817 = vector.broadcast %parallel_loop3A_816 : i32 to vector<16xi32>
        %parallel_loop3A_818 = arith.subi %parallel_loop3A_791, %parallel_loop3A_817 : vector<16xi32>
        %parallel_loop3A_819 = arith.select %parallel_loop3A_815, %parallel_loop3A_818, %parallel_loop3A_791 : vector<16xi1>, vector<16xi32>
        %parallel_loop3A_820 = arith.constant 8 : i32
        %parallel_loop3A_821 = arith.constant 0 : i32
        %parallel_loop3A_822 = arith.cmpi eq, %parallel_loop3A_820, %parallel_loop3A_821 : i32
        %parallel_loop3A_823 = arith.constant 1 : i32
        %parallel_loop3A_824 = arith.select %parallel_loop3A_822, %parallel_loop3A_823, %parallel_loop3A_820 : i32
        %parallel_loop3A_825 = vector.broadcast %parallel_loop3A_824 : i32 to vector<16xi32>
        %parallel_loop3A_826 = arith.remsi %parallel_loop3A_781, %parallel_loop3A_825 : vector<16xi32>
        %parallel_loop3A_827 = arith.constant 0 : i32
        %parallel_loop3A_828 = vector.broadcast %parallel_loop3A_827 : i32 to vector<16xi32>
        %parallel_loop3A_829 = arith.cmpi ne, %parallel_loop3A_826, %parallel_loop3A_828 : vector<16xi32>
        %parallel_loop3A_830 = arith.constant 0 : i32
        %parallel_loop3A_831 = vector.broadcast %parallel_loop3A_830 : i32 to vector<16xi32>
        %parallel_loop3A_832 = arith.cmpi slt, %parallel_loop3A_826, %parallel_loop3A_831 : vector<16xi32>
        %parallel_loop3A_833 = arith.constant 0 : i32
        %parallel_loop3A_834 = arith.cmpi slt, %parallel_loop3A_824, %parallel_loop3A_833 : i32
        %parallel_loop3A_835 = vector.broadcast %parallel_loop3A_834 : i1 to vector<16xi1>
        %parallel_loop3A_836 = vector.broadcast %parallel_loop3A_835 : vector<16xi1> to vector<16xi1>
        %parallel_loop3A_837 = arith.xori %parallel_loop3A_832, %parallel_loop3A_836 : vector<16xi1>
        %parallel_loop3A_838 = arith.andi %parallel_loop3A_837, %parallel_loop3A_829 : vector<16xi1>
        %parallel_loop3A_839 = vector.broadcast %parallel_loop3A_824 : i32 to vector<16xi32>
        %parallel_loop3A_840 = arith.addi %parallel_loop3A_826, %parallel_loop3A_839 : vector<16xi32>
        %parallel_loop3A_841 = arith.select %parallel_loop3A_838, %parallel_loop3A_840, %parallel_loop3A_826 : vector<16xi1>, vector<16xi32>
        %parallel_loop3A_842 = arith.constant 0 : i32
        %parallel_loop3A_843 = arith.constant 0 : i32
        %parallel_loop3A_844 = arith.constant 0 : i32
        %parallel_loop3A_845 = tpu.memref_slice %arg8[%parallel_loop3A_463, %parallel_loop3A_842, %parallel_loop3A_843, %parallel_loop3A_844] : memref<5x8x8x128xf32, #tpu.memory_space<vmem>> -> memref<1x8x8x128xf32, #tpu.memory_space<vmem>>
        %parallel_loop3A_846 = tpu.memref_squeeze %parallel_loop3A_845 : memref<1x8x8x128xf32, #tpu.memory_space<vmem>> -> memref<8x8x128xf32, #tpu.memory_space<vmem>>
        tpu.vector_store_idx %parallel_loop3A_846[%parallel_loop3A_819, %parallel_loop3A_841, %parallel_loop3A_574], %parallel_loop3A_788 : memref<8x8x128xf32, #tpu.memory_space<vmem>>[vector<16xi32>, vector<16xi32>, vector<16xi32>], vector<16xf32>,
      } {sc.loop_unroll_factor = 1 : i64, sc.parallel_access}
      %dma_start3A_464 = arith.constant 3 : i32
      %dma_start3A_465 = arith.constant 0 : i32
      %dma_start3A_466 = arith.constant 0 : i32
      %dma_start3A_467 = arith.constant 0 : i32
      %dma_start3A_468 = tpu.memref_slice %arg8[%dma_start3A_464, %dma_start3A_465, %dma_start3A_466, %dma_start3A_467] : memref<5x8x8x128xf32, #tpu.memory_space<vmem>> -> memref<1x8x8x128xf32, #tpu.memory_space<vmem>>
      %dma_start3A_469 = tpu.memref_squeeze %dma_start3A_468 : memref<1x8x8x128xf32, #tpu.memory_space<vmem>> -> memref<8x8x128xf32, #tpu.memory_space<vmem>>
      %dma_start3A_470 = arith.constant 0 : i32
      %dma_start3A_471 = arith.constant 0 : i32
      %dma_start3A_472 = arith.constant 0 : i32
      %dma_start3A_473 = arith.constant 0 : i32
      %dma_start3A_474 = tpu.memref_slice %arg4[%add3A_438, %dma_start3A_470, %dma_start3A_471, %dma_start3A_472, %dma_start3A_473] : memref<50x8x32x8x128xf32, #tpu.memory_space<hbm>> -> memref<1x8x32x8x128xf32, #tpu.memory_space<hbm>>
      %dma_start3A_475 = tpu.memref_squeeze %dma_start3A_474 : memref<1x8x32x8x128xf32, #tpu.memory_space<hbm>> -> memref<8x32x8x128xf32, #tpu.memory_space<hbm>>
      %dma_start3A_476 = arith.constant 0 : i32
      %dma_start3A_477 = arith.constant 0 : i32
      %dma_start3A_478 = arith.constant 0 : i32
      %dma_start3A_479 = tpu.memref_slice %dma_start3A_475[%dma_start3A_476, %add3A, %dma_start3A_477, %dma_start3A_478] : memref<8x32x8x128xf32, #tpu.memory_space<hbm>> -> memref<8x1x8x128xf32, #tpu.memory_space<hbm>>
      %dma_start3A_480 = tpu.memref_squeeze %dma_start3A_479 : memref<8x1x8x128xf32, #tpu.memory_space<hbm>> -> memref<8x8x128xf32, #tpu.memory_space<hbm>>
      %dma_start3A_481 = arith.constant 0 : i32
      %dma_start3A_482 = arith.constant 0 : i32
      %dma_start3A_483 = arith.constant 0 : i32
      %dma_start3A_484 = arith.constant 0 : i32
      %dma_start3A_485 = tpu.memref_slice %arg4[%add3A_438, %dma_start3A_481, %dma_start3A_482, %dma_start3A_483, %dma_start3A_484] : memref<50x8x32x8x128xf32, #tpu.memory_space<hbm>> -> memref<1x8x32x8x128xf32, #tpu.memory_space<hbm>>
      %dma_start3A_486 = tpu.memref_squeeze %dma_start3A_485 : memref<1x8x32x8x128xf32, #tpu.memory_space<hbm>> -> memref<8x32x8x128xf32, #tpu.memory_space<hbm>>
      %dma_start3A_487 = arith.constant 0 : i32
      %dma_start3A_488 = arith.constant 0 : i32
      %dma_start3A_489 = arith.constant 0 : i32
      %dma_start3A_490 = tpu.memref_slice %dma_start3A_486[%dma_start3A_487, %add3A, %dma_start3A_488, %dma_start3A_489] : memref<8x32x8x128xf32, #tpu.memory_space<hbm>> -> memref<8x1x8x128xf32, #tpu.memory_space<hbm>>
      %dma_start3A_491 = tpu.memref_squeeze %dma_start3A_490 : memref<8x1x8x128xf32, #tpu.memory_space<hbm>> -> memref<8x8x128xf32, #tpu.memory_space<hbm>>
      %dma_start3A_492 = arith.constant 0 : i32
      %dma_start3A_493 = arith.constant 0 : i32
      %dma_start3A_494 = arith.constant 0 : i32
      %dma_start3A_495 = tpu.memref_slice %arg8[%dma_start3A_464, %dma_start3A_492, %dma_start3A_493, %dma_start3A_494] : memref<5x8x8x128xf32, #tpu.memory_space<vmem>> -> memref<1x8x8x128xf32, #tpu.memory_space<vmem>>
      %dma_start3A_496 = tpu.memref_squeeze %dma_start3A_495 : memref<1x8x8x128xf32, #tpu.memory_space<vmem>> -> memref<8x8x128xf32, #tpu.memory_space<vmem>>
      tpu.enqueue_dma source(%dma_start3A_496 : memref<8x8x128xf32, #tpu.memory_space<vmem>>) target(%dma_start3A_491 : memref<8x8x128xf32, #tpu.memory_space<hbm>>) target_semaphore(%arg18 : memref<!tpu.dma_semaphore, #tpu.memory_space<semaphore_mem>>)
      %lt3A_497 = arith.constant 9 : i32
      %lt3A_498 = arith.cmpi slt, %add3A_238, %lt3A_497 : i32
      %convert_element_type3A_499 = arith.extui %lt3A_498 : i1 to i32
      %cond3A_500 = arith.constant 0 : i32
      %cond3A_501 = arith.cmpi ne, %convert_element_type3A_499, %cond3A_500 : i32
      scf.if %cond3A_501 {
        %add3A_569 = arith.constant 5 : i32
        %add3A_570 = arith.addi %add3A_438, %add3A_569 : i32
        %mul3A_571 = arith.constant 128 : i32
        %mul3A_572 = arith.muli %add3A_570, %mul3A_571 : i32
        %multiple_of3A_573 = tpu.assume_multiple %mul3A_572, 128 : i32
        %dma_start3A_574 = arith.constant 3 : i32
        %dma_start3A_575 = arith.constant 0 : i32
        %dma_start3A_576 = arith.constant 0 : i32
        %dma_start3A_577 = tpu.memref_slice %arg7[%dma_start3A_574, %dma_start3A_575, %dma_start3A_576] : memref<5x128x64xf32, #tpu.memory_space<vmem>> -> memref<1x128x64xf32, #tpu.memory_space<vmem>>
        %dma_start3A_578 = tpu.memref_squeeze %dma_start3A_577 : memref<1x128x64xf32, #tpu.memory_space<vmem>> -> memref<128x64xf32, #tpu.memory_space<vmem>>
        %dma_start3A_579 = tpu.memref_slice %arg6[%multiple_of3A_573] : memref<6400xi32, #tpu.memory_space<vmem>> -> memref<128xi32, #tpu.memory_space<vmem>>
        %dma_start3A_580 = arith.constant 0 : i32
        %dma_start3A_581 = arith.constant 0 : i32
        %dma_start3A_582 = tpu.memref_slice %arg2[%dma_start3A_580, %dma_start3A_581] : memref<100000x64xf32, #tpu.memory_space<hbm>> -> memref<100000x64xf32, #tpu.memory_space<hbm>>
        tpu.enqueue_indirect_dma source(%dma_start3A_582 : memref<100000x64xf32, #tpu.memory_space<hbm>>) target(%dma_start3A_578 : memref<128x64xf32, #tpu.memory_space<vmem>>) offsets(%dma_start3A_579 : memref<128xi32, #tpu.memory_space<vmem>>) semaphore(%arg13 : memref<!tpu.dma_semaphore, #tpu.memory_space<semaphore_mem>>)
      } else {
      }
      %mul3A_502 = arith.constant 5 : i32
      %mul3A_503 = arith.muli %add3A_238, %mul3A_502 : i32
      %add3A_504 = arith.constant 4 : i32
      %add3A_505 = arith.addi %mul3A_503, %add3A_504 : i32
      %dma_wait3A_506 = arith.constant 4 : i32
      %dma_wait3A_507 = arith.constant 0 : i32
      %dma_wait3A_508 = arith.constant 0 : i32
      %dma_wait3A_509 = tpu.memref_slice %arg7[%dma_wait3A_506, %dma_wait3A_507, %dma_wait3A_508] : memref<5x128x64xf32, #tpu.memory_space<vmem>> -> memref<1x128x64xf32, #tpu.memory_space<vmem>>
      %dma_wait3A_510 = tpu.memref_squeeze %dma_wait3A_509 : memref<1x128x64xf32, #tpu.memory_space<vmem>> -> memref<128x64xf32, #tpu.memory_space<vmem>>
      %dma_wait3A_511 = arith.constant 0 : i32
      %dma_wait3A_512 = arith.constant 0 : i32
      %dma_wait3A_513 = tpu.memref_slice %arg2[%dma_wait3A_511, %dma_wait3A_512] : memref<100000x64xf32, #tpu.memory_space<hbm>> -> memref<128x64xf32, #tpu.memory_space<hbm>>
      %dma_wait3A_514 = arith.constant 0 : i32
      %dma_wait3A_515 = arith.constant 0 : i32
      %dma_wait3A_516 = tpu.memref_slice %arg7[%dma_wait3A_506, %dma_wait3A_514, %dma_wait3A_515] : memref<5x128x64xf32, #tpu.memory_space<vmem>> -> memref<1x128x64xf32, #tpu.memory_space<vmem>>
      %dma_wait3A_517 = tpu.memref_squeeze %dma_wait3A_516 : memref<1x128x64xf32, #tpu.memory_space<vmem>> -> memref<128x64xf32, #tpu.memory_space<vmem>>
      %dma_wait3A_518 = arith.constant 0 : i32
      %dma_wait3A_519 = arith.constant 0 : i32
      %dma_wait3A_520 = tpu.memref_slice %arg2[%dma_wait3A_518, %dma_wait3A_519] : memref<100000x64xf32, #tpu.memory_space<hbm>> -> memref<128x64xf32, #tpu.memory_space<hbm>>
      tpu.wait_dma2 semaphore(%arg14 : memref<!tpu.dma_semaphore, #tpu.memory_space<semaphore_mem>>) src(%dma_wait3A_520 : memref<128x64xf32, #tpu.memory_space<hbm>>) dst(%dma_wait3A_517 : memref<128x64xf32, #tpu.memory_space<vmem>>)
      %gt3A_521 = arith.constant 0 : i32
      %gt3A_522 = arith.cmpi sgt, %add3A_238, %gt3A_521 : i32
      %convert_element_type3A_523 = arith.extui %gt3A_522 : i1 to i32
      %cond3A_524 = arith.constant 0 : i32
      %cond3A_525 = arith.cmpi ne, %convert_element_type3A_523, %cond3A_524 : i32
      scf.if %cond3A_525 {
        %dma_wait3A_569 = arith.constant 4 : i32
        %dma_wait3A_570 = arith.constant 0 : i32
        %dma_wait3A_571 = arith.constant 0 : i32
        %dma_wait3A_572 = arith.constant 0 : i32
        %dma_wait3A_573 = arith.constant 0 : i32
        %dma_wait3A_574 = tpu.memref_slice %arg8[%dma_wait3A_569, %dma_wait3A_571, %dma_wait3A_572, %dma_wait3A_573] : memref<5x8x8x128xf32, #tpu.memory_space<vmem>> -> memref<1x8x8x128xf32, #tpu.memory_space<vmem>>
        %dma_wait3A_575 = tpu.memref_squeeze %dma_wait3A_574 : memref<1x8x8x128xf32, #tpu.memory_space<vmem>> -> memref<8x8x128xf32, #tpu.memory_space<vmem>>
        %dma_wait3A_576 = arith.constant 0 : i32
        %dma_wait3A_577 = arith.constant 0 : i32
        %dma_wait3A_578 = arith.constant 0 : i32
        %dma_wait3A_579 = arith.constant 0 : i32
        %dma_wait3A_580 = tpu.memref_slice %arg4[%dma_wait3A_570, %dma_wait3A_576, %dma_wait3A_577, %dma_wait3A_578, %dma_wait3A_579] : memref<50x8x32x8x128xf32, #tpu.memory_space<hbm>> -> memref<1x8x32x8x128xf32, #tpu.memory_space<hbm>>
        %dma_wait3A_581 = tpu.memref_squeeze %dma_wait3A_580 : memref<1x8x32x8x128xf32, #tpu.memory_space<hbm>> -> memref<8x32x8x128xf32, #tpu.memory_space<hbm>>
        %dma_wait3A_582 = arith.constant 0 : i32
        %dma_wait3A_583 = arith.constant 0 : i32
        %dma_wait3A_584 = arith.constant 0 : i32
        %dma_wait3A_585 = tpu.memref_slice %dma_wait3A_581[%dma_wait3A_582, %add3A, %dma_wait3A_583, %dma_wait3A_584] : memref<8x32x8x128xf32, #tpu.memory_space<hbm>> -> memref<8x1x8x128xf32, #tpu.memory_space<hbm>>
        %dma_wait3A_586 = tpu.memref_squeeze %dma_wait3A_585 : memref<8x1x8x128xf32, #tpu.memory_space<hbm>> -> memref<8x8x128xf32, #tpu.memory_space<hbm>>
        %dma_wait3A_587 = arith.constant 0 : i32
        %dma_wait3A_588 = arith.constant 0 : i32
        %dma_wait3A_589 = arith.constant 0 : i32
        %dma_wait3A_590 = arith.constant 0 : i32
        %dma_wait3A_591 = tpu.memref_slice %arg4[%dma_wait3A_570, %dma_wait3A_587, %dma_wait3A_588, %dma_wait3A_589, %dma_wait3A_590] : memref<50x8x32x8x128xf32, #tpu.memory_space<hbm>> -> memref<1x8x32x8x128xf32, #tpu.memory_space<hbm>>
        %dma_wait3A_592 = tpu.memref_squeeze %dma_wait3A_591 : memref<1x8x32x8x128xf32, #tpu.memory_space<hbm>> -> memref<8x32x8x128xf32, #tpu.memory_space<hbm>>
        %dma_wait3A_593 = arith.constant 0 : i32
        %dma_wait3A_594 = arith.constant 0 : i32
        %dma_wait3A_595 = arith.constant 0 : i32
        %dma_wait3A_596 = tpu.memref_slice %dma_wait3A_592[%dma_wait3A_593, %add3A, %dma_wait3A_594, %dma_wait3A_595] : memref<8x32x8x128xf32, #tpu.memory_space<hbm>> -> memref<8x1x8x128xf32, #tpu.memory_space<hbm>>
        %dma_wait3A_597 = tpu.memref_squeeze %dma_wait3A_596 : memref<8x1x8x128xf32, #tpu.memory_space<hbm>> -> memref<8x8x128xf32, #tpu.memory_space<hbm>>
        %dma_wait3A_598 = arith.constant 0 : i32
        %dma_wait3A_599 = arith.constant 0 : i32
        %dma_wait3A_600 = arith.constant 0 : i32
        %dma_wait3A_601 = tpu.memref_slice %arg8[%dma_wait3A_569, %dma_wait3A_598, %dma_wait3A_599, %dma_wait3A_600] : memref<5x8x8x128xf32, #tpu.memory_space<vmem>> -> memref<1x8x8x128xf32, #tpu.memory_space<vmem>>
        %dma_wait3A_602 = tpu.memref_squeeze %dma_wait3A_601 : memref<1x8x8x128xf32, #tpu.memory_space<vmem>> -> memref<8x8x128xf32, #tpu.memory_space<vmem>>
        tpu.wait_dma2 semaphore(%arg19 : memref<!tpu.dma_semaphore, #tpu.memory_space<semaphore_mem>>) src(%dma_wait3A_602 : memref<8x8x128xf32, #tpu.memory_space<vmem>>) dst(%dma_wait3A_597 : memref<8x8x128xf32, #tpu.memory_space<hbm>>)
      } else {
      }
      %parallel_loop3A_526 = arith.constant 0 : i32
      %parallel_loop3A_527 = arith.constant 128 : i32
      %parallel_loop3A_528 = arith.constant 1 : i32
      %parallel_loop3A_529 = arith.constant 4 : i32
      %parallel_loop3A_530 = arith.constant 4 : i32
      scf.for %parallel_loop3A_569 = %parallel_loop3A_526 to %parallel_loop3A_527 step %parallel_loop3A_528  : i32 {
        %parallel_loop3A_570 = arith.constant 0 : i32
        %parallel_loop3A_571 = vector.broadcast %parallel_loop3A_570 : i32 to vector<16xi32>
        %parallel_loop3A_572 = arith.muli %iota3A, %parallel_loop3A_571 : vector<16xi32>
        %parallel_loop3A_573 = vector.broadcast %parallel_loop3A_569 : i32 to vector<16xi32>
        %parallel_loop3A_574 = arith.addi %parallel_loop3A_572, %parallel_loop3A_573 : vector<16xi32>
        %parallel_loop3A_575 = arith.constant 0 : i32
        %parallel_loop3A_576 = vector.broadcast %parallel_loop3A_575 : i32 to vector<16xi32>
        %parallel_loop3A_577 = arith.addi %parallel_loop3A_576, %iota3A : vector<16xi32>
        %parallel_loop3A_578 = arith.constant 0 : i32
        %parallel_loop3A_579 = arith.constant 0 : i32
        %parallel_loop3A_580 = tpu.memref_slice %arg7[%parallel_loop3A_529, %parallel_loop3A_578, %parallel_loop3A_579] : memref<5x128x64xf32, #tpu.memory_space<vmem>> -> memref<1x128x64xf32, #tpu.memory_space<vmem>>
        %parallel_loop3A_581 = tpu.memref_squeeze %parallel_loop3A_580 : memref<1x128x64xf32, #tpu.memory_space<vmem>> -> memref<128x64xf32, #tpu.memory_space<vmem>>
        %parallel_loop3A_582 = arith.index_cast %parallel_loop3A_569 : i32 to index
        %parallel_loop3A_583 = arith.constant 0 : index
        %parallel_loop3A_584 = tpu.vector_load %parallel_loop3A_581[%parallel_loop3A_582, %parallel_loop3A_583] {strides = array<i32>} : memref<128x64xf32, #tpu.memory_space<vmem>>, vector<16xf32>,
        %parallel_loop3A_585 = arith.constant 8 : i32
        %parallel_loop3A_586 = vector.broadcast %parallel_loop3A_585 : i32 to vector<16xi32>
        %parallel_loop3A_587 = arith.divsi %parallel_loop3A_577, %parallel_loop3A_586 : vector<16xi32>
        %parallel_loop3A_588 = arith.constant 0 : i32
        %parallel_loop3A_589 = vector.broadcast %parallel_loop3A_588 : i32 to vector<16xi32>
        %parallel_loop3A_590 = arith.cmpi sgt, %parallel_loop3A_577, %parallel_loop3A_589 : vector<16xi32>
        %parallel_loop3A_591 = arith.extui %parallel_loop3A_590 : vector<16xi1> to vector<16xi32>
        %parallel_loop3A_592 = arith.constant 0 : i32
        %parallel_loop3A_593 = vector.broadcast %parallel_loop3A_592 : i32 to vector<16xi32>
        %parallel_loop3A_594 = arith.cmpi slt, %parallel_loop3A_577, %parallel_loop3A_593 : vector<16xi32>
        %parallel_loop3A_595 = arith.extui %parallel_loop3A_594 : vector<16xi1> to vector<16xi32>
        %parallel_loop3A_596 = arith.subi %parallel_loop3A_591, %parallel_loop3A_595 : vector<16xi32>
        %parallel_loop3A_597 = arith.constant 0 : i32
        %parallel_loop3A_598 = arith.cmpi sgt, %parallel_loop3A_585, %parallel_loop3A_597 : i32
        %parallel_loop3A_599 = arith.extui %parallel_loop3A_598 : i1 to i32
        %parallel_loop3A_600 = arith.constant 0 : i32
        %parallel_loop3A_601 = arith.cmpi slt, %parallel_loop3A_585, %parallel_loop3A_600 : i32
        %parallel_loop3A_602 = arith.extui %parallel_loop3A_601 : i1 to i32
        %parallel_loop3A_603 = arith.subi %parallel_loop3A_599, %parallel_loop3A_602 : i32
        %parallel_loop3A_604 = vector.broadcast %parallel_loop3A_603 : i32 to vector<16xi32>
        %parallel_loop3A_605 = arith.cmpi ne, %parallel_loop3A_596, %parallel_loop3A_604 : vector<16xi32>
        %parallel_loop3A_606 = vector.broadcast %parallel_loop3A_585 : i32 to vector<16xi32>
        %parallel_loop3A_607 = arith.remsi %parallel_loop3A_577, %parallel_loop3A_606 : vector<16xi32>
        %parallel_loop3A_608 = arith.constant 0 : i32
        %parallel_loop3A_609 = vector.broadcast %parallel_loop3A_608 : i32 to vector<16xi32>
        %parallel_loop3A_610 = arith.cmpi ne, %parallel_loop3A_607, %parallel_loop3A_609 : vector<16xi32>
        %parallel_loop3A_611 = arith.andi %parallel_loop3A_605, %parallel_loop3A_610 : vector<16xi1>
        %parallel_loop3A_612 = arith.constant 1 : i32
        %parallel_loop3A_613 = vector.broadcast %parallel_loop3A_612 : i32 to vector<16xi32>
        %parallel_loop3A_614 = arith.subi %parallel_loop3A_587, %parallel_loop3A_613 : vector<16xi32>
        %parallel_loop3A_615 = arith.select %parallel_loop3A_611, %parallel_loop3A_614, %parallel_loop3A_587 : vector<16xi1>, vector<16xi32>
        %parallel_loop3A_616 = arith.constant 8 : i32
        %parallel_loop3A_617 = arith.constant 0 : i32
        %parallel_loop3A_618 = arith.cmpi eq, %parallel_loop3A_616, %parallel_loop3A_617 : i32
        %parallel_loop3A_619 = arith.constant 1 : i32
        %parallel_loop3A_620 = arith.select %parallel_loop3A_618, %parallel_loop3A_619, %parallel_loop3A_616 : i32
        %parallel_loop3A_621 = vector.broadcast %parallel_loop3A_620 : i32 to vector<16xi32>
        %parallel_loop3A_622 = arith.remsi %parallel_loop3A_577, %parallel_loop3A_621 : vector<16xi32>
        %parallel_loop3A_623 = arith.constant 0 : i32
        %parallel_loop3A_624 = vector.broadcast %parallel_loop3A_623 : i32 to vector<16xi32>
        %parallel_loop3A_625 = arith.cmpi ne, %parallel_loop3A_622, %parallel_loop3A_624 : vector<16xi32>
        %parallel_loop3A_626 = arith.constant 0 : i32
        %parallel_loop3A_627 = vector.broadcast %parallel_loop3A_626 : i32 to vector<16xi32>
        %parallel_loop3A_628 = arith.cmpi slt, %parallel_loop3A_622, %parallel_loop3A_627 : vector<16xi32>
        %parallel_loop3A_629 = arith.constant 0 : i32
        %parallel_loop3A_630 = arith.cmpi slt, %parallel_loop3A_620, %parallel_loop3A_629 : i32
        %parallel_loop3A_631 = vector.broadcast %parallel_loop3A_630 : i1 to vector<16xi1>
        %parallel_loop3A_632 = vector.broadcast %parallel_loop3A_631 : vector<16xi1> to vector<16xi1>
        %parallel_loop3A_633 = arith.xori %parallel_loop3A_628, %parallel_loop3A_632 : vector<16xi1>
        %parallel_loop3A_634 = arith.andi %parallel_loop3A_633, %parallel_loop3A_625 : vector<16xi1>
        %parallel_loop3A_635 = vector.broadcast %parallel_loop3A_620 : i32 to vector<16xi32>
        %parallel_loop3A_636 = arith.addi %parallel_loop3A_622, %parallel_loop3A_635 : vector<16xi32>
        %parallel_loop3A_637 = arith.select %parallel_loop3A_634, %parallel_loop3A_636, %parallel_loop3A_622 : vector<16xi1>, vector<16xi32>
        %parallel_loop3A_638 = arith.constant 0 : i32
        %parallel_loop3A_639 = arith.constant 0 : i32
        %parallel_loop3A_640 = arith.constant 0 : i32
        %parallel_loop3A_641 = tpu.memref_slice %arg8[%parallel_loop3A_530, %parallel_loop3A_638, %parallel_loop3A_639, %parallel_loop3A_640] : memref<5x8x8x128xf32, #tpu.memory_space<vmem>> -> memref<1x8x8x128xf32, #tpu.memory_space<vmem>>
        %parallel_loop3A_642 = tpu.memref_squeeze %parallel_loop3A_641 : memref<1x8x8x128xf32, #tpu.memory_space<vmem>> -> memref<8x8x128xf32, #tpu.memory_space<vmem>>
        tpu.vector_store_idx %parallel_loop3A_642[%parallel_loop3A_615, %parallel_loop3A_637, %parallel_loop3A_574], %parallel_loop3A_584 : memref<8x8x128xf32, #tpu.memory_space<vmem>>[vector<16xi32>, vector<16xi32>, vector<16xi32>], vector<16xf32>,
        %parallel_loop3A_643 = arith.constant 16 : i32
        %parallel_loop3A_644 = vector.broadcast %parallel_loop3A_643 : i32 to vector<16xi32>
        %parallel_loop3A_645 = arith.addi %parallel_loop3A_644, %iota3A : vector<16xi32>
        %parallel_loop3A_646 = arith.constant 0 : i32
        %parallel_loop3A_647 = arith.constant 0 : i32
        %parallel_loop3A_648 = tpu.memref_slice %arg7[%parallel_loop3A_529, %parallel_loop3A_646, %parallel_loop3A_647] : memref<5x128x64xf32, #tpu.memory_space<vmem>> -> memref<1x128x64xf32, #tpu.memory_space<vmem>>
        %parallel_loop3A_649 = tpu.memref_squeeze %parallel_loop3A_648 : memref<1x128x64xf32, #tpu.memory_space<vmem>> -> memref<128x64xf32, #tpu.memory_space<vmem>>
        %parallel_loop3A_650 = arith.index_cast %parallel_loop3A_569 : i32 to index
        %parallel_loop3A_651 = arith.constant 16 : index
        %parallel_loop3A_652 = tpu.vector_load %parallel_loop3A_649[%parallel_loop3A_650, %parallel_loop3A_651] {strides = array<i32>} : memref<128x64xf32, #tpu.memory_space<vmem>>, vector<16xf32>,
        %parallel_loop3A_653 = arith.constant 8 : i32
        %parallel_loop3A_654 = vector.broadcast %parallel_loop3A_653 : i32 to vector<16xi32>
        %parallel_loop3A_655 = arith.divsi %parallel_loop3A_645, %parallel_loop3A_654 : vector<16xi32>
        %parallel_loop3A_656 = arith.constant 0 : i32
        %parallel_loop3A_657 = vector.broadcast %parallel_loop3A_656 : i32 to vector<16xi32>
        %parallel_loop3A_658 = arith.cmpi sgt, %parallel_loop3A_645, %parallel_loop3A_657 : vector<16xi32>
        %parallel_loop3A_659 = arith.extui %parallel_loop3A_658 : vector<16xi1> to vector<16xi32>
        %parallel_loop3A_660 = arith.constant 0 : i32
        %parallel_loop3A_661 = vector.broadcast %parallel_loop3A_660 : i32 to vector<16xi32>
        %parallel_loop3A_662 = arith.cmpi slt, %parallel_loop3A_645, %parallel_loop3A_661 : vector<16xi32>
        %parallel_loop3A_663 = arith.extui %parallel_loop3A_662 : vector<16xi1> to vector<16xi32>
        %parallel_loop3A_664 = arith.subi %parallel_loop3A_659, %parallel_loop3A_663 : vector<16xi32>
        %parallel_loop3A_665 = arith.constant 0 : i32
        %parallel_loop3A_666 = arith.cmpi sgt, %parallel_loop3A_653, %parallel_loop3A_665 : i32
        %parallel_loop3A_667 = arith.extui %parallel_loop3A_666 : i1 to i32
        %parallel_loop3A_668 = arith.constant 0 : i32
        %parallel_loop3A_669 = arith.cmpi slt, %parallel_loop3A_653, %parallel_loop3A_668 : i32
        %parallel_loop3A_670 = arith.extui %parallel_loop3A_669 : i1 to i32
        %parallel_loop3A_671 = arith.subi %parallel_loop3A_667, %parallel_loop3A_670 : i32
        %parallel_loop3A_672 = vector.broadcast %parallel_loop3A_671 : i32 to vector<16xi32>
        %parallel_loop3A_673 = arith.cmpi ne, %parallel_loop3A_664, %parallel_loop3A_672 : vector<16xi32>
        %parallel_loop3A_674 = vector.broadcast %parallel_loop3A_653 : i32 to vector<16xi32>
        %parallel_loop3A_675 = arith.remsi %parallel_loop3A_645, %parallel_loop3A_674 : vector<16xi32>
        %parallel_loop3A_676 = arith.constant 0 : i32
        %parallel_loop3A_677 = vector.broadcast %parallel_loop3A_676 : i32 to vector<16xi32>
        %parallel_loop3A_678 = arith.cmpi ne, %parallel_loop3A_675, %parallel_loop3A_677 : vector<16xi32>
        %parallel_loop3A_679 = arith.andi %parallel_loop3A_673, %parallel_loop3A_678 : vector<16xi1>
        %parallel_loop3A_680 = arith.constant 1 : i32
        %parallel_loop3A_681 = vector.broadcast %parallel_loop3A_680 : i32 to vector<16xi32>
        %parallel_loop3A_682 = arith.subi %parallel_loop3A_655, %parallel_loop3A_681 : vector<16xi32>
        %parallel_loop3A_683 = arith.select %parallel_loop3A_679, %parallel_loop3A_682, %parallel_loop3A_655 : vector<16xi1>, vector<16xi32>
        %parallel_loop3A_684 = arith.constant 8 : i32
        %parallel_loop3A_685 = arith.constant 0 : i32
        %parallel_loop3A_686 = arith.cmpi eq, %parallel_loop3A_684, %parallel_loop3A_685 : i32
        %parallel_loop3A_687 = arith.constant 1 : i32
        %parallel_loop3A_688 = arith.select %parallel_loop3A_686, %parallel_loop3A_687, %parallel_loop3A_684 : i32
        %parallel_loop3A_689 = vector.broadcast %parallel_loop3A_688 : i32 to vector<16xi32>
        %parallel_loop3A_690 = arith.remsi %parallel_loop3A_645, %parallel_loop3A_689 : vector<16xi32>
        %parallel_loop3A_691 = arith.constant 0 : i32
        %parallel_loop3A_692 = vector.broadcast %parallel_loop3A_691 : i32 to vector<16xi32>
        %parallel_loop3A_693 = arith.cmpi ne, %parallel_loop3A_690, %parallel_loop3A_692 : vector<16xi32>
        %parallel_loop3A_694 = arith.constant 0 : i32
        %parallel_loop3A_695 = vector.broadcast %parallel_loop3A_694 : i32 to vector<16xi32>
        %parallel_loop3A_696 = arith.cmpi slt, %parallel_loop3A_690, %parallel_loop3A_695 : vector<16xi32>
        %parallel_loop3A_697 = arith.constant 0 : i32
        %parallel_loop3A_698 = arith.cmpi slt, %parallel_loop3A_688, %parallel_loop3A_697 : i32
        %parallel_loop3A_699 = vector.broadcast %parallel_loop3A_698 : i1 to vector<16xi1>
        %parallel_loop3A_700 = vector.broadcast %parallel_loop3A_699 : vector<16xi1> to vector<16xi1>
        %parallel_loop3A_701 = arith.xori %parallel_loop3A_696, %parallel_loop3A_700 : vector<16xi1>
        %parallel_loop3A_702 = arith.andi %parallel_loop3A_701, %parallel_loop3A_693 : vector<16xi1>
        %parallel_loop3A_703 = vector.broadcast %parallel_loop3A_688 : i32 to vector<16xi32>
        %parallel_loop3A_704 = arith.addi %parallel_loop3A_690, %parallel_loop3A_703 : vector<16xi32>
        %parallel_loop3A_705 = arith.select %parallel_loop3A_702, %parallel_loop3A_704, %parallel_loop3A_690 : vector<16xi1>, vector<16xi32>
        %parallel_loop3A_706 = arith.constant 0 : i32
        %parallel_loop3A_707 = arith.constant 0 : i32
        %parallel_loop3A_708 = arith.constant 0 : i32
        %parallel_loop3A_709 = tpu.memref_slice %arg8[%parallel_loop3A_530, %parallel_loop3A_706, %parallel_loop3A_707, %parallel_loop3A_708] : memref<5x8x8x128xf32, #tpu.memory_space<vmem>> -> memref<1x8x8x128xf32, #tpu.memory_space<vmem>>
        %parallel_loop3A_710 = tpu.memref_squeeze %parallel_loop3A_709 : memref<1x8x8x128xf32, #tpu.memory_space<vmem>> -> memref<8x8x128xf32, #tpu.memory_space<vmem>>
        tpu.vector_store_idx %parallel_loop3A_710[%parallel_loop3A_683, %parallel_loop3A_705, %parallel_loop3A_574], %parallel_loop3A_652 : memref<8x8x128xf32, #tpu.memory_space<vmem>>[vector<16xi32>, vector<16xi32>, vector<16xi32>], vector<16xf32>,
        %parallel_loop3A_711 = arith.constant 32 : i32
        %parallel_loop3A_712 = vector.broadcast %parallel_loop3A_711 : i32 to vector<16xi32>
        %parallel_loop3A_713 = arith.addi %parallel_loop3A_712, %iota3A : vector<16xi32>
        %parallel_loop3A_714 = arith.constant 0 : i32
        %parallel_loop3A_715 = arith.constant 0 : i32
        %parallel_loop3A_716 = tpu.memref_slice %arg7[%parallel_loop3A_529, %parallel_loop3A_714, %parallel_loop3A_715] : memref<5x128x64xf32, #tpu.memory_space<vmem>> -> memref<1x128x64xf32, #tpu.memory_space<vmem>>
        %parallel_loop3A_717 = tpu.memref_squeeze %parallel_loop3A_716 : memref<1x128x64xf32, #tpu.memory_space<vmem>> -> memref<128x64xf32, #tpu.memory_space<vmem>>
        %parallel_loop3A_718 = arith.index_cast %parallel_loop3A_569 : i32 to index
        %parallel_loop3A_719 = arith.constant 32 : index
        %parallel_loop3A_720 = tpu.vector_load %parallel_loop3A_717[%parallel_loop3A_718, %parallel_loop3A_719] {strides = array<i32>} : memref<128x64xf32, #tpu.memory_space<vmem>>, vector<16xf32>,
        %parallel_loop3A_721 = arith.constant 8 : i32
        %parallel_loop3A_722 = vector.broadcast %parallel_loop3A_721 : i32 to vector<16xi32>
        %parallel_loop3A_723 = arith.divsi %parallel_loop3A_713, %parallel_loop3A_722 : vector<16xi32>
        %parallel_loop3A_724 = arith.constant 0 : i32
        %parallel_loop3A_725 = vector.broadcast %parallel_loop3A_724 : i32 to vector<16xi32>
        %parallel_loop3A_726 = arith.cmpi sgt, %parallel_loop3A_713, %parallel_loop3A_725 : vector<16xi32>
        %parallel_loop3A_727 = arith.extui %parallel_loop3A_726 : vector<16xi1> to vector<16xi32>
        %parallel_loop3A_728 = arith.constant 0 : i32
        %parallel_loop3A_729 = vector.broadcast %parallel_loop3A_728 : i32 to vector<16xi32>
        %parallel_loop3A_730 = arith.cmpi slt, %parallel_loop3A_713, %parallel_loop3A_729 : vector<16xi32>
        %parallel_loop3A_731 = arith.extui %parallel_loop3A_730 : vector<16xi1> to vector<16xi32>
        %parallel_loop3A_732 = arith.subi %parallel_loop3A_727, %parallel_loop3A_731 : vector<16xi32>
        %parallel_loop3A_733 = arith.constant 0 : i32
        %parallel_loop3A_734 = arith.cmpi sgt, %parallel_loop3A_721, %parallel_loop3A_733 : i32
        %parallel_loop3A_735 = arith.extui %parallel_loop3A_734 : i1 to i32
        %parallel_loop3A_736 = arith.constant 0 : i32
        %parallel_loop3A_737 = arith.cmpi slt, %parallel_loop3A_721, %parallel_loop3A_736 : i32
        %parallel_loop3A_738 = arith.extui %parallel_loop3A_737 : i1 to i32
        %parallel_loop3A_739 = arith.subi %parallel_loop3A_735, %parallel_loop3A_738 : i32
        %parallel_loop3A_740 = vector.broadcast %parallel_loop3A_739 : i32 to vector<16xi32>
        %parallel_loop3A_741 = arith.cmpi ne, %parallel_loop3A_732, %parallel_loop3A_740 : vector<16xi32>
        %parallel_loop3A_742 = vector.broadcast %parallel_loop3A_721 : i32 to vector<16xi32>
        %parallel_loop3A_743 = arith.remsi %parallel_loop3A_713, %parallel_loop3A_742 : vector<16xi32>
        %parallel_loop3A_744 = arith.constant 0 : i32
        %parallel_loop3A_745 = vector.broadcast %parallel_loop3A_744 : i32 to vector<16xi32>
        %parallel_loop3A_746 = arith.cmpi ne, %parallel_loop3A_743, %parallel_loop3A_745 : vector<16xi32>
        %parallel_loop3A_747 = arith.andi %parallel_loop3A_741, %parallel_loop3A_746 : vector<16xi1>
        %parallel_loop3A_748 = arith.constant 1 : i32
        %parallel_loop3A_749 = vector.broadcast %parallel_loop3A_748 : i32 to vector<16xi32>
        %parallel_loop3A_750 = arith.subi %parallel_loop3A_723, %parallel_loop3A_749 : vector<16xi32>
        %parallel_loop3A_751 = arith.select %parallel_loop3A_747, %parallel_loop3A_750, %parallel_loop3A_723 : vector<16xi1>, vector<16xi32>
        %parallel_loop3A_752 = arith.constant 8 : i32
        %parallel_loop3A_753 = arith.constant 0 : i32
        %parallel_loop3A_754 = arith.cmpi eq, %parallel_loop3A_752, %parallel_loop3A_753 : i32
        %parallel_loop3A_755 = arith.constant 1 : i32
        %parallel_loop3A_756 = arith.select %parallel_loop3A_754, %parallel_loop3A_755, %parallel_loop3A_752 : i32
        %parallel_loop3A_757 = vector.broadcast %parallel_loop3A_756 : i32 to vector<16xi32>
        %parallel_loop3A_758 = arith.remsi %parallel_loop3A_713, %parallel_loop3A_757 : vector<16xi32>
        %parallel_loop3A_759 = arith.constant 0 : i32
        %parallel_loop3A_760 = vector.broadcast %parallel_loop3A_759 : i32 to vector<16xi32>
        %parallel_loop3A_761 = arith.cmpi ne, %parallel_loop3A_758, %parallel_loop3A_760 : vector<16xi32>
        %parallel_loop3A_762 = arith.constant 0 : i32
        %parallel_loop3A_763 = vector.broadcast %parallel_loop3A_762 : i32 to vector<16xi32>
        %parallel_loop3A_764 = arith.cmpi slt, %parallel_loop3A_758, %parallel_loop3A_763 : vector<16xi32>
        %parallel_loop3A_765 = arith.constant 0 : i32
        %parallel_loop3A_766 = arith.cmpi slt, %parallel_loop3A_756, %parallel_loop3A_765 : i32
        %parallel_loop3A_767 = vector.broadcast %parallel_loop3A_766 : i1 to vector<16xi1>
        %parallel_loop3A_768 = vector.broadcast %parallel_loop3A_767 : vector<16xi1> to vector<16xi1>
        %parallel_loop3A_769 = arith.xori %parallel_loop3A_764, %parallel_loop3A_768 : vector<16xi1>
        %parallel_loop3A_770 = arith.andi %parallel_loop3A_769, %parallel_loop3A_761 : vector<16xi1>
        %parallel_loop3A_771 = vector.broadcast %parallel_loop3A_756 : i32 to vector<16xi32>
        %parallel_loop3A_772 = arith.addi %parallel_loop3A_758, %parallel_loop3A_771 : vector<16xi32>
        %parallel_loop3A_773 = arith.select %parallel_loop3A_770, %parallel_loop3A_772, %parallel_loop3A_758 : vector<16xi1>, vector<16xi32>
        %parallel_loop3A_774 = arith.constant 0 : i32
        %parallel_loop3A_775 = arith.constant 0 : i32
        %parallel_loop3A_776 = arith.constant 0 : i32
        %parallel_loop3A_777 = tpu.memref_slice %arg8[%parallel_loop3A_530, %parallel_loop3A_774, %parallel_loop3A_775, %parallel_loop3A_776] : memref<5x8x8x128xf32, #tpu.memory_space<vmem>> -> memref<1x8x8x128xf32, #tpu.memory_space<vmem>>
        %parallel_loop3A_778 = tpu.memref_squeeze %parallel_loop3A_777 : memref<1x8x8x128xf32, #tpu.memory_space<vmem>> -> memref<8x8x128xf32, #tpu.memory_space<vmem>>
        tpu.vector_store_idx %parallel_loop3A_778[%parallel_loop3A_751, %parallel_loop3A_773, %parallel_loop3A_574], %parallel_loop3A_720 : memref<8x8x128xf32, #tpu.memory_space<vmem>>[vector<16xi32>, vector<16xi32>, vector<16xi32>], vector<16xf32>,
        %parallel_loop3A_779 = arith.constant 48 : i32
        %parallel_loop3A_780 = vector.broadcast %parallel_loop3A_779 : i32 to vector<16xi32>
        %parallel_loop3A_781 = arith.addi %parallel_loop3A_780, %iota3A : vector<16xi32>
        %parallel_loop3A_782 = arith.constant 0 : i32
        %parallel_loop3A_783 = arith.constant 0 : i32
        %parallel_loop3A_784 = tpu.memref_slice %arg7[%parallel_loop3A_529, %parallel_loop3A_782, %parallel_loop3A_783] : memref<5x128x64xf32, #tpu.memory_space<vmem>> -> memref<1x128x64xf32, #tpu.memory_space<vmem>>
        %parallel_loop3A_785 = tpu.memref_squeeze %parallel_loop3A_784 : memref<1x128x64xf32, #tpu.memory_space<vmem>> -> memref<128x64xf32, #tpu.memory_space<vmem>>
        %parallel_loop3A_786 = arith.index_cast %parallel_loop3A_569 : i32 to index
        %parallel_loop3A_787 = arith.constant 48 : index
        %parallel_loop3A_788 = tpu.vector_load %parallel_loop3A_785[%parallel_loop3A_786, %parallel_loop3A_787] {strides = array<i32>} : memref<128x64xf32, #tpu.memory_space<vmem>>, vector<16xf32>,
        %parallel_loop3A_789 = arith.constant 8 : i32
        %parallel_loop3A_790 = vector.broadcast %parallel_loop3A_789 : i32 to vector<16xi32>
        %parallel_loop3A_791 = arith.divsi %parallel_loop3A_781, %parallel_loop3A_790 : vector<16xi32>
        %parallel_loop3A_792 = arith.constant 0 : i32
        %parallel_loop3A_793 = vector.broadcast %parallel_loop3A_792 : i32 to vector<16xi32>
        %parallel_loop3A_794 = arith.cmpi sgt, %parallel_loop3A_781, %parallel_loop3A_793 : vector<16xi32>
        %parallel_loop3A_795 = arith.extui %parallel_loop3A_794 : vector<16xi1> to vector<16xi32>
        %parallel_loop3A_796 = arith.constant 0 : i32
        %parallel_loop3A_797 = vector.broadcast %parallel_loop3A_796 : i32 to vector<16xi32>
        %parallel_loop3A_798 = arith.cmpi slt, %parallel_loop3A_781, %parallel_loop3A_797 : vector<16xi32>
        %parallel_loop3A_799 = arith.extui %parallel_loop3A_798 : vector<16xi1> to vector<16xi32>
        %parallel_loop3A_800 = arith.subi %parallel_loop3A_795, %parallel_loop3A_799 : vector<16xi32>
        %parallel_loop3A_801 = arith.constant 0 : i32
        %parallel_loop3A_802 = arith.cmpi sgt, %parallel_loop3A_789, %parallel_loop3A_801 : i32
        %parallel_loop3A_803 = arith.extui %parallel_loop3A_802 : i1 to i32
        %parallel_loop3A_804 = arith.constant 0 : i32
        %parallel_loop3A_805 = arith.cmpi slt, %parallel_loop3A_789, %parallel_loop3A_804 : i32
        %parallel_loop3A_806 = arith.extui %parallel_loop3A_805 : i1 to i32
        %parallel_loop3A_807 = arith.subi %parallel_loop3A_803, %parallel_loop3A_806 : i32
        %parallel_loop3A_808 = vector.broadcast %parallel_loop3A_807 : i32 to vector<16xi32>
        %parallel_loop3A_809 = arith.cmpi ne, %parallel_loop3A_800, %parallel_loop3A_808 : vector<16xi32>
        %parallel_loop3A_810 = vector.broadcast %parallel_loop3A_789 : i32 to vector<16xi32>
        %parallel_loop3A_811 = arith.remsi %parallel_loop3A_781, %parallel_loop3A_810 : vector<16xi32>
        %parallel_loop3A_812 = arith.constant 0 : i32
        %parallel_loop3A_813 = vector.broadcast %parallel_loop3A_812 : i32 to vector<16xi32>
        %parallel_loop3A_814 = arith.cmpi ne, %parallel_loop3A_811, %parallel_loop3A_813 : vector<16xi32>
        %parallel_loop3A_815 = arith.andi %parallel_loop3A_809, %parallel_loop3A_814 : vector<16xi1>
        %parallel_loop3A_816 = arith.constant 1 : i32
        %parallel_loop3A_817 = vector.broadcast %parallel_loop3A_816 : i32 to vector<16xi32>
        %parallel_loop3A_818 = arith.subi %parallel_loop3A_791, %parallel_loop3A_817 : vector<16xi32>
        %parallel_loop3A_819 = arith.select %parallel_loop3A_815, %parallel_loop3A_818, %parallel_loop3A_791 : vector<16xi1>, vector<16xi32>
        %parallel_loop3A_820 = arith.constant 8 : i32
        %parallel_loop3A_821 = arith.constant 0 : i32
        %parallel_loop3A_822 = arith.cmpi eq, %parallel_loop3A_820, %parallel_loop3A_821 : i32
        %parallel_loop3A_823 = arith.constant 1 : i32
        %parallel_loop3A_824 = arith.select %parallel_loop3A_822, %parallel_loop3A_823, %parallel_loop3A_820 : i32
        %parallel_loop3A_825 = vector.broadcast %parallel_loop3A_824 : i32 to vector<16xi32>
        %parallel_loop3A_826 = arith.remsi %parallel_loop3A_781, %parallel_loop3A_825 : vector<16xi32>
        %parallel_loop3A_827 = arith.constant 0 : i32
        %parallel_loop3A_828 = vector.broadcast %parallel_loop3A_827 : i32 to vector<16xi32>
        %parallel_loop3A_829 = arith.cmpi ne, %parallel_loop3A_826, %parallel_loop3A_828 : vector<16xi32>
        %parallel_loop3A_830 = arith.constant 0 : i32
        %parallel_loop3A_831 = vector.broadcast %parallel_loop3A_830 : i32 to vector<16xi32>
        %parallel_loop3A_832 = arith.cmpi slt, %parallel_loop3A_826, %parallel_loop3A_831 : vector<16xi32>
        %parallel_loop3A_833 = arith.constant 0 : i32
        %parallel_loop3A_834 = arith.cmpi slt, %parallel_loop3A_824, %parallel_loop3A_833 : i32
        %parallel_loop3A_835 = vector.broadcast %parallel_loop3A_834 : i1 to vector<16xi1>
        %parallel_loop3A_836 = vector.broadcast %parallel_loop3A_835 : vector<16xi1> to vector<16xi1>
        %parallel_loop3A_837 = arith.xori %parallel_loop3A_832, %parallel_loop3A_836 : vector<16xi1>
        %parallel_loop3A_838 = arith.andi %parallel_loop3A_837, %parallel_loop3A_829 : vector<16xi1>
        %parallel_loop3A_839 = vector.broadcast %parallel_loop3A_824 : i32 to vector<16xi32>
        %parallel_loop3A_840 = arith.addi %parallel_loop3A_826, %parallel_loop3A_839 : vector<16xi32>
        %parallel_loop3A_841 = arith.select %parallel_loop3A_838, %parallel_loop3A_840, %parallel_loop3A_826 : vector<16xi1>, vector<16xi32>
        %parallel_loop3A_842 = arith.constant 0 : i32
        %parallel_loop3A_843 = arith.constant 0 : i32
        %parallel_loop3A_844 = arith.constant 0 : i32
        %parallel_loop3A_845 = tpu.memref_slice %arg8[%parallel_loop3A_530, %parallel_loop3A_842, %parallel_loop3A_843, %parallel_loop3A_844] : memref<5x8x8x128xf32, #tpu.memory_space<vmem>> -> memref<1x8x8x128xf32, #tpu.memory_space<vmem>>
        %parallel_loop3A_846 = tpu.memref_squeeze %parallel_loop3A_845 : memref<1x8x8x128xf32, #tpu.memory_space<vmem>> -> memref<8x8x128xf32, #tpu.memory_space<vmem>>
        tpu.vector_store_idx %parallel_loop3A_846[%parallel_loop3A_819, %parallel_loop3A_841, %parallel_loop3A_574], %parallel_loop3A_788 : memref<8x8x128xf32, #tpu.memory_space<vmem>>[vector<16xi32>, vector<16xi32>, vector<16xi32>], vector<16xf32>,
      } {sc.loop_unroll_factor = 1 : i64, sc.parallel_access}
      %dma_start3A_531 = arith.constant 4 : i32
      %dma_start3A_532 = arith.constant 0 : i32
      %dma_start3A_533 = arith.constant 0 : i32
      %dma_start3A_534 = arith.constant 0 : i32
      %dma_start3A_535 = tpu.memref_slice %arg8[%dma_start3A_531, %dma_start3A_532, %dma_start3A_533, %dma_start3A_534] : memref<5x8x8x128xf32, #tpu.memory_space<vmem>> -> memref<1x8x8x128xf32, #tpu.memory_space<vmem>>
      %dma_start3A_536 = tpu.memref_squeeze %dma_start3A_535 : memref<1x8x8x128xf32, #tpu.memory_space<vmem>> -> memref<8x8x128xf32, #tpu.memory_space<vmem>>
      %dma_start3A_537 = arith.constant 0 : i32
      %dma_start3A_538 = arith.constant 0 : i32
      %dma_start3A_539 = arith.constant 0 : i32
      %dma_start3A_540 = arith.constant 0 : i32
      %dma_start3A_541 = tpu.memref_slice %arg4[%add3A_505, %dma_start3A_537, %dma_start3A_538, %dma_start3A_539, %dma_start3A_540] : memref<50x8x32x8x128xf32, #tpu.memory_space<hbm>> -> memref<1x8x32x8x128xf32, #tpu.memory_space<hbm>>
      %dma_start3A_542 = tpu.memref_squeeze %dma_start3A_541 : memref<1x8x32x8x128xf32, #tpu.memory_space<hbm>> -> memref<8x32x8x128xf32, #tpu.memory_space<hbm>>
      %dma_start3A_543 = arith.constant 0 : i32
      %dma_start3A_544 = arith.constant 0 : i32
      %dma_start3A_545 = arith.constant 0 : i32
      %dma_start3A_546 = tpu.memref_slice %dma_start3A_542[%dma_start3A_543, %add3A, %dma_start3A_544, %dma_start3A_545] : memref<8x32x8x128xf32, #tpu.memory_space<hbm>> -> memref<8x1x8x128xf32, #tpu.memory_space<hbm>>
      %dma_start3A_547 = tpu.memref_squeeze %dma_start3A_546 : memref<8x1x8x128xf32, #tpu.memory_space<hbm>> -> memref<8x8x128xf32, #tpu.memory_space<hbm>>
      %dma_start3A_548 = arith.constant 0 : i32
      %dma_start3A_549 = arith.constant 0 : i32
      %dma_start3A_550 = arith.constant 0 : i32
      %dma_start3A_551 = arith.constant 0 : i32
      %dma_start3A_552 = tpu.memref_slice %arg4[%add3A_505, %dma_start3A_548, %dma_start3A_549, %dma_start3A_550, %dma_start3A_551] : memref<50x8x32x8x128xf32, #tpu.memory_space<hbm>> -> memref<1x8x32x8x128xf32, #tpu.memory_space<hbm>>
      %dma_start3A_553 = tpu.memref_squeeze %dma_start3A_552 : memref<1x8x32x8x128xf32, #tpu.memory_space<hbm>> -> memref<8x32x8x128xf32, #tpu.memory_space<hbm>>
      %dma_start3A_554 = arith.constant 0 : i32
      %dma_start3A_555 = arith.constant 0 : i32
      %dma_start3A_556 = arith.constant 0 : i32
      %dma_start3A_557 = tpu.memref_slice %dma_start3A_553[%dma_start3A_554, %add3A, %dma_start3A_555, %dma_start3A_556] : memref<8x32x8x128xf32, #tpu.memory_space<hbm>> -> memref<8x1x8x128xf32, #tpu.memory_space<hbm>>
      %dma_start3A_558 = tpu.memref_squeeze %dma_start3A_557 : memref<8x1x8x128xf32, #tpu.memory_space<hbm>> -> memref<8x8x128xf32, #tpu.memory_space<hbm>>
      %dma_start3A_559 = arith.constant 0 : i32
      %dma_start3A_560 = arith.constant 0 : i32
      %dma_start3A_561 = arith.constant 0 : i32
      %dma_start3A_562 = tpu.memref_slice %arg8[%dma_start3A_531, %dma_start3A_559, %dma_start3A_560, %dma_start3A_561] : memref<5x8x8x128xf32, #tpu.memory_space<vmem>> -> memref<1x8x8x128xf32, #tpu.memory_space<vmem>>
      %dma_start3A_563 = tpu.memref_squeeze %dma_start3A_562 : memref<1x8x8x128xf32, #tpu.memory_space<vmem>> -> memref<8x8x128xf32, #tpu.memory_space<vmem>>
      tpu.enqueue_dma source(%dma_start3A_563 : memref<8x8x128xf32, #tpu.memory_space<vmem>>) target(%dma_start3A_558 : memref<8x8x128xf32, #tpu.memory_space<hbm>>) target_semaphore(%arg19 : memref<!tpu.dma_semaphore, #tpu.memory_space<semaphore_mem>>)
      %lt3A_564 = arith.constant 9 : i32
      %lt3A_565 = arith.cmpi slt, %add3A_238, %lt3A_564 : i32
      %convert_element_type3A_566 = arith.extui %lt3A_565 : i1 to i32
      %cond3A_567 = arith.constant 0 : i32
      %cond3A_568 = arith.cmpi ne, %convert_element_type3A_566, %cond3A_567 : i32
      scf.if %cond3A_568 {
        %add3A_569 = arith.constant 5 : i32
        %add3A_570 = arith.addi %add3A_505, %add3A_569 : i32
        %mul3A_571 = arith.constant 128 : i32
        %mul3A_572 = arith.muli %add3A_570, %mul3A_571 : i32
        %multiple_of3A_573 = tpu.assume_multiple %mul3A_572, 128 : i32
        %dma_start3A_574 = arith.constant 4 : i32
        %dma_start3A_575 = arith.constant 0 : i32
        %dma_start3A_576 = arith.constant 0 : i32
        %dma_start3A_577 = tpu.memref_slice %arg7[%dma_start3A_574, %dma_start3A_575, %dma_start3A_576] : memref<5x128x64xf32, #tpu.memory_space<vmem>> -> memref<1x128x64xf32, #tpu.memory_space<vmem>>
        %dma_start3A_578 = tpu.memref_squeeze %dma_start3A_577 : memref<1x128x64xf32, #tpu.memory_space<vmem>> -> memref<128x64xf32, #tpu.memory_space<vmem>>
        %dma_start3A_579 = tpu.memref_slice %arg6[%multiple_of3A_573] : memref<6400xi32, #tpu.memory_space<vmem>> -> memref<128xi32, #tpu.memory_space<vmem>>
        %dma_start3A_580 = arith.constant 0 : i32
        %dma_start3A_581 = arith.constant 0 : i32
        %dma_start3A_582 = tpu.memref_slice %arg2[%dma_start3A_580, %dma_start3A_581] : memref<100000x64xf32, #tpu.memory_space<hbm>> -> memref<100000x64xf32, #tpu.memory_space<hbm>>
        tpu.enqueue_indirect_dma source(%dma_start3A_582 : memref<100000x64xf32, #tpu.memory_space<hbm>>) target(%dma_start3A_578 : memref<128x64xf32, #tpu.memory_space<vmem>>) offsets(%dma_start3A_579 : memref<128xi32, #tpu.memory_space<vmem>>) semaphore(%arg14 : memref<!tpu.dma_semaphore, #tpu.memory_space<semaphore_mem>>)
      } else {
      }
    }
    %scan3A_64 = arith.constant 10 : i32
    %dma_wait3A = arith.constant 0 : i32
    %dma_wait3A_65 = arith.constant 0 : i32
    %dma_wait3A_66 = arith.constant 0 : i32
    %dma_wait3A_67 = arith.constant 0 : i32
    %dma_wait3A_68 = arith.constant 0 : i32
    %dma_wait3A_69 = tpu.memref_slice %arg8[%dma_wait3A, %dma_wait3A_66, %dma_wait3A_67, %dma_wait3A_68] : memref<5x8x8x128xf32, #tpu.memory_space<vmem>> -> memref<1x8x8x128xf32, #tpu.memory_space<vmem>>
    %dma_wait3A_70 = tpu.memref_squeeze %dma_wait3A_69 : memref<1x8x8x128xf32, #tpu.memory_space<vmem>> -> memref<8x8x128xf32, #tpu.memory_space<vmem>>
    %dma_wait3A_71 = arith.constant 0 : i32
    %dma_wait3A_72 = arith.constant 0 : i32
    %dma_wait3A_73 = arith.constant 0 : i32
    %dma_wait3A_74 = arith.constant 0 : i32
    %dma_wait3A_75 = tpu.memref_slice %arg4[%dma_wait3A_65, %dma_wait3A_71, %dma_wait3A_72, %dma_wait3A_73, %dma_wait3A_74] : memref<50x8x32x8x128xf32, #tpu.memory_space<hbm>> -> memref<1x8x32x8x128xf32, #tpu.memory_space<hbm>>
    %dma_wait3A_76 = tpu.memref_squeeze %dma_wait3A_75 : memref<1x8x32x8x128xf32, #tpu.memory_space<hbm>> -> memref<8x32x8x128xf32, #tpu.memory_space<hbm>>
    %dma_wait3A_77 = arith.constant 0 : i32
    %dma_wait3A_78 = arith.constant 0 : i32
    %dma_wait3A_79 = arith.constant 0 : i32
    %dma_wait3A_80 = tpu.memref_slice %dma_wait3A_76[%dma_wait3A_77, %add3A, %dma_wait3A_78, %dma_wait3A_79] : memref<8x32x8x128xf32, #tpu.memory_space<hbm>> -> memref<8x1x8x128xf32, #tpu.memory_space<hbm>>
    %dma_wait3A_81 = tpu.memref_squeeze %dma_wait3A_80 : memref<8x1x8x128xf32, #tpu.memory_space<hbm>> -> memref<8x8x128xf32, #tpu.memory_space<hbm>>
    %dma_wait3A_82 = arith.constant 0 : i32
    %dma_wait3A_83 = arith.constant 0 : i32
    %dma_wait3A_84 = arith.constant 0 : i32
    %dma_wait3A_85 = arith.constant 0 : i32
    %dma_wait3A_86 = tpu.memref_slice %arg4[%dma_wait3A_65, %dma_wait3A_82, %dma_wait3A_83, %dma_wait3A_84, %dma_wait3A_85] : memref<50x8x32x8x128xf32, #tpu.memory_space<hbm>> -> memref<1x8x32x8x128xf32, #tpu.memory_space<hbm>>
    %dma_wait3A_87 = tpu.memref_squeeze %dma_wait3A_86 : memref<1x8x32x8x128xf32, #tpu.memory_space<hbm>> -> memref<8x32x8x128xf32, #tpu.memory_space<hbm>>
    %dma_wait3A_88 = arith.constant 0 : i32
    %dma_wait3A_89 = arith.constant 0 : i32
    %dma_wait3A_90 = arith.constant 0 : i32
    %dma_wait3A_91 = tpu.memref_slice %dma_wait3A_87[%dma_wait3A_88, %add3A, %dma_wait3A_89, %dma_wait3A_90] : memref<8x32x8x128xf32, #tpu.memory_space<hbm>> -> memref<8x1x8x128xf32, #tpu.memory_space<hbm>>
    %dma_wait3A_92 = tpu.memref_squeeze %dma_wait3A_91 : memref<8x1x8x128xf32, #tpu.memory_space<hbm>> -> memref<8x8x128xf32, #tpu.memory_space<hbm>>
    %dma_wait3A_93 = arith.constant 0 : i32
    %dma_wait3A_94 = arith.constant 0 : i32
    %dma_wait3A_95 = arith.constant 0 : i32
    %dma_wait3A_96 = tpu.memref_slice %arg8[%dma_wait3A, %dma_wait3A_93, %dma_wait3A_94, %dma_wait3A_95] : memref<5x8x8x128xf32, #tpu.memory_space<vmem>> -> memref<1x8x8x128xf32, #tpu.memory_space<vmem>>
    %dma_wait3A_97 = tpu.memref_squeeze %dma_wait3A_96 : memref<1x8x8x128xf32, #tpu.memory_space<vmem>> -> memref<8x8x128xf32, #tpu.memory_space<vmem>>
    tpu.wait_dma2 semaphore(%arg15 : memref<!tpu.dma_semaphore, #tpu.memory_space<semaphore_mem>>) src(%dma_wait3A_97 : memref<8x8x128xf32, #tpu.memory_space<vmem>>) dst(%dma_wait3A_92 : memref<8x8x128xf32, #tpu.memory_space<hbm>>)
    %dma_wait3A_98 = arith.constant 1 : i32
    %dma_wait3A_99 = arith.constant 0 : i32
    %dma_wait3A_100 = arith.constant 0 : i32
    %dma_wait3A_101 = arith.constant 0 : i32
    %dma_wait3A_102 = arith.constant 0 : i32
    %dma_wait3A_103 = tpu.memref_slice %arg8[%dma_wait3A_98, %dma_wait3A_100, %dma_wait3A_101, %dma_wait3A_102] : memref<5x8x8x128xf32, #tpu.memory_space<vmem>> -> memref<1x8x8x128xf32, #tpu.memory_space<vmem>>
    %dma_wait3A_104 = tpu.memref_squeeze %dma_wait3A_103 : memref<1x8x8x128xf32, #tpu.memory_space<vmem>> -> memref<8x8x128xf32, #tpu.memory_space<vmem>>
    %dma_wait3A_105 = arith.constant 0 : i32
    %dma_wait3A_106 = arith.constant 0 : i32
    %dma_wait3A_107 = arith.constant 0 : i32
    %dma_wait3A_108 = arith.constant 0 : i32
    %dma_wait3A_109 = tpu.memref_slice %arg4[%dma_wait3A_99, %dma_wait3A_105, %dma_wait3A_106, %dma_wait3A_107, %dma_wait3A_108] : memref<50x8x32x8x128xf32, #tpu.memory_space<hbm>> -> memref<1x8x32x8x128xf32, #tpu.memory_space<hbm>>
    %dma_wait3A_110 = tpu.memref_squeeze %dma_wait3A_109 : memref<1x8x32x8x128xf32, #tpu.memory_space<hbm>> -> memref<8x32x8x128xf32, #tpu.memory_space<hbm>>
    %dma_wait3A_111 = arith.constant 0 : i32
    %dma_wait3A_112 = arith.constant 0 : i32
    %dma_wait3A_113 = arith.constant 0 : i32
    %dma_wait3A_114 = tpu.memref_slice %dma_wait3A_110[%dma_wait3A_111, %add3A, %dma_wait3A_112, %dma_wait3A_113] : memref<8x32x8x128xf32, #tpu.memory_space<hbm>> -> memref<8x1x8x128xf32, #tpu.memory_space<hbm>>
    %dma_wait3A_115 = tpu.memref_squeeze %dma_wait3A_114 : memref<8x1x8x128xf32, #tpu.memory_space<hbm>> -> memref<8x8x128xf32, #tpu.memory_space<hbm>>
    %dma_wait3A_116 = arith.constant 0 : i32
    %dma_wait3A_117 = arith.constant 0 : i32
    %dma_wait3A_118 = arith.constant 0 : i32
    %dma_wait3A_119 = arith.constant 0 : i32
    %dma_wait3A_120 = tpu.memref_slice %arg4[%dma_wait3A_99, %dma_wait3A_116, %dma_wait3A_117, %dma_wait3A_118, %dma_wait3A_119] : memref<50x8x32x8x128xf32, #tpu.memory_space<hbm>> -> memref<1x8x32x8x128xf32, #tpu.memory_space<hbm>>
    %dma_wait3A_121 = tpu.memref_squeeze %dma_wait3A_120 : memref<1x8x32x8x128xf32, #tpu.memory_space<hbm>> -> memref<8x32x8x128xf32, #tpu.memory_space<hbm>>
    %dma_wait3A_122 = arith.constant 0 : i32
    %dma_wait3A_123 = arith.constant 0 : i32
    %dma_wait3A_124 = arith.constant 0 : i32
    %dma_wait3A_125 = tpu.memref_slice %dma_wait3A_121[%dma_wait3A_122, %add3A, %dma_wait3A_123, %dma_wait3A_124] : memref<8x32x8x128xf32, #tpu.memory_space<hbm>> -> memref<8x1x8x128xf32, #tpu.memory_space<hbm>>
    %dma_wait3A_126 = tpu.memref_squeeze %dma_wait3A_125 : memref<8x1x8x128xf32, #tpu.memory_space<hbm>> -> memref<8x8x128xf32, #tpu.memory_space<hbm>>
    %dma_wait3A_127 = arith.constant 0 : i32
    %dma_wait3A_128 = arith.constant 0 : i32
    %dma_wait3A_129 = arith.constant 0 : i32
    %dma_wait3A_130 = tpu.memref_slice %arg8[%dma_wait3A_98, %dma_wait3A_127, %dma_wait3A_128, %dma_wait3A_129] : memref<5x8x8x128xf32, #tpu.memory_space<vmem>> -> memref<1x8x8x128xf32, #tpu.memory_space<vmem>>
    %dma_wait3A_131 = tpu.memref_squeeze %dma_wait3A_130 : memref<1x8x8x128xf32, #tpu.memory_space<vmem>> -> memref<8x8x128xf32, #tpu.memory_space<vmem>>
    tpu.wait_dma2 semaphore(%arg16 : memref<!tpu.dma_semaphore, #tpu.memory_space<semaphore_mem>>) src(%dma_wait3A_131 : memref<8x8x128xf32, #tpu.memory_space<vmem>>) dst(%dma_wait3A_126 : memref<8x8x128xf32, #tpu.memory_space<hbm>>)
    %dma_wait3A_132 = arith.constant 2 : i32
    %dma_wait3A_133 = arith.constant 0 : i32
    %dma_wait3A_134 = arith.constant 0 : i32
    %dma_wait3A_135 = arith.constant 0 : i32
    %dma_wait3A_136 = arith.constant 0 : i32
    %dma_wait3A_137 = tpu.memref_slice %arg8[%dma_wait3A_132, %dma_wait3A_134, %dma_wait3A_135, %dma_wait3A_136] : memref<5x8x8x128xf32, #tpu.memory_space<vmem>> -> memref<1x8x8x128xf32, #tpu.memory_space<vmem>>
    %dma_wait3A_138 = tpu.memref_squeeze %dma_wait3A_137 : memref<1x8x8x128xf32, #tpu.memory_space<vmem>> -> memref<8x8x128xf32, #tpu.memory_space<vmem>>
    %dma_wait3A_139 = arith.constant 0 : i32
    %dma_wait3A_140 = arith.constant 0 : i32
    %dma_wait3A_141 = arith.constant 0 : i32
    %dma_wait3A_142 = arith.constant 0 : i32
    %dma_wait3A_143 = tpu.memref_slice %arg4[%dma_wait3A_133, %dma_wait3A_139, %dma_wait3A_140, %dma_wait3A_141, %dma_wait3A_142] : memref<50x8x32x8x128xf32, #tpu.memory_space<hbm>> -> memref<1x8x32x8x128xf32, #tpu.memory_space<hbm>>
    %dma_wait3A_144 = tpu.memref_squeeze %dma_wait3A_143 : memref<1x8x32x8x128xf32, #tpu.memory_space<hbm>> -> memref<8x32x8x128xf32, #tpu.memory_space<hbm>>
    %dma_wait3A_145 = arith.constant 0 : i32
    %dma_wait3A_146 = arith.constant 0 : i32
    %dma_wait3A_147 = arith.constant 0 : i32
    %dma_wait3A_148 = tpu.memref_slice %dma_wait3A_144[%dma_wait3A_145, %add3A, %dma_wait3A_146, %dma_wait3A_147] : memref<8x32x8x128xf32, #tpu.memory_space<hbm>> -> memref<8x1x8x128xf32, #tpu.memory_space<hbm>>
    %dma_wait3A_149 = tpu.memref_squeeze %dma_wait3A_148 : memref<8x1x8x128xf32, #tpu.memory_space<hbm>> -> memref<8x8x128xf32, #tpu.memory_space<hbm>>
    %dma_wait3A_150 = arith.constant 0 : i32
    %dma_wait3A_151 = arith.constant 0 : i32
    %dma_wait3A_152 = arith.constant 0 : i32
    %dma_wait3A_153 = arith.constant 0 : i32
    %dma_wait3A_154 = tpu.memref_slice %arg4[%dma_wait3A_133, %dma_wait3A_150, %dma_wait3A_151, %dma_wait3A_152, %dma_wait3A_153] : memref<50x8x32x8x128xf32, #tpu.memory_space<hbm>> -> memref<1x8x32x8x128xf32, #tpu.memory_space<hbm>>
    %dma_wait3A_155 = tpu.memref_squeeze %dma_wait3A_154 : memref<1x8x32x8x128xf32, #tpu.memory_space<hbm>> -> memref<8x32x8x128xf32, #tpu.memory_space<hbm>>
    %dma_wait3A_156 = arith.constant 0 : i32
    %dma_wait3A_157 = arith.constant 0 : i32
    %dma_wait3A_158 = arith.constant 0 : i32
    %dma_wait3A_159 = tpu.memref_slice %dma_wait3A_155[%dma_wait3A_156, %add3A, %dma_wait3A_157, %dma_wait3A_158] : memref<8x32x8x128xf32, #tpu.memory_space<hbm>> -> memref<8x1x8x128xf32, #tpu.memory_space<hbm>>
    %dma_wait3A_160 = tpu.memref_squeeze %dma_wait3A_159 : memref<8x1x8x128xf32, #tpu.memory_space<hbm>> -> memref<8x8x128xf32, #tpu.memory_space<hbm>>
    %dma_wait3A_161 = arith.constant 0 : i32
    %dma_wait3A_162 = arith.constant 0 : i32
    %dma_wait3A_163 = arith.constant 0 : i32
    %dma_wait3A_164 = tpu.memref_slice %arg8[%dma_wait3A_132, %dma_wait3A_161, %dma_wait3A_162, %dma_wait3A_163] : memref<5x8x8x128xf32, #tpu.memory_space<vmem>> -> memref<1x8x8x128xf32, #tpu.memory_space<vmem>>
    %dma_wait3A_165 = tpu.memref_squeeze %dma_wait3A_164 : memref<1x8x8x128xf32, #tpu.memory_space<vmem>> -> memref<8x8x128xf32, #tpu.memory_space<vmem>>
    tpu.wait_dma2 semaphore(%arg17 : memref<!tpu.dma_semaphore, #tpu.memory_space<semaphore_mem>>) src(%dma_wait3A_165 : memref<8x8x128xf32, #tpu.memory_space<vmem>>) dst(%dma_wait3A_160 : memref<8x8x128xf32, #tpu.memory_space<hbm>>)
    %dma_wait3A_166 = arith.constant 3 : i32
    %dma_wait3A_167 = arith.constant 0 : i32
    %dma_wait3A_168 = arith.constant 0 : i32
    %dma_wait3A_169 = arith.constant 0 : i32
    %dma_wait3A_170 = arith.constant 0 : i32
    %dma_wait3A_171 = tpu.memref_slice %arg8[%dma_wait3A_166, %dma_wait3A_168, %dma_wait3A_169, %dma_wait3A_170] : memref<5x8x8x128xf32, #tpu.memory_space<vmem>> -> memref<1x8x8x128xf32, #tpu.memory_space<vmem>>
    %dma_wait3A_172 = tpu.memref_squeeze %dma_wait3A_171 : memref<1x8x8x128xf32, #tpu.memory_space<vmem>> -> memref<8x8x128xf32, #tpu.memory_space<vmem>>
    %dma_wait3A_173 = arith.constant 0 : i32
    %dma_wait3A_174 = arith.constant 0 : i32
    %dma_wait3A_175 = arith.constant 0 : i32
    %dma_wait3A_176 = arith.constant 0 : i32
    %dma_wait3A_177 = tpu.memref_slice %arg4[%dma_wait3A_167, %dma_wait3A_173, %dma_wait3A_174, %dma_wait3A_175, %dma_wait3A_176] : memref<50x8x32x8x128xf32, #tpu.memory_space<hbm>> -> memref<1x8x32x8x128xf32, #tpu.memory_space<hbm>>
    %dma_wait3A_178 = tpu.memref_squeeze %dma_wait3A_177 : memref<1x8x32x8x128xf32, #tpu.memory_space<hbm>> -> memref<8x32x8x128xf32, #tpu.memory_space<hbm>>
    %dma_wait3A_179 = arith.constant 0 : i32
    %dma_wait3A_180 = arith.constant 0 : i32
    %dma_wait3A_181 = arith.constant 0 : i32
    %dma_wait3A_182 = tpu.memref_slice %dma_wait3A_178[%dma_wait3A_179, %add3A, %dma_wait3A_180, %dma_wait3A_181] : memref<8x32x8x128xf32, #tpu.memory_space<hbm>> -> memref<8x1x8x128xf32, #tpu.memory_space<hbm>>
    %dma_wait3A_183 = tpu.memref_squeeze %dma_wait3A_182 : memref<8x1x8x128xf32, #tpu.memory_space<hbm>> -> memref<8x8x128xf32, #tpu.memory_space<hbm>>
    %dma_wait3A_184 = arith.constant 0 : i32
    %dma_wait3A_185 = arith.constant 0 : i32
    %dma_wait3A_186 = arith.constant 0 : i32
    %dma_wait3A_187 = arith.constant 0 : i32
    %dma_wait3A_188 = tpu.memref_slice %arg4[%dma_wait3A_167, %dma_wait3A_184, %dma_wait3A_185, %dma_wait3A_186, %dma_wait3A_187] : memref<50x8x32x8x128xf32, #tpu.memory_space<hbm>> -> memref<1x8x32x8x128xf32, #tpu.memory_space<hbm>>
    %dma_wait3A_189 = tpu.memref_squeeze %dma_wait3A_188 : memref<1x8x32x8x128xf32, #tpu.memory_space<hbm>> -> memref<8x32x8x128xf32, #tpu.memory_space<hbm>>
    %dma_wait3A_190 = arith.constant 0 : i32
    %dma_wait3A_191 = arith.constant 0 : i32
    %dma_wait3A_192 = arith.constant 0 : i32
    %dma_wait3A_193 = tpu.memref_slice %dma_wait3A_189[%dma_wait3A_190, %add3A, %dma_wait3A_191, %dma_wait3A_192] : memref<8x32x8x128xf32, #tpu.memory_space<hbm>> -> memref<8x1x8x128xf32, #tpu.memory_space<hbm>>
    %dma_wait3A_194 = tpu.memref_squeeze %dma_wait3A_193 : memref<8x1x8x128xf32, #tpu.memory_space<hbm>> -> memref<8x8x128xf32, #tpu.memory_space<hbm>>
    %dma_wait3A_195 = arith.constant 0 : i32
    %dma_wait3A_196 = arith.constant 0 : i32
    %dma_wait3A_197 = arith.constant 0 : i32
    %dma_wait3A_198 = tpu.memref_slice %arg8[%dma_wait3A_166, %dma_wait3A_195, %dma_wait3A_196, %dma_wait3A_197] : memref<5x8x8x128xf32, #tpu.memory_space<vmem>> -> memref<1x8x8x128xf32, #tpu.memory_space<vmem>>
    %dma_wait3A_199 = tpu.memref_squeeze %dma_wait3A_198 : memref<1x8x8x128xf32, #tpu.memory_space<vmem>> -> memref<8x8x128xf32, #tpu.memory_space<vmem>>
    tpu.wait_dma2 semaphore(%arg18 : memref<!tpu.dma_semaphore, #tpu.memory_space<semaphore_mem>>) src(%dma_wait3A_199 : memref<8x8x128xf32, #tpu.memory_space<vmem>>) dst(%dma_wait3A_194 : memref<8x8x128xf32, #tpu.memory_space<hbm>>)
    %dma_wait3A_200 = arith.constant 4 : i32
    %dma_wait3A_201 = arith.constant 0 : i32
    %dma_wait3A_202 = arith.constant 0 : i32
    %dma_wait3A_203 = arith.constant 0 : i32
    %dma_wait3A_204 = arith.constant 0 : i32
    %dma_wait3A_205 = tpu.memref_slice %arg8[%dma_wait3A_200, %dma_wait3A_202, %dma_wait3A_203, %dma_wait3A_204] : memref<5x8x8x128xf32, #tpu.memory_space<vmem>> -> memref<1x8x8x128xf32, #tpu.memory_space<vmem>>
    %dma_wait3A_206 = tpu.memref_squeeze %dma_wait3A_205 : memref<1x8x8x128xf32, #tpu.memory_space<vmem>> -> memref<8x8x128xf32, #tpu.memory_space<vmem>>
    %dma_wait3A_207 = arith.constant 0 : i32
    %dma_wait3A_208 = arith.constant 0 : i32
    %dma_wait3A_209 = arith.constant 0 : i32
    %dma_wait3A_210 = arith.constant 0 : i32
    %dma_wait3A_211 = tpu.memref_slice %arg4[%dma_wait3A_201, %dma_wait3A_207, %dma_wait3A_208, %dma_wait3A_209, %dma_wait3A_210] : memref<50x8x32x8x128xf32, #tpu.memory_space<hbm>> -> memref<1x8x32x8x128xf32, #tpu.memory_space<hbm>>
    %dma_wait3A_212 = tpu.memref_squeeze %dma_wait3A_211 : memref<1x8x32x8x128xf32, #tpu.memory_space<hbm>> -> memref<8x32x8x128xf32, #tpu.memory_space<hbm>>
    %dma_wait3A_213 = arith.constant 0 : i32
    %dma_wait3A_214 = arith.constant 0 : i32
    %dma_wait3A_215 = arith.constant 0 : i32
    %dma_wait3A_216 = tpu.memref_slice %dma_wait3A_212[%dma_wait3A_213, %add3A, %dma_wait3A_214, %dma_wait3A_215] : memref<8x32x8x128xf32, #tpu.memory_space<hbm>> -> memref<8x1x8x128xf32, #tpu.memory_space<hbm>>
    %dma_wait3A_217 = tpu.memref_squeeze %dma_wait3A_216 : memref<8x1x8x128xf32, #tpu.memory_space<hbm>> -> memref<8x8x128xf32, #tpu.memory_space<hbm>>
    %dma_wait3A_218 = arith.constant 0 : i32
    %dma_wait3A_219 = arith.constant 0 : i32
    %dma_wait3A_220 = arith.constant 0 : i32
    %dma_wait3A_221 = arith.constant 0 : i32
    %dma_wait3A_222 = tpu.memref_slice %arg4[%dma_wait3A_201, %dma_wait3A_218, %dma_wait3A_219, %dma_wait3A_220, %dma_wait3A_221] : memref<50x8x32x8x128xf32, #tpu.memory_space<hbm>> -> memref<1x8x32x8x128xf32, #tpu.memory_space<hbm>>
    %dma_wait3A_223 = tpu.memref_squeeze %dma_wait3A_222 : memref<1x8x32x8x128xf32, #tpu.memory_space<hbm>> -> memref<8x32x8x128xf32, #tpu.memory_space<hbm>>
    %dma_wait3A_224 = arith.constant 0 : i32
    %dma_wait3A_225 = arith.constant 0 : i32
    %dma_wait3A_226 = arith.constant 0 : i32
    %dma_wait3A_227 = tpu.memref_slice %dma_wait3A_223[%dma_wait3A_224, %add3A, %dma_wait3A_225, %dma_wait3A_226] : memref<8x32x8x128xf32, #tpu.memory_space<hbm>> -> memref<8x1x8x128xf32, #tpu.memory_space<hbm>>
    %dma_wait3A_228 = tpu.memref_squeeze %dma_wait3A_227 : memref<8x1x8x128xf32, #tpu.memory_space<hbm>> -> memref<8x8x128xf32, #tpu.memory_space<hbm>>
    %dma_wait3A_229 = arith.constant 0 : i32
    %dma_wait3A_230 = arith.constant 0 : i32
    %dma_wait3A_231 = arith.constant 0 : i32
    %dma_wait3A_232 = tpu.memref_slice %arg8[%dma_wait3A_200, %dma_wait3A_229, %dma_wait3A_230, %dma_wait3A_231] : memref<5x8x8x128xf32, #tpu.memory_space<vmem>> -> memref<1x8x8x128xf32, #tpu.memory_space<vmem>>
    %dma_wait3A_233 = tpu.memref_squeeze %dma_wait3A_232 : memref<1x8x8x128xf32, #tpu.memory_space<vmem>> -> memref<8x8x128xf32, #tpu.memory_space<vmem>>
    tpu.wait_dma2 semaphore(%arg19 : memref<!tpu.dma_semaphore, #tpu.memory_space<semaphore_mem>>) src(%dma_wait3A_233 : memref<8x8x128xf32, #tpu.memory_space<vmem>>) dst(%dma_wait3A_228 : memref<8x8x128xf32, #tpu.memory_space<hbm>>)
    return
  }
}

</mosaic_0001>

<sc_bundles>
// kernel: kernel.3.cloned.1.call-start
scs
__scs_entry_jumppad:
0x0: {  	(pc) =	sbr.rel $0x88, $3  }
0x1: {  	(tag) =	ssettag $0x0;
	lr =	simm.s32 $0x1  }
0x2: {  	[smem:$0x3F9F] =	sst lr;
	_ =	strace $0xD0000000  }
0x3: {  	_ = 	snop  }
0x4: {  	_ = 	snop  }
0x5: {  	_ = 	snop  }
0x6: {  	_ = 	snop  }
0x7: {  	_ = 	snop  }
__scs_overlays_trampoline_lowered:
0x8: {  	[smem:$0x3FAE] =	sst s0  }
0x9: {  	[smem:$0x3FAF] =	sst s1  }
0xa: {  	[smem:$0x3FB0] =	sst s2  }
0xb: {  	[smem:$0x3FB1] =	sst s3  }
0xc: {  	[smem:$0x3FB2] =	sst s4  }
0xd: {  	[smem:$0x3FB3] =	sst s5  }
0xe: {  	[smem:$0x3FB4] =	sst s6  }
0xf: {  	[smem:$0x3FB5] =	sst s7  }
0x10: {  	[smem:$0x3FB6] =	sst s8  }
0x11: {  	[smem:$0x3FB7] =	sst s9;
	s0 =	simm.s32 @!p0 $0x0  }
0x12: {  	s1 =	sld [smem:$0x3F9D];
	s0 =	simm.s32 @p0 $0x1  }
0x13: {  	[smem:$0x3FB8] =	sst s0;
	s0 =	simm.s32 @!p1 $0x0  }
0x14: {  	s2 =	sld [smem:$0x3F9C];
	s0 =	simm.s32 @p1 $0x1  }
0x15: {  	[smem:$0x3FB9] =	sst s0;
	s0 =	simm.s32 @!p2 $0x0  }
0x16: {  	s3 =	sld [smem:$0x3FDB];
	s0 =	simm.s32 @p2 $0x1  }
0x17: {  	s4 =	simm.s32 $0x1BF5;
	[smem:$0x3FBB] =	sst s0  }
0x18: {  	s0 =	sld [smem:$0x3F9E];
	_ =	swait.ge [sflag:s4], $0x0  }
0x19: {  	s7 =	sld [smem:$0x3F9F]  }
0x1a: {  	s8 =	sadd.s32 $0xFFFFE003, lr  }
0x1b: {  	s9 =	sadd.s32 $0xFFFFFEF7, lr;
	s5 =	simm.s32 $0xFFFFFFFF;
	p2 =	slt.u32 s8, $0xFFFFF086  }
0x1c: {  	p1 =	slt.u32 s9, $0xF7A;
	s5 =	simm.s32 @!p2 $0x0  }
0x1d: {  	s5 =	simm.s32 @p1 $0x1;
	p0 =	seq.s32 s7, s2  }
0x1e: {  	s7 =	smul.u32 @!p0 $0xF7A, s2;
	p2 =	seq.s32 @!p0 s5, $0x0  }
0x1f: {  	s9 =	smul.u32 $0xF7A, s1;
	s8 =	simm.s32 @!p0 $0x1BF5;
	p2 =	por !p2, p0  }
0x20: {  	[sflag:s8] =	ssyncset.s32 @!p0 $0xFFFFF086;
	s6 =	sadd.s32 @!p0 s3, s7;
	s7 =	simm.s32 @!p0 $0x108  }
0x21: {  	s3 =	sadd.s32 s3, s9;
	s6 =	sadd.s32 @!p0 $0x88, s6;
	s7 =	simm.s32 @p2 $0x1082  }
0x22: {  	[simem:s7], [sflag:s8] =	dma.local @!p0 [hbm:s6], $0xF7A  }
0x23: {  	s9 =	sor.u32 $0xD0000000, s2;
	s6 =	simm.s32 $0x108;
	_ =	swait.ge @!p0 [sflag:s8], $0x0  }
0x24: {  	s3 =	sadd.s32 $0x88, s3;
	s6 =	simm.s32 @!p1 $0x1082;
	[sflag:s4] =	ssyncset.s32 $0xFFFFF086  }
0x25: {  	[simem:s6], [sflag:s4] =	dma.local [hbm:s3], $0xF7A  }
0x26: {  	[smem:$0x3F9F] =	sst s1;
	(tag) =	ssettag s2;
	_ =	strace s9  }
0x27: {  	s1 =	sld [smem:$0x3FAF]  }
0x28: {  	s2 =	sld [smem:$0x3FB0]  }
0x29: {  	s4 =	sld [smem:$0x3FB2]  }
0x2a: {  	p0 =	seq.s32 s5, $0x0;
	s5 =	sld [smem:$0x3FB3]  }
0x2b: {  	s6 =	sld [smem:$0x3FB4]  }
0x2c: {  	s7 =	sld [smem:$0x3FB5]  }
0x2d: {  	s3 =	simm.s32 $0x108;
	s8 =	sld [smem:$0x3FB6]  }
0x2e: {  	s3 =	simm.s32 @!p0 $0x1082;
	s9 =	sld [smem:$0x3FB7]  }
0x2f: {  	lr =	sadd.s32 s0, s3;
	s0 =	sld [smem:$0x3FAE]  }
0x30: {  	s3 =	sld [smem:$0x3FB1]  }
0x31: {  	[smem:$0x3FBA] =	sst s10  }
0x32: {  	s10 =	sld [smem:$0x3FB8];
	_ =	sdelay $0x3  }
0x33: {  	p0 =	seq.s32 s10, $0x1;
	s10 =	sld [smem:$0x3FBA];
	_ =	sdelay $0x3  }
0x34: {  	[smem:$0x3FBA] =	sst s10  }
0x35: {  	s10 =	sld [smem:$0x3FB9];
	_ =	sdelay $0x3  }
0x36: {  	p1 =	seq.s32 s10, $0x1;
	s10 =	sld [smem:$0x3FBA];
	_ =	sdelay $0x3  }
0x37: {  	[smem:$0x3FBA] =	sst s10  }
0x38: {  	s10 =	sld [smem:$0x3FBB]  }
0x39: {  	_ = 	snop;
	(pc) =	sbr.ind lr, $3  }
0x3a: {  	_ = 	snop  }
0x3b: {  	_ = 	snop  }
0x3c: {  	p2 =	seq.s32 s10, $0x1;
	s10 =	sld [smem:$0x3FBA]  }
0x3d: {  	_ =	shalt  }
0x3e: {  	_ =	shalt  }
0x3f: {  	_ =	shalt  }
0x40: {  	_ =	shalt  }
0x41: {  	_ =	shalt  }
0x42: {  	_ =	shalt  }
0x43: {  	_ =	shalt  }
0x44: {  	_ =	shalt  }
0x45: {  	_ =	shalt  }
0x46: {  	_ =	shalt  }
0x47: {  	_ =	shalt  }
0x48: {  	_ =	shalt  }
0x49: {  	_ =	shalt  }
0x4a: {  	_ =	shalt  }
0x4b: {  	_ =	shalt  }
0x4c: {  	_ =	shalt  }
0x4d: {  	_ =	shalt  }
0x4e: {  	_ =	shalt  }
0x4f: {  	_ =	shalt  }
0x50: {  	_ =	shalt  }
0x51: {  	_ =	shalt  }
0x52: {  	_ =	shalt  }
0x53: {  	_ =	shalt  }
0x54: {  	_ =	shalt  }
0x55: {  	_ =	shalt  }
0x56: {  	_ =	shalt  }
0x57: {  	_ =	shalt  }
0x58: {  	_ =	shalt  }
0x59: {  	_ =	shalt  }
0x5a: {  	_ =	shalt  }
0x5b: {  	_ =	shalt  }
0x5c: {  	_ =	shalt  }
0x5d: {  	_ =	shalt  }
0x5e: {  	_ =	shalt  }
0x5f: {  	_ =	shalt  }
0x60: {  	_ =	shalt  }
0x61: {  	_ =	shalt  }
0x62: {  	_ =	shalt  }
0x63: {  	_ =	shalt  }
0x64: {  	_ =	shalt  }
0x65: {  	_ =	shalt  }
0x66: {  	_ =	shalt  }
0x67: {  	_ =	shalt  }
0x68: {  	_ =	shalt  }
0x69: {  	_ =	shalt  }
0x6a: {  	_ =	shalt  }
0x6b: {  	_ =	shalt  }
0x6c: {  	_ =	shalt  }
0x6d: {  	_ =	shalt  }
0x6e: {  	_ =	shalt  }
0x6f: {  	_ =	shalt  }
0x70: {  	_ =	shalt  }
0x71: {  	_ =	shalt  }
0x72: {  	_ =	shalt  }
0x73: {  	_ =	shalt  }
0x74: {  	_ =	shalt  }
0x75: {  	_ =	shalt  }
0x76: {  	_ =	shalt  }
0x77: {  	_ =	shalt  }
0x78: {  	_ =	shalt  }
0x79: {  	_ =	shalt  }
0x7a: {  	_ =	shalt  }
0x7b: {  	_ =	shalt  }
0x7c: {  	_ =	shalt  }
0x7d: {  	_ =	shalt  }
0x7e: {  	_ =	shalt  }
0x7f: {  	_ =	shalt  }
0x80: {  	_ =	shalt  }
0x81: {  	_ =	shalt  }
0x82: {  	_ =	shalt  }
0x83: {  	_ =	shalt  }
0x84: {  	_ =	shalt  }
0x85: {  	_ =	shalt  }
0x86: {  	_ =	shalt  }
0x87: {  	_ =	shalt  }
.Lfunc_end0:
.L_simem_size_0:
called_computation_lowered:
.L_overlay_start_0:
0x88: {  	s2 =	sld [smem:$0x3FD9]  }
0x89: {  	s3 =	sld [smem:$0x3FFE];
	_ =	sdelay $0x1  }
0x8a: {  	s1 =	srdreg.scid  }
0x8b: {  	s0 =	sand.u32 $0x1, s1  }
0x8c: {  	s17 =	sshll.u32 s0, $0xA;
	s2 =	sadd.s32 s3, s2  }
0x8d: {  	s2 =	sadd.s32 s2, s17  }
0x8e: {  	[smem:$0x3FC6] =	sst s2  }
0x8f: {  	_ = 	snop  }
0x90: {  	s2 =	sld [smem:$0x3FD0];
	(tm) =	ssettm $0x1  }
0x91: {  	s18 =	sld [smem:$0x3FFB];
	_ =	sdelay $0x3  }
0x92: {  	_ =	strace s18  }
0x93: {  	s3 =	sld [smem:$0x3FFC];
	_ =	sdelay $0x3  }
0x94: {  	_ =	strace s3  }
0x95: {  	s3 =	sld [smem:$0x3FFD];
	_ =	sdelay $0x3  }
0x96: {  	_ =	strace s3  }
0x97: {  	_ =	strace $0x8FFFFFFF  }
0x98: {  	s19 =	sld [smem:$0x3FDB];
	_ =	sdelay $0x1  }
0x99: {  	s4 =	simm.s32 $_scs_section_size  }
0x9a: {  	s5 =	simm.s32 $_size__tile_overlayer_lowered;
	s6 =	simm.s32 $_tile_overlayer_lowered  }
0x9b: {  	s22 =	simm.s32 $0x1BFF;
	s21 =	sshll.u32 s6, $0x1;
	s3 =	sadd.s32 s4, s19  }
0x9c: {  	s7 =	simm.s32 $0x0;
	s20 =	sshll.u32 s5, $0x1;
	s5 =	sadd.s32 s21, s3  }
0x9d: {  	[timem:s7], [sflag:s22] =	dma.local [hbm:s5], s20  }
0x9e: {  	_ =	swait.ge [sflag:s22], s20  }
0x9f: {  	s4 =	ssub.s32 $0x0, s20;
	[sflag:s22] =	ssyncset.done $0x0  }
0xa0: {  	[sflag:s22] =	ssyncadd.s32 s4;
	_ =	sdelay $0x1  }
0xa1: {  	s23 =	simm.s32 $0x1B8B  }
0xa2: {  	_ =	swait.ge [sflag:s23], $0x1  }
0xa3: {  	[sflag:s23] =	ssyncset.done $0x0  }
0xa4: {  	s25 =	simm.s32 $0x1B8E;
	s24 =	sld [smem:$0x3FFE];
	[sflag:s23] =	ssyncadd.s32 $0xFFFFFFFF  }
0xa5: {  	s26 =	simm.s32 $execute0_lowered;
	[smem:$0x3FD2] =	sst s25  }
0xa6: {  	s5 =	sshll.u32 s26, $0x1;
	_ =	strace $0x80000046;
	[dreg:$0x1] =	wrdreg $0xFFFFFFFF  }
0xa7: {  	s28 =	simm.s32 $_size_execute0_lowered;
	s3 =	sadd.s32 s3, s5;
	[dreg:$0x0] =	wrdreg $0x0  }
0xa8: {  	s5 =	sshll.u32 s28, $0x1;
	[dreg:$0x2] =	wrdreg s3  }
0xa9: {  	[dreg:$0x3] =	wrdreg s5  }
0xaa: {  	[dreg:$0x4] =	wrdreg $0xC0  }
0xab: {  	_ =	task [dreg:s7], $0x5FFFF  }
0xac: {  	[dreg:$0x1] =	wrdreg $0xFFFFFFFF  }
0xad: {  	[dreg:$0x0] =	wrdreg $0x60  }
0xae: {  	[dreg:$0x2] =	wrdreg s24  }
0xaf: {  	[dreg:$0x3] =	wrdreg s2  }
0xb0: {  	[dreg:$0x4] =	wrdreg $0x9  }
0xb1: {  	_ =	task.clear_ibuf [dreg:s7], $0x5FFFF;
	_ =	strace $0x90000046  }
0xb2: {  	s29 =	simm.s32 $0x9;
	_ =	strace $0x80000048  }
0xb3: {  	_ =	swait.ge [sflag:s29], $0x1  }
0xb4: {  	[sflag:s29] =	ssyncadd.s32 $0xFFFFFFFF  }
0xb5: {  	_ =	strace $0x90000048  }
0xb6: {  	_ =	sfence  }
0xb7: {  	s30 =	sld [smem:$0x0];
	_ =	sdelay $0x2  }
0xb8: {  	s31 =	sshll.u32 s1, $0xD;
	s1 =	sshrl.u32 s1, $0x2  }
0xb9: {  	s3 =	sand.u32 $0x4000, s31;
	s1 =	sadd.s32 s1, s30  }
0xba: {  	s0 =	sor.u32 s3, s0;
	s1 =	sshll.u32 s1, $0x11  }
0xbb: {  	s0 =	sor.u32 s1, s0  }
0xbc: {  	s0 =	sadd.s32 $0x8F2B, s0  }
0xbd: {  	[sflag:s0] =	ssyncadd.remote.s32 $0x1  }
0xbe: {  	_ =	sfence.sel $0xFFFF  }
0xbf: {  	[dreg:$0x0] =	wrdreg $0xFFFFFFFF;
	(pc) =	sbr.abs _section_cstart, $3  }
0xc0: {  	[dreg:$0x1] =	wrdreg $0xFFFFFFFF  }
0xc1: {  	_ =	task.clear_ibuf [dreg:s7], $0x2FFFF;
	_ =	strace $0x9FFFFFFF  }
0xc2: {  	(tm) =	ssettm $0x7FFFFFFF  }
0xc3: {  	_ =	shalt  }
tec
execute0_lowered:
.L_overlay_start_1:
0x0: {  	(tag) =	ssettag $0x1  }
0x1: {  	s0 =	rddreg [dreg:$0x0]  }
0x2: {  	s1 =	srdreg.scid;
	s3 =	stileid.u32  }
0x3: {  	s2 =	rddreg [dreg:$0x1];
	s9 =	simm.s32 $0x80;
	s17 =	simm.s32 $0x9200  }
0x4: {  	s19 =	simm.s32 $0xB200;
	s20 =	simm.s32 $0x1;
	s21 =	simm.s32 $0xD200  }
0x5: {  	s22 =	simm.s32 $0x400;
	s23 =	simm.s32 $0x8000;
	s24 =	simm.s32 $0x2  }
0x6: {  	s25 =	simm.s32 $0x7;
	s28 =	simm.s32 $0x3;
	s29 =	simm.s32 $0x8  }
0x7: {  	s30 =	simm.s32 $0x11200;
	s31 =	simm.s32 $0x4;
	s10 =	simm.s32 $0x5  }
0x8: {  	s12 =	simm.s32 $0xA;
	s1 =	sand.u32 $0x1, s1;
	s4 =	sshll.u32 s3, $0x1  }
0x9: {  	v5 =	vlaneseq.u32;
	s14 =	simm.s32 $0x15200;
	s3 =	simm.s32 $0x0;
	s5 =	sor.u32 s1, s4  }
0xa: {  	v0 =	vmul.u32 $0x32, v5;
	[smem:$0x7FF] =	sst s3;
	s1 =	ssub.s32 $0x2, s1;
	s6 =	smul.u32 $0x320, s5  }
.Ltmp0:
0xb: {  	s4 =	sadd.s32 $0x6800, s0;
	s7 =	sshrl.u32 s1, $0x1;
	(pc) =	sbr.rel .LBB2_1-.Ltmp0, $4  }
0xc: {  	v5 =	vmul.u32 $0x80, v5;
	_ =	strace $0x80000047;
	v1 =	vadd.s32 $0x320, v0;
	s1 =	ssub.s32 s1, s7;
	s7 =	simm.s32 $0x0  }
0xd: {  	v2 =	vadd.s32 $0x640, v0;
	v3 =	vadd.s32 $0x960, v0;
	v4 =	vadd.s32 $0xC80, v0;
	s0 =	sadd.s32 s6, s0;
	s6 =	sshll.u32 s5, $0x7;
	s26 =	smax.u32 s1, $0x1  }
0xe: {  	v6 =	vadd.s32 $0xFA0, v0;
	v7 =	vadd.s32 $0x12C0, v0;
	v8 =	vadd.s32 $0x15E0, v0;
	s1 =	simm.s32 $0x9;
	s0 =	sadd.s32 $0x400, s0;
	[dreg:$0x4] =	wrdreg s26  }
0xf: {  	v9 =	vor.u32 $0x800, v5;
	v10 =	vor.u32 $0x1000, v5;
	v11 =	vor.u32 $0x1800, v5;
	s26 =	simm.s32 $0xF200;
	[dreg:$0x3] =	wrdreg s0;
	s0 =	simm.s32 $0x13200  }
.LBB2_32:
0x10: {  	s5 =	simm.s32 $0x6  }
0x11: {  	_ =	swait.ge [sflag:s5], $0x2000  }
0x12: {  	[sflag:s5] =	ssyncset.done $0x0  }
0x13: {  	[sflag:s5] =	ssyncadd.s32 $0xFFFFE000  }
0x14: {  	_ =	swait.ge [sflag:s25], $0x2000  }
0x15: {  	[sflag:s25] =	ssyncset.done $0x0  }
0x16: {  	[sflag:s25] =	ssyncadd.s32 $0xFFFFE000  }
0x17: {  	_ =	swait.ge [sflag:s29], $0x2000  }
0x18: {  	[sflag:s29] =	ssyncset.done $0x0  }
0x19: {  	[sflag:s29] =	ssyncadd.s32 $0xFFFFE000  }
0x1a: {  	_ =	swait.ge [sflag:s1], $0x2000  }
0x1b: {  	[sflag:s1] =	ssyncset.done $0x0  }
0x1c: {  	[sflag:s1] =	ssyncadd.s32 $0xFFFFE000  }
0x1d: {  	_ =	swait.ge [sflag:s12], $0x2000  }
0x1e: {  	s7 =	rddreg [dreg:$0x5]  }
0x1f: {  	s18 =	rddreg [dreg:$0x4];
	s7 =	sadd.s32 $0x1, s7  }
0x20: {  	p0 =	sne.s32 s7, s18  }
.Ltmp1:
0x21: {  	_ = 	snop;
	(pc) =	sbr.rel @!p0 .LBB2_33-.Ltmp1, $3  }
0x22: {  	_ =	sdelay $0x1  }
0x23: {  	[sflag:s12] =	ssyncset.done $0x0  }
0x24: {  	[sflag:s12] =	ssyncadd.s32 $0xFFFFE000  }
.LBB2_1:
0x25: {  	[dreg:$0x5] =	wrdreg s7  }
0x26: {  	v12 =	vadd.s32 s3, v0;
	s5 =	rddreg [dreg:$0x3];
	s18 =	simm.s32 $0xB  }
0x27: {  	[tilespmem:s3], [sflag:$0xB] =	stream.linear.gather [hbm4b:s5+s3], $0x1900, $0x38;
	[tilespmem:$0x17200] =	vst v63  }
0x28: {  	_ =	swait.ge [sflag:s18], $0x1900  }
0x29: {  	[sflag:s18] =	ssyncset.done $0x0  }
0x2a: {  	[sflag:s18] =	ssyncadd.s32 $0xFFFFE700  }
0x2b: {  	v12 =	vld.idx.msk [tilespmem:v12+s3+$0x0], $0xffff  }
0x2c: {  	v13 =	vadd.s32 s3, v1;
	_ =	sdelay $0x2  }
0x2d: {  	s5 =	simm.s32 $0x1940  }
0x2e: {  	[tilespmem:s5+$0xFFFFFFC0] =	vst v12  }
0x2f: {  	v12 =	vld.idx.msk [tilespmem:v13+s3+$0x0], $0xffff  }
0x30: {  	v13 =	vadd.s32 s3, v2;
	_ =	sdelay $0x3  }
0x31: {  	[tilespmem:s5+$0xFFFFFFD0] =	vst v12  }
0x32: {  	v12 =	vld.idx.msk [tilespmem:v13+s3+$0x0], $0xffff  }
0x33: {  	v13 =	vadd.s32 s3, v3;
	_ =	sdelay $0x3  }
0x34: {  	[tilespmem:s5+$0xFFFFFFE0] =	vst v12  }
0x35: {  	v12 =	vld.idx.msk [tilespmem:v13+s3+$0x0], $0xffff  }
0x36: {  	v13 =	vadd.s32 s3, v4;
	_ =	sdelay $0x3  }
0x37: {  	[tilespmem:s5+$0xFFFFFFF0] =	vst v12  }
0x38: {  	v12 =	vld.idx.msk [tilespmem:v13+s3+$0x0], $0xffff  }
0x39: {  	v13 =	vadd.s32 s3, v6;
	_ =	sdelay $0x3  }
0x3a: {  	[tilespmem:s5+$0x0] =	vst v12  }
0x3b: {  	v12 =	vld.idx.msk [tilespmem:v13+s3+$0x0], $0xffff  }
0x3c: {  	v13 =	vadd.s32 s3, v7;
	_ =	sdelay $0x3  }
0x3d: {  	[tilespmem:s5+$0x10] =	vst v12  }
0x3e: {  	v12 =	vld.idx.msk [tilespmem:v13+s3+$0x0], $0xffff  }
0x3f: {  	v13 =	vadd.s32 s3, v8;
	_ =	sdelay $0x3  }
0x40: {  	[tilespmem:s5+$0x20] =	vst v12  }
0x41: {  	s7 =	simm.s32 $0x1;
	v12 =	vld.idx.msk [tilespmem:v13+s3+$0x0], $0xffff  }
0x42: {  	s8 =	simm.s32 $0x2;
	v13 =	vadd.s32 s7, v0  }
.LBB2_2:
0x43: {  	p0 =	sne.s32 s8, $0x31;
	_ =	sdelay $0x2  }
0x44: {  	[tilespmem:s5+$0x30] =	vst v12  }
0x45: {  	v12 =	vld.idx.msk [tilespmem:v13+s3+$0x0], $0xffff;
	_ =	sdelay $0x1  }
0x46: {  	v13 =	vadd.s32 s7, v1;
	_ =	sdelay $0x2  }
0x47: {  	s5 =	sadd.s32 $0x80, s5  }
0x48: {  	[tilespmem:s5+$0xFFFFFFC0] =	vst v12  }
0x49: {  	v12 =	vld.idx.msk [tilespmem:v13+s3+$0x0], $0xffff;
	_ =	sdelay $0x1  }
0x4a: {  	v13 =	vadd.s32 s7, v2;
	_ =	sdelay $0x3  }
0x4b: {  	[tilespmem:s5+$0xFFFFFFD0] =	vst v12  }
0x4c: {  	v12 =	vld.idx.msk [tilespmem:v13+s3+$0x0], $0xffff;
	_ =	sdelay $0x1  }
0x4d: {  	v13 =	vadd.s32 s7, v3;
	_ =	sdelay $0x3  }
0x4e: {  	[tilespmem:s5+$0xFFFFFFE0] =	vst v12  }
0x4f: {  	v12 =	vld.idx.msk [tilespmem:v13+s3+$0x0], $0xffff;
	_ =	sdelay $0x1  }
0x50: {  	v13 =	vadd.s32 s7, v4;
	_ =	sdelay $0x3  }
0x51: {  	[tilespmem:s5+$0xFFFFFFF0] =	vst v12  }
0x52: {  	v12 =	vld.idx.msk [tilespmem:v13+s3+$0x0], $0xffff;
	_ =	sdelay $0x1  }
0x53: {  	v13 =	vadd.s32 s7, v6;
	_ =	sdelay $0x3  }
0x54: {  	[tilespmem:s5+$0x0] =	vst v12  }
0x55: {  	v12 =	vld.idx.msk [tilespmem:v13+s3+$0x0], $0xffff;
	_ =	sdelay $0x1  }
0x56: {  	v13 =	vadd.s32 s7, v7;
	_ =	sdelay $0x3  }
0x57: {  	[tilespmem:s5+$0x10] =	vst v12  }
0x58: {  	v12 =	vld.idx.msk [tilespmem:v13+s3+$0x0], $0xffff;
	_ =	sdelay $0x1  }
0x59: {  	v13 =	vadd.s32 s7, v8;
	s7 =	smov.u32 s8;
	_ =	sdelay $0x2  }
.Ltmp2:
0x5a: {  	(pc) =	sbr.rel @p0 .LBB2_2-.Ltmp2, $3  }
0x5b: {  	[tilespmem:s5+$0x20] =	vst v12  }
0x5c: {  	v12 =	vld.idx.msk [tilespmem:v13+s3+$0x0], $0xffff;
	_ =	sdelay $0x1  }
0x5d: {  	s8 =	sadd.s32 $0x1, s8;
	v13 =	vadd.s32 s7, v0  }
0x5e: {  	_ =	sdelay $0x2  }
0x5f: {  	[tilespmem:s5+$0x30] =	vst v12  }
0x60: {  	v12 =	vld.idx.msk [tilespmem:v13+s3+$0x0], $0xffff  }
0x61: {  	v57 =	vadd.s32 s7, v1;
	_ =	sdelay $0x2  }
0x62: {  	s15 =	sadd.s32 $0x80, s5  }
0x63: {  	[tilespmem:s15+$0xFFFFFFC0] =	vst v12  }
0x64: {  	v12 =	vld.idx.msk [tilespmem:v57+s3+$0x0], $0xffff  }
0x65: {  	v58 =	vadd.s32 s7, v2;
	_ =	sdelay $0x3  }
0x66: {  	[tilespmem:s15+$0xFFFFFFD0] =	vst v12  }
0x67: {  	v12 =	vld.idx.msk [tilespmem:v58+s3+$0x0], $0xffff  }
0x68: {  	v59 =	vadd.s32 s7, v3;
	_ =	sdelay $0x3  }
0x69: {  	[tilespmem:s15+$0xFFFFFFE0] =	vst v12  }
0x6a: {  	v12 =	vld.idx.msk [tilespmem:v59+s3+$0x0], $0xffff  }
0x6b: {  	v60 =	vadd.s32 s7, v4;
	_ =	sdelay $0x3  }
0x6c: {  	[tilespmem:s15+$0xFFFFFFF0] =	vst v12  }
0x6d: {  	v12 =	vld.idx.msk [tilespmem:v60+s3+$0x0], $0xffff  }
0x6e: {  	v61 =	vadd.s32 s7, v6;
	_ =	sdelay $0x3  }
0x6f: {  	[tilespmem:s15+$0x0] =	vst v12  }
0x70: {  	v12 =	vld.idx.msk [tilespmem:v61+s3+$0x0], $0xffff  }
0x71: {  	v62 =	vadd.s32 s7, v7;
	_ =	sdelay $0x3  }
0x72: {  	[tilespmem:s15+$0x10] =	vst v12  }
0x73: {  	v12 =	vld.idx.msk [tilespmem:v62+s3+$0x0], $0xffff  }
0x74: {  	v63 =	vadd.s32 s7, v8;
	_ =	sdelay $0x3  }
0x75: {  	[tilespmem:s15+$0x20] =	vst v12  }
0x76: {  	v12 =	vld.idx.msk [tilespmem:v63+s3+$0x0], $0xffff;
	_ =	sdelay $0x4  }
0x77: {  	s16 =	simm.s32 $0x1900;
	s18 =	simm.s32 $0x3200;
	[tilespmem:s15+$0x30] =	vst v12  }
0x78: {  	[tilespmem:s18], [sflag:$0x1] =	stream.indirect.gather [hbm4b:s4+s9], $0x40, s16, s9, $0xb8;
	[tilespmem:$0x17200] =	vst v63  }
0x79: {  	s8 =	simm.s32 $0x1980;
	s11 =	simm.s32 $0x5200  }
0x7a: {  	[tilespmem:s11], [sflag:$0x2] =	stream.indirect.gather [hbm4b:s4+s9], $0x40, s8, s9, $0xb8;
	[tilespmem:$0x17200] =	vst v63  }
0x7b: {  	s13 =	simm.s32 $0x1A00;
	s15 =	simm.s32 $0x7200  }
0x7c: {  	[tilespmem:s15], [sflag:$0x3] =	stream.indirect.gather [hbm4b:s4+s9], $0x40, s13, s9, $0xb8;
	[tilespmem:$0x17200] =	vst v63  }
0x7d: {  	s16 =	simm.s32 $0x1A80  }
0x7e: {  	[tilespmem:s17], [sflag:$0x4] =	stream.indirect.gather [hbm4b:s4+s9], $0x40, s16, s9, $0xb8;
	[tilespmem:$0x17200] =	vst v63  }
0x7f: {  	s7 =	simm.s32 $0x0;
	s5 =	simm.s32 $0x0;
	s18 =	simm.s32 $0x1B00  }
0x80: {  	[tilespmem:s19], [sflag:$0x5] =	stream.indirect.gather [hbm4b:s4+s9], $0x40, s18, s9, $0xb8;
	[tilespmem:$0x17200] =	vst v63  }
.LBB2_4:
0x81: {  	_ =	swait.ge [sflag:s20], $0x2000  }
0x82: {  	p0 =	seq.s32 s7, $0x0;
	[sflag:s20] =	ssyncset.done $0x0  }
0x83: {  	v12 =	vmov s5;
	s8 =	simm.s32 @!p0 $0x6;
	[sflag:s20] =	ssyncadd.s32 $0xFFFFE000  }
0x84: {  	v12 =	vand.u32 $0x7F, v12;
	_ =	swait.ge @!p0 [sflag:s8], $0x2000  }
0x85: {  	s11 =	simm.s32 $0x1;
	v17 =	vbroadcast v12, $0x0;
	[sflag:s8] =	ssyncset.done @!p0 $0x0  }
0x86: {  	s13 =	simm.s32 $0x3220;
	v12 =	vmov s11;
	[sflag:s8] =	ssyncadd.s32 @!p0 $0xFFFFE000  }
0x87: {  	v12 =	vand.u32 $0x7F, v12;
	v14 =	vor.u32 v5, v17;
	v13 =	vld [tilespmem:s13+$0xFFFFFFE0]  }
0x88: {  	v12 =	vbroadcast v12, $0x0  }
0x89: {  	s8 =	simm.s32 $0x3260  }
0x8a: {  	v15 =	vld [tilespmem:s8+$0xFFFFFFE0];
	v16 =	vor.u32 v5, v12  }
0x8b: {  	s16 =	simm.s32 $0x2  }
0x8c: {  	v18 =	vmov s16;
	[tilespmem:v14+s21+$0x0] =	vst.idx.msk $0xffff, v13  }
0x8d: {  	v13 =	vand.u32 $0x7F, v18;
	v18 =	vor.u32 v9, v17;
	v14 =	vld [tilespmem:s13+$0xFFFFFFF0];
	_ =	sdelay $0x1  }
0x8e: {  	[tilespmem:v16+s21+$0x0] =	vst.idx.msk $0xffff, v15  }
0x8f: {  	s18 =	simm.s32 $0x3;
	v20 =	vor.u32 v9, v12;
	v13 =	vbroadcast v13, $0x0;
	v19 =	vld [tilespmem:s8+$0xFFFFFFF0]  }
0x90: {  	s16 =	simm.s32 $0x32A0;
	v21 =	vmov s18  }
0x91: {  	v21 =	vand.u32 $0x7F, v21;
	v15 =	vld [tilespmem:s16+$0xFFFFFFE0];
	v16 =	vor.u32 v5, v13;
	[tilespmem:v18+s21+$0x0] =	vst.idx.msk $0xffff, v14  }
0x92: {  	v14 =	vbroadcast v21, $0x0;
	v21 =	vor.u32 v10, v17;
	v18 =	vld [tilespmem:s13+$0x0];
	_ =	sdelay $0x1  }
0x93: {  	[tilespmem:v20+s21+$0x0] =	vst.idx.msk $0xffff, v19  }
0x94: {  	s18 =	simm.s32 $0x32E0;
	v26 =	vor.u32 v10, v12;
	v25 =	vld [tilespmem:s8+$0x0]  }
0x95: {  	s15 =	simm.s32 $0x4;
	v22 =	vld [tilespmem:s18+$0xFFFFFFE0];
	[tilespmem:v16+s21+$0x0] =	vst.idx.msk $0xffff, v15;
	v23 =	vor.u32 v5, v14  }
0x96: {  	v24 =	vor.u32 v9, v13;
	v15 =	vmov s15;
	v20 =	vld [tilespmem:s16+$0xFFFFFFF0];
	[tilespmem:v21+s21+$0x0] =	vst.idx.msk $0xffff, v18  }
0x97: {  	v17 =	vor.u32 v11, v17;
	v16 =	vand.u32 $0x7F, v15;
	v15 =	vld [tilespmem:s13+$0x10]  }
0x98: {  	v16 =	vbroadcast v16, $0x0  }
0x99: {  	s11 =	simm.s32 $0x3320;
	[tilespmem:v26+s21+$0x0] =	vst.idx.msk $0xffff, v25  }
0x9a: {  	v19 =	vld [tilespmem:s11+$0xFFFFFFE0];
	v21 =	vor.u32 v5, v16;
	[tilespmem:v23+s21+$0x0] =	vst.idx.msk $0xffff, v22  }
0x9b: {  	s13 =	simm.s32 $0x5;
	[tilespmem:v24+s21+$0x0] =	vst.idx.msk $0xffff, v20;
	v18 =	vld [tilespmem:s18+$0xFFFFFFF0];
	v20 =	vor.u32 v9, v14  }
.LBB2_5:
0x9c: {  	v22 =	vmov s13;
	v23 =	vld [tilespmem:s16+$0x0];
	v24 =	vor.u32 v10, v13;
	[tilespmem:v17+s21+$0x0] =	vst.idx.msk $0xffff, v15;
	p1 =	sne.s32 s13, $0x7F  }
.Ltmp3:
0x9d: {  	v17 =	vor.u32 v11, v12;
	v12 =	vmovc v13;
	v13 =	vmovc v14;
	v14 =	vmov v16;
	v22 =	vand.u32 $0x7F, v22;
	v15 =	vld [tilespmem:s8+$0x10];
	s8 =	smov.u32 s16;
	s16 =	smov.u32 s18;
	(pc) =	sbr.rel @p1 .LBB2_5-.Ltmp3, $4  }
0x9e: {  	s18 =	smov.u32 s11;
	v16 =	vbroadcast v22, $0x0  }
0x9f: {  	s13 =	sadd.s32 $0x1, s13;
	s11 =	sadd.s32 $0x40, s11;
	[tilespmem:v21+s21+$0x0] =	vst.idx.msk $0xffff, v19  }
0xa0: {  	v19 =	vld [tilespmem:s11+$0xFFFFFFE0];
	v21 =	vor.u32 v5, v16;
	[tilespmem:v20+s21+$0x0] =	vst.idx.msk $0xffff, v18  }
0xa1: {  	v20 =	vor.u32 v9, v14;
	v18 =	vld [tilespmem:s18+$0xFFFFFFF0];
	[tilespmem:v24+s21+$0x0] =	vst.idx.msk $0xffff, v23  }
0xa2: {  	_ =	sdelay $0x3  }
0xa3: {  	[tilespmem:v21+s21+$0x0] =	vst.idx.msk $0xffff, v19  }
0xa4: {  	v57 =	vor.u32 v9, v16;
	v19 =	vld [tilespmem:s11+$0xFFFFFFF0];
	_ =	sdelay $0x3  }
0xa5: {  	v22 =	vld [tilespmem:s16+$0x0];
	v23 =	vor.u32 v10, v13;
	[tilespmem:v20+s21+$0x0] =	vst.idx.msk $0xffff, v18  }
0xa6: {  	v58 =	vor.u32 v10, v14;
	v18 =	vld [tilespmem:s18+$0x0];
	[tilespmem:v57+s21+$0x0] =	vst.idx.msk $0xffff, v19  }
0xa7: {  	v59 =	vor.u32 v10, v16;
	v19 =	vld [tilespmem:s11+$0x0];
	_ =	sdelay $0x2  }
0xa8: {  	v60 =	vld [tilespmem:s8+$0x10];
	v12 =	vor.u32 v11, v12;
	[tilespmem:v23+s21+$0x0] =	vst.idx.msk $0xffff, v22  }
0xa9: {  	v61 =	vor.u32 v11, v13;
	v23 =	vld [tilespmem:s16+$0x10];
	[tilespmem:v58+s21+$0x0] =	vst.idx.msk $0xffff, v18  }
0xaa: {  	v62 =	vor.u32 v11, v14;
	v18 =	vld [tilespmem:s18+$0x10];
	[tilespmem:v59+s21+$0x0] =	vst.idx.msk $0xffff, v19  }
0xab: {  	v63 =	vor.u32 v11, v16;
	v19 =	vld [tilespmem:s11+$0x10]  }
0xac: {  	[tilespmem:v17+s21+$0x0] =	vst.idx.msk $0xffff, v15;
	p1 =	sne.s32 s7, $0x9;
	s18 =	smul.u32 $0x28000, s7  }
.Ltmp4:
0xad: {  	[tilespmem:v12+s21+$0x0] =	vst.idx.msk $0xffff, v60;
	(pc) =	sbr.rel @p1 .LBB2_8-.Ltmp4, $4  }
0xae: {  	[tilespmem:v61+s21+$0x0] =	vst.idx.msk $0xffff, v23  }
0xaf: {  	s8 =	sadd.s32 s2, s18;
	[tilespmem:v62+s21+$0x0] =	vst.idx.msk $0xffff, v18  }
0xb0: {  	s8 =	sadd.s32 s6, s8;
	[tilespmem:v63+s21+$0x0] =	vst.idx.msk $0xffff, v19  }
0xb1: {  	[hbm4b:s8+s22] =	stream.strided.scatter [tilespmem:s21], [sflag:$0x6], $0x2000, s23, s22, $0x38;
	[tilespmem:$0x17200] =	vst v63  }
.Ltmp5:
0xb2: {  	(pc) =	sbr.rel .LBB2_9-.Ltmp5, $4  }
0xb3: {  	_ = 	snop  }
0xb4: {  	_ =	swait.ge [sflag:s24], $0x2000  }
0xb5: {  	[sflag:s24] =	ssyncset.done $0x0  }
0xb6: {  	[sflag:s24] =	ssyncadd.s32 $0xFFFFE000  }
.LBB2_8:
0xb7: {  	s8 =	smul.u32 $0xA00, s7;
	_ =	sdelay $0x1  }
0xb8: {  	s8 =	sshra.s32 s8, $0x2  }
.Ltmp6:
0xb9: {  	s11 =	simm.s32 $0x3200;
	s8 =	sadd.s32 $0x1B80, s8;
	(pc) =	sbr.rel @p0 .LBB2_10-.Ltmp6, $4  }
0xba: {  	[tilespmem:s11], [sflag:$0x1] =	stream.indirect.gather [hbm4b:s4+s9], $0x40, s8, s9, $0xb8;
	[tilespmem:$0x17200] =	vst v63  }
0xbb: {  	_ =	swait.ge [sflag:s24], $0x2000  }
0xbc: {  	[sflag:s24] =	ssyncset.done $0x0  }
0xbd: {  	[sflag:s24] =	ssyncadd.s32 $0xFFFFE000  }
.LBB2_9:
0xbe: {  	_ =	swait.ge [sflag:s25], $0x2000  }
0xbf: {  	[sflag:s25] =	ssyncset.done $0x0  }
0xc0: {  	[sflag:s25] =	ssyncadd.s32 $0xFFFFE000  }
.LBB2_10:
0xc1: {  	s8 =	simm.s32 $0x0  }
0xc2: {  	v12 =	vmov s8  }
0xc3: {  	v12 =	vand.u32 $0x7F, v12  }
0xc4: {  	v17 =	vbroadcast v12, $0x0  }
0xc5: {  	s11 =	simm.s32 $0x5230  }
0xc6: {  	s16 =	simm.s32 $0x1;
	v13 =	vld [tilespmem:s11+$0xFFFFFFD0];
	v14 =	vor.u32 v5, v17  }
0xc7: {  	v12 =	vmov s16  }
0xc8: {  	v12 =	vand.u32 $0x7F, v12  }
0xc9: {  	v12 =	vbroadcast v12, $0x0  }
0xca: {  	s13 =	simm.s32 $0x2;
	s8 =	simm.s32 $0x5270  }
0xcb: {  	v18 =	vmov s13;
	v15 =	vld [tilespmem:s8+$0xFFFFFFD0];
	v16 =	vor.u32 v5, v12;
	[tilespmem:v14+s26+$0x0] =	vst.idx.msk $0xffff, v13  }
0xcc: {  	v13 =	vand.u32 $0x7F, v18;
	v18 =	vor.u32 v9, v17;
	v14 =	vld [tilespmem:s11+$0xFFFFFFE0];
	_ =	sdelay $0x1  }
0xcd: {  	v13 =	vbroadcast v13, $0x0  }
0xce: {  	s18 =	simm.s32 $0x3;
	s16 =	simm.s32 $0x52B0  }
0xcf: {  	v21 =	vmov s18;
	[tilespmem:v16+s26+$0x0] =	vst.idx.msk $0xffff, v15;
	v15 =	vld [tilespmem:s16+$0xFFFFFFD0];
	v16 =	vor.u32 v5, v13  }
0xd0: {  	v21 =	vand.u32 $0x7F, v21;
	v20 =	vor.u32 v9, v12;
	v19 =	vld [tilespmem:s8+$0xFFFFFFE0];
	[tilespmem:v18+s26+$0x0] =	vst.idx.msk $0xffff, v14  }
0xd1: {  	v14 =	vbroadcast v21, $0x0;
	v21 =	vor.u32 v10, v17;
	v18 =	vld [tilespmem:s11+$0xFFFFFFF0];
	_ =	sdelay $0x1  }
0xd2: {  	s18 =	simm.s32 $0x52F0  }
0xd3: {  	v22 =	vld [tilespmem:s18+$0xFFFFFFD0];
	[tilespmem:v16+s26+$0x0] =	vst.idx.msk $0xffff, v15;
	v23 =	vor.u32 v5, v14  }
0xd4: {  	s15 =	simm.s32 $0x4;
	v24 =	vor.u32 v9, v13;
	[tilespmem:v20+s26+$0x0] =	vst.idx.msk $0xffff, v19;
	v20 =	vld [tilespmem:s16+$0xFFFFFFE0]  }
0xd5: {  	v26 =	vor.u32 v10, v12;
	v15 =	vmov s15;
	v25 =	vld [tilespmem:s8+$0xFFFFFFF0];
	[tilespmem:v21+s26+$0x0] =	vst.idx.msk $0xffff, v18  }
0xd6: {  	v17 =	vor.u32 v11, v17;
	v16 =	vand.u32 $0x7F, v15;
	v15 =	vld [tilespmem:s11+$0x0]  }
0xd7: {  	v16 =	vbroadcast v16, $0x0  }
0xd8: {  	[tilespmem:v23+s26+$0x0] =	vst.idx.msk $0xffff, v22;
	s11 =	simm.s32 $0x5330  }
0xd9: {  	v21 =	vor.u32 v5, v16;
	v19 =	vld [tilespmem:s11+$0xFFFFFFD0];
	[tilespmem:v24+s26+$0x0] =	vst.idx.msk $0xffff, v20  }
0xda: {  	s13 =	simm.s32 $0x5;
	v18 =	vld [tilespmem:s18+$0xFFFFFFE0];
	v20 =	vor.u32 v9, v14;
	[tilespmem:v26+s26+$0x0] =	vst.idx.msk $0xffff, v25  }
.LBB2_11:
0xdb: {  	v22 =	vmov s13;
	v23 =	vld [tilespmem:s16+$0xFFFFFFF0];
	v24 =	vor.u32 v10, v13;
	[tilespmem:v17+s26+$0x0] =	vst.idx.msk $0xffff, v15;
	p2 =	sne.s32 s13, $0x7F  }
.Ltmp7:
0xdc: {  	v17 =	vor.u32 v11, v12;
	v12 =	vmovc v13;
	v13 =	vmovc v14;
	v14 =	vmov v16;
	v22 =	vand.u32 $0x7F, v22;
	v15 =	vld [tilespmem:s8+$0x0];
	s8 =	smov.u32 s16;
	s16 =	smov.u32 s18;
	(pc) =	sbr.rel @p2 .LBB2_11-.Ltmp7, $4  }
0xdd: {  	s18 =	smov.u32 s11;
	v16 =	vbroadcast v22, $0x0  }
0xde: {  	s13 =	sadd.s32 $0x1, s13;
	s11 =	sadd.s32 $0x40, s11;
	[tilespmem:v21+s26+$0x0] =	vst.idx.msk $0xffff, v19  }
0xdf: {  	v19 =	vld [tilespmem:s11+$0xFFFFFFD0];
	v21 =	vor.u32 v5, v16;
	[tilespmem:v20+s26+$0x0] =	vst.idx.msk $0xffff, v18  }
0xe0: {  	v20 =	vor.u32 v9, v14;
	v18 =	vld [tilespmem:s18+$0xFFFFFFE0];
	[tilespmem:v24+s26+$0x0] =	vst.idx.msk $0xffff, v23  }
0xe1: {  	_ =	sdelay $0x3  }
0xe2: {  	[tilespmem:v21+s26+$0x0] =	vst.idx.msk $0xffff, v19  }
0xe3: {  	v57 =	vor.u32 v9, v16;
	v19 =	vld [tilespmem:s11+$0xFFFFFFE0];
	_ =	sdelay $0x3  }
0xe4: {  	v22 =	vld [tilespmem:s16+$0xFFFFFFF0];
	v23 =	vor.u32 v10, v13;
	[tilespmem:v20+s26+$0x0] =	vst.idx.msk $0xffff, v18  }
0xe5: {  	v58 =	vor.u32 v10, v14;
	v18 =	vld [tilespmem:s18+$0xFFFFFFF0];
	[tilespmem:v57+s26+$0x0] =	vst.idx.msk $0xffff, v19  }
0xe6: {  	v59 =	vor.u32 v10, v16;
	v19 =	vld [tilespmem:s11+$0xFFFFFFF0];
	_ =	sdelay $0x2  }
0xe7: {  	v60 =	vld [tilespmem:s8+$0x0];
	v12 =	vor.u32 v11, v12;
	[tilespmem:v23+s26+$0x0] =	vst.idx.msk $0xffff, v22  }
0xe8: {  	v61 =	vor.u32 v11, v13;
	v23 =	vld [tilespmem:s16+$0x0];
	[tilespmem:v58+s26+$0x0] =	vst.idx.msk $0xffff, v18  }
0xe9: {  	v62 =	vor.u32 v11, v14;
	v18 =	vld [tilespmem:s18+$0x0];
	[tilespmem:v59+s26+$0x0] =	vst.idx.msk $0xffff, v19  }
0xea: {  	v63 =	vor.u32 v11, v16;
	s16 =	smul.u32 $0x140000, s7;
	v19 =	vld [tilespmem:s11+$0x0]  }
0xeb: {  	[tilespmem:v17+s26+$0x0] =	vst.idx.msk $0xffff, v15  }
.Ltmp8:
0xec: {  	[tilespmem:v12+s26+$0x0] =	vst.idx.msk $0xffff, v60;
	s8 =	sshrl.u32 s16, $0x3;
	(pc) =	sbr.rel @p1 .LBB2_14-.Ltmp8, $4  }
0xed: {  	s8 =	sadd.s32 s2, s8;
	[tilespmem:v61+s26+$0x0] =	vst.idx.msk $0xffff, v23  }
0xee: {  	s8 =	sadd.s32 s6, s8;
	[tilespmem:v62+s26+$0x0] =	vst.idx.msk $0xffff, v18  }
0xef: {  	s18 =	sadd.s32 $0x8000, s8;
	[tilespmem:v63+s26+$0x0] =	vst.idx.msk $0xffff, v19  }
0xf0: {  	[hbm4b:s18+s22] =	stream.strided.scatter [tilespmem:s26], [sflag:$0x7], $0x2000, s23, s22, $0x38;
	[tilespmem:$0x17200] =	vst v63  }
.Ltmp9:
0xf1: {  	(pc) =	sbr.rel .LBB2_15-.Ltmp9, $4  }
0xf2: {  	_ = 	snop  }
0xf3: {  	_ =	swait.ge [sflag:s28], $0x2000  }
0xf4: {  	[sflag:s28] =	ssyncset.done $0x0  }
0xf5: {  	[sflag:s28] =	ssyncadd.s32 $0xFFFFE000  }
.LBB2_14:
0xf6: {  	s11 =	smul.u32 $0xA00, s7;
	_ =	sdelay $0x1  }
0xf7: {  	s11 =	sshra.s32 s11, $0x2  }
.Ltmp10:
0xf8: {  	s13 =	simm.s32 $0x5200;
	s11 =	sadd.s32 $0x1C00, s11;
	(pc) =	sbr.rel @p0 .LBB2_16-.Ltmp10, $4  }
0xf9: {  	[tilespmem:s13], [sflag:$0x2] =	stream.indirect.gather [hbm4b:s4+s9], $0x40, s11, s9, $0xb8;
	[tilespmem:$0x17200] =	vst v63  }
0xfa: {  	_ =	swait.ge [sflag:s28], $0x2000  }
0xfb: {  	[sflag:s28] =	ssyncset.done $0x0  }
0xfc: {  	[sflag:s28] =	ssyncadd.s32 $0xFFFFE000  }
.LBB2_15:
0xfd: {  	_ =	swait.ge [sflag:s29], $0x2000  }
0xfe: {  	[sflag:s29] =	ssyncset.done $0x0  }
0xff: {  	[sflag:s29] =	ssyncadd.s32 $0xFFFFE000  }
.LBB2_16:
0x100: {  	s11 =	simm.s32 $0x0  }
0x101: {  	v12 =	vmov s11  }
0x102: {  	v12 =	vand.u32 $0x7F, v12  }
0x103: {  	v17 =	vbroadcast v12, $0x0  }
0x104: {  	s13 =	simm.s32 $0x7200  }
0x105: {  	s16 =	simm.s32 $0x1;
	v13 =	vld [tilespmem:s13+$0x0];
	v14 =	vor.u32 v5, v17  }
0x106: {  	v12 =	vmov s16  }
0x107: {  	v12 =	vand.u32 $0x7F, v12  }
0x108: {  	v12 =	vbroadcast v12, $0x0  }
0x109: {  	s18 =	simm.s32 $0x2;
	s16 =	simm.s32 $0x7240  }
0x10a: {  	v18 =	vmov s18;
	v15 =	vld [tilespmem:s16+$0x0];
	v16 =	vor.u32 v5, v12;
	[tilespmem:v14+s30+$0x0] =	vst.idx.msk $0xffff, v13  }
0x10b: {  	v13 =	vand.u32 $0x7F, v18;
	v18 =	vor.u32 v9, v17;
	v14 =	vld [tilespmem:s13+$0x10];
	_ =	sdelay $0x1  }
0x10c: {  	v13 =	vbroadcast v13, $0x0  }
0x10d: {  	s15 =	simm.s32 $0x3;
	s18 =	simm.s32 $0x7280  }
0x10e: {  	v21 =	vmov s15;
	[tilespmem:v16+s30+$0x0] =	vst.idx.msk $0xffff, v15;
	v15 =	vld [tilespmem:s18+$0x0];
	v16 =	vor.u32 v5, v13  }
0x10f: {  	v21 =	vand.u32 $0x7F, v21;
	v20 =	vor.u32 v9, v12;
	v19 =	vld [tilespmem:s16+$0x10];
	[tilespmem:v18+s30+$0x0] =	vst.idx.msk $0xffff, v14  }
0x110: {  	v14 =	vbroadcast v21, $0x0;
	v21 =	vor.u32 v10, v17;
	v18 =	vld [tilespmem:s13+$0x20];
	_ =	sdelay $0x1  }
0x111: {  	s11 =	simm.s32 $0x72C0  }
0x112: {  	v22 =	vld [tilespmem:s11+$0x0];
	[tilespmem:v16+s30+$0x0] =	vst.idx.msk $0xffff, v15;
	v23 =	vor.u32 v5, v14  }
0x113: {  	s15 =	simm.s32 $0x4;
	v24 =	vor.u32 v9, v13;
	[tilespmem:v20+s30+$0x0] =	vst.idx.msk $0xffff, v19;
	v20 =	vld [tilespmem:s18+$0x10]  }
0x114: {  	v26 =	vor.u32 v10, v12;
	v15 =	vmov s15;
	v25 =	vld [tilespmem:s16+$0x20];
	[tilespmem:v21+s30+$0x0] =	vst.idx.msk $0xffff, v18  }
0x115: {  	v17 =	vor.u32 v11, v17;
	v16 =	vand.u32 $0x7F, v15;
	v15 =	vld [tilespmem:s13+$0x30]  }
0x116: {  	v16 =	vbroadcast v16, $0x0  }
0x117: {  	[tilespmem:v23+s30+$0x0] =	vst.idx.msk $0xffff, v22;
	s13 =	simm.s32 $0x7300  }
0x118: {  	v21 =	vor.u32 v5, v16;
	v19 =	vld [tilespmem:s13+$0x0];
	[tilespmem:v24+s30+$0x0] =	vst.idx.msk $0xffff, v20  }
0x119: {  	s15 =	simm.s32 $0x5;
	v18 =	vld [tilespmem:s11+$0x10];
	v20 =	vor.u32 v9, v14;
	[tilespmem:v26+s30+$0x0] =	vst.idx.msk $0xffff, v25  }
.LBB2_17:
0x11a: {  	v22 =	vmov s15;
	v23 =	vld [tilespmem:s18+$0x20];
	v24 =	vor.u32 v10, v13;
	[tilespmem:v17+s30+$0x0] =	vst.idx.msk $0xffff, v15;
	p2 =	sne.s32 s15, $0x7F  }
.Ltmp11:
0x11b: {  	v17 =	vor.u32 v11, v12;
	v12 =	vmovc v13;
	v13 =	vmovc v14;
	v14 =	vmov v16;
	v22 =	vand.u32 $0x7F, v22;
	v15 =	vld [tilespmem:s16+$0x30];
	s16 =	smov.u32 s18;
	s18 =	smov.u32 s11;
	(pc) =	sbr.rel @p2 .LBB2_17-.Ltmp11, $4  }
0x11c: {  	s11 =	smov.u32 s13;
	v16 =	vbroadcast v22, $0x0  }
0x11d: {  	s15 =	sadd.s32 $0x1, s15;
	s13 =	sadd.s32 $0x40, s13;
	[tilespmem:v21+s30+$0x0] =	vst.idx.msk $0xffff, v19  }
0x11e: {  	v19 =	vld [tilespmem:s13+$0x0];
	v21 =	vor.u32 v5, v16;
	[tilespmem:v20+s30+$0x0] =	vst.idx.msk $0xffff, v18  }
0x11f: {  	v20 =	vor.u32 v9, v14;
	v18 =	vld [tilespmem:s11+$0x10];
	[tilespmem:v24+s30+$0x0] =	vst.idx.msk $0xffff, v23  }
0x120: {  	_ =	sdelay $0x3  }
0x121: {  	[tilespmem:v21+s30+$0x0] =	vst.idx.msk $0xffff, v19  }
0x122: {  	v57 =	vor.u32 v9, v16;
	v19 =	vld [tilespmem:s13+$0x10];
	_ =	sdelay $0x3  }
0x123: {  	v22 =	vld [tilespmem:s18+$0x20];
	v23 =	vor.u32 v10, v13;
	[tilespmem:v20+s30+$0x0] =	vst.idx.msk $0xffff, v18  }
0x124: {  	v58 =	vor.u32 v10, v14;
	v18 =	vld [tilespmem:s11+$0x20];
	[tilespmem:v57+s30+$0x0] =	vst.idx.msk $0xffff, v19  }
0x125: {  	v59 =	vor.u32 v10, v16;
	v19 =	vld [tilespmem:s13+$0x20];
	_ =	sdelay $0x2  }
0x126: {  	v60 =	vld [tilespmem:s16+$0x30];
	v12 =	vor.u32 v11, v12;
	[tilespmem:v23+s30+$0x0] =	vst.idx.msk $0xffff, v22  }
0x127: {  	v61 =	vor.u32 v11, v13;
	v23 =	vld [tilespmem:s18+$0x30];
	[tilespmem:v58+s30+$0x0] =	vst.idx.msk $0xffff, v18  }
0x128: {  	v62 =	vor.u32 v11, v14;
	v18 =	vld [tilespmem:s11+$0x30];
	[tilespmem:v59+s30+$0x0] =	vst.idx.msk $0xffff, v19  }
0x129: {  	v63 =	vor.u32 v11, v16;
	v19 =	vld [tilespmem:s13+$0x30]  }
0x12a: {  	[tilespmem:v17+s30+$0x0] =	vst.idx.msk $0xffff, v15  }
.Ltmp12:
0x12b: {  	[tilespmem:v12+s30+$0x0] =	vst.idx.msk $0xffff, v60;
	(pc) =	sbr.rel @p1 .LBB2_20-.Ltmp12, $4  }
0x12c: {  	[tilespmem:v61+s30+$0x0] =	vst.idx.msk $0xffff, v23  }
0x12d: {  	[tilespmem:v62+s30+$0x0] =	vst.idx.msk $0xffff, v18  }
0x12e: {  	s18 =	sadd.s32 $0x10000, s8;
	[tilespmem:v63+s30+$0x0] =	vst.idx.msk $0xffff, v19  }
0x12f: {  	[hbm4b:s18+s22] =	stream.strided.scatter [tilespmem:s30], [sflag:$0x8], $0x2000, s23, s22, $0x38;
	[tilespmem:$0x17200] =	vst v63  }
.Ltmp13:
0x130: {  	(pc) =	sbr.rel .LBB2_21-.Ltmp13, $4  }
0x131: {  	_ = 	snop  }
0x132: {  	_ =	swait.ge [sflag:s31], $0x2000  }
0x133: {  	[sflag:s31] =	ssyncset.done $0x0  }
0x134: {  	[sflag:s31] =	ssyncadd.s32 $0xFFFFE000  }
.LBB2_20:
0x135: {  	s11 =	smul.u32 $0xA00, s7;
	_ =	sdelay $0x1  }
0x136: {  	s11 =	sshra.s32 s11, $0x2  }
.Ltmp14:
0x137: {  	s13 =	simm.s32 $0x7200;
	s11 =	sadd.s32 $0x1C80, s11;
	(pc) =	sbr.rel @p0 .LBB2_22-.Ltmp14, $4  }
0x138: {  	[tilespmem:s13], [sflag:$0x3] =	stream.indirect.gather [hbm4b:s4+s9], $0x40, s11, s9, $0xb8;
	[tilespmem:$0x17200] =	vst v63  }
0x139: {  	_ =	swait.ge [sflag:s31], $0x2000  }
0x13a: {  	[sflag:s31] =	ssyncset.done $0x0  }
0x13b: {  	[sflag:s31] =	ssyncadd.s32 $0xFFFFE000  }
.LBB2_21:
0x13c: {  	_ =	swait.ge [sflag:s1], $0x2000  }
0x13d: {  	[sflag:s1] =	ssyncset.done $0x0  }
0x13e: {  	[sflag:s1] =	ssyncadd.s32 $0xFFFFE000  }
.LBB2_22:
0x13f: {  	s11 =	simm.s32 $0x0  }
0x140: {  	v12 =	vmov s11  }
0x141: {  	v12 =	vand.u32 $0x7F, v12  }
0x142: {  	v17 =	vbroadcast v12, $0x0  }
0x143: {  	s13 =	simm.s32 $0x9200  }
0x144: {  	s16 =	simm.s32 $0x1;
	v13 =	vld [tilespmem:s13+$0x0];
	v14 =	vor.u32 v5, v17  }
0x145: {  	v12 =	vmov s16  }
0x146: {  	v12 =	vand.u32 $0x7F, v12  }
0x147: {  	v12 =	vbroadcast v12, $0x0  }
0x148: {  	s18 =	simm.s32 $0x2;
	s16 =	simm.s32 $0x9240  }
0x149: {  	v18 =	vmov s18;
	v15 =	vld [tilespmem:s16+$0x0];
	v16 =	vor.u32 v5, v12;
	[tilespmem:v14+s0+$0x0] =	vst.idx.msk $0xffff, v13  }
0x14a: {  	v13 =	vand.u32 $0x7F, v18;
	v18 =	vor.u32 v9, v17;
	v14 =	vld [tilespmem:s13+$0x10];
	_ =	sdelay $0x1  }
0x14b: {  	v13 =	vbroadcast v13, $0x0  }
0x14c: {  	s15 =	simm.s32 $0x3;
	s18 =	simm.s32 $0x9280  }
0x14d: {  	v21 =	vmov s15;
	[tilespmem:v16+s0+$0x0] =	vst.idx.msk $0xffff, v15;
	v15 =	vld [tilespmem:s18+$0x0];
	v16 =	vor.u32 v5, v13  }
0x14e: {  	v21 =	vand.u32 $0x7F, v21;
	v20 =	vor.u32 v9, v12;
	v19 =	vld [tilespmem:s16+$0x10];
	[tilespmem:v18+s0+$0x0] =	vst.idx.msk $0xffff, v14  }
0x14f: {  	v14 =	vbroadcast v21, $0x0;
	v21 =	vor.u32 v10, v17;
	v18 =	vld [tilespmem:s13+$0x20];
	_ =	sdelay $0x1  }
0x150: {  	s11 =	simm.s32 $0x92C0  }
0x151: {  	v22 =	vld [tilespmem:s11+$0x0];
	[tilespmem:v16+s0+$0x0] =	vst.idx.msk $0xffff, v15;
	v23 =	vor.u32 v5, v14  }
0x152: {  	s15 =	simm.s32 $0x4;
	v24 =	vor.u32 v9, v13;
	[tilespmem:v20+s0+$0x0] =	vst.idx.msk $0xffff, v19;
	v20 =	vld [tilespmem:s18+$0x10]  }
0x153: {  	v26 =	vor.u32 v10, v12;
	v15 =	vmov s15;
	v25 =	vld [tilespmem:s16+$0x20];
	[tilespmem:v21+s0+$0x0] =	vst.idx.msk $0xffff, v18  }
0x154: {  	v17 =	vor.u32 v11, v17;
	v16 =	vand.u32 $0x7F, v15;
	v15 =	vld [tilespmem:s13+$0x30]  }
0x155: {  	v16 =	vbroadcast v16, $0x0  }
0x156: {  	[tilespmem:v23+s0+$0x0] =	vst.idx.msk $0xffff, v22;
	s13 =	simm.s32 $0x9300  }
0x157: {  	v21 =	vor.u32 v5, v16;
	v19 =	vld [tilespmem:s13+$0x0];
	[tilespmem:v24+s0+$0x0] =	vst.idx.msk $0xffff, v20  }
0x158: {  	s15 =	simm.s32 $0x5;
	v18 =	vld [tilespmem:s11+$0x10];
	v20 =	vor.u32 v9, v14;
	[tilespmem:v26+s0+$0x0] =	vst.idx.msk $0xffff, v25  }
.LBB2_23:
0x159: {  	v22 =	vmov s15;
	v23 =	vld [tilespmem:s18+$0x20];
	v24 =	vor.u32 v10, v13;
	[tilespmem:v17+s0+$0x0] =	vst.idx.msk $0xffff, v15;
	p2 =	sne.s32 s15, $0x7F  }
.Ltmp15:
0x15a: {  	v17 =	vor.u32 v11, v12;
	v12 =	vmovc v13;
	v13 =	vmovc v14;
	v14 =	vmov v16;
	v22 =	vand.u32 $0x7F, v22;
	v15 =	vld [tilespmem:s16+$0x30];
	s16 =	smov.u32 s18;
	s18 =	smov.u32 s11;
	(pc) =	sbr.rel @p2 .LBB2_23-.Ltmp15, $4  }
0x15b: {  	s11 =	smov.u32 s13;
	v16 =	vbroadcast v22, $0x0  }
0x15c: {  	s15 =	sadd.s32 $0x1, s15;
	s13 =	sadd.s32 $0x40, s13;
	[tilespmem:v21+s0+$0x0] =	vst.idx.msk $0xffff, v19  }
0x15d: {  	v19 =	vld [tilespmem:s13+$0x0];
	v21 =	vor.u32 v5, v16;
	[tilespmem:v20+s0+$0x0] =	vst.idx.msk $0xffff, v18  }
0x15e: {  	v20 =	vor.u32 v9, v14;
	v18 =	vld [tilespmem:s11+$0x10];
	[tilespmem:v24+s0+$0x0] =	vst.idx.msk $0xffff, v23  }
0x15f: {  	_ =	sdelay $0x3  }
0x160: {  	[tilespmem:v21+s0+$0x0] =	vst.idx.msk $0xffff, v19  }
0x161: {  	v57 =	vor.u32 v9, v16;
	v19 =	vld [tilespmem:s13+$0x10];
	_ =	sdelay $0x3  }
0x162: {  	v22 =	vld [tilespmem:s18+$0x20];
	v23 =	vor.u32 v10, v13;
	[tilespmem:v20+s0+$0x0] =	vst.idx.msk $0xffff, v18  }
0x163: {  	v58 =	vor.u32 v10, v14;
	v18 =	vld [tilespmem:s11+$0x20];
	[tilespmem:v57+s0+$0x0] =	vst.idx.msk $0xffff, v19  }
0x164: {  	v59 =	vor.u32 v10, v16;
	v19 =	vld [tilespmem:s13+$0x20];
	_ =	sdelay $0x2  }
0x165: {  	v60 =	vld [tilespmem:s16+$0x30];
	v12 =	vor.u32 v11, v12;
	[tilespmem:v23+s0+$0x0] =	vst.idx.msk $0xffff, v22  }
0x166: {  	v61 =	vor.u32 v11, v13;
	v23 =	vld [tilespmem:s18+$0x30];
	[tilespmem:v58+s0+$0x0] =	vst.idx.msk $0xffff, v18  }
0x167: {  	v62 =	vor.u32 v11, v14;
	v18 =	vld [tilespmem:s11+$0x30];
	[tilespmem:v59+s0+$0x0] =	vst.idx.msk $0xffff, v19  }
0x168: {  	v63 =	vor.u32 v11, v16;
	v19 =	vld [tilespmem:s13+$0x30]  }
0x169: {  	[tilespmem:v17+s0+$0x0] =	vst.idx.msk $0xffff, v15  }
.Ltmp16:
0x16a: {  	[tilespmem:v12+s0+$0x0] =	vst.idx.msk $0xffff, v60;
	(pc) =	sbr.rel @p1 .LBB2_26-.Ltmp16, $4  }
0x16b: {  	[tilespmem:v61+s0+$0x0] =	vst.idx.msk $0xffff, v23  }
0x16c: {  	[tilespmem:v62+s0+$0x0] =	vst.idx.msk $0xffff, v18  }
0x16d: {  	s18 =	sadd.s32 $0x18000, s8;
	[tilespmem:v63+s0+$0x0] =	vst.idx.msk $0xffff, v19  }
0x16e: {  	[hbm4b:s18+s22] =	stream.strided.scatter [tilespmem:s0], [sflag:$0x9], $0x2000, s23, s22, $0x38;
	[tilespmem:$0x17200] =	vst v63  }
.Ltmp17:
0x16f: {  	(pc) =	sbr.rel .LBB2_27-.Ltmp17, $4  }
0x170: {  	_ = 	snop  }
0x171: {  	_ =	swait.ge [sflag:s10], $0x2000  }
0x172: {  	[sflag:s10] =	ssyncset.done $0x0  }
0x173: {  	[sflag:s10] =	ssyncadd.s32 $0xFFFFE000  }
.LBB2_26:
0x174: {  	s11 =	smul.u32 $0xA00, s7;
	_ =	sdelay $0x1  }
0x175: {  	s11 =	sshra.s32 s11, $0x2  }
.Ltmp18:
0x176: {  	s11 =	sadd.s32 $0x1D00, s11;
	(pc) =	sbr.rel @p0 .LBB2_28-.Ltmp18, $4  }
0x177: {  	[tilespmem:s17], [sflag:$0x4] =	stream.indirect.gather [hbm4b:s4+s9], $0x40, s11, s9, $0xb8;
	[tilespmem:$0x17200] =	vst v63  }
0x178: {  	_ =	swait.ge [sflag:s10], $0x2000  }
0x179: {  	[sflag:s10] =	ssyncset.done $0x0  }
0x17a: {  	[sflag:s10] =	ssyncadd.s32 $0xFFFFE000  }
.LBB2_27:
0x17b: {  	_ =	swait.ge [sflag:s12], $0x2000  }
0x17c: {  	[sflag:s12] =	ssyncset.done $0x0  }
0x17d: {  	[sflag:s12] =	ssyncadd.s32 $0xFFFFE000  }
.LBB2_28:
0x17e: {  	s11 =	simm.s32 $0x0  }
0x17f: {  	v12 =	vmov s11  }
0x180: {  	v12 =	vand.u32 $0x7F, v12  }
0x181: {  	v17 =	vbroadcast v12, $0x0  }
0x182: {  	s13 =	simm.s32 $0xB200  }
0x183: {  	s16 =	simm.s32 $0x1;
	v13 =	vld [tilespmem:s13+$0x0];
	v14 =	vor.u32 v5, v17  }
0x184: {  	v12 =	vmov s16  }
0x185: {  	v12 =	vand.u32 $0x7F, v12  }
0x186: {  	v12 =	vbroadcast v12, $0x0  }
0x187: {  	s18 =	simm.s32 $0x2;
	s16 =	simm.s32 $0xB240  }
0x188: {  	v18 =	vmov s18;
	v15 =	vld [tilespmem:s16+$0x0];
	v16 =	vor.u32 v5, v12;
	[tilespmem:v14+s14+$0x0] =	vst.idx.msk $0xffff, v13  }
0x189: {  	v13 =	vand.u32 $0x7F, v18;
	v18 =	vor.u32 v9, v17;
	v14 =	vld [tilespmem:s13+$0x10];
	_ =	sdelay $0x1  }
0x18a: {  	v13 =	vbroadcast v13, $0x0  }
0x18b: {  	s15 =	simm.s32 $0x3;
	s18 =	simm.s32 $0xB280  }
0x18c: {  	v21 =	vmov s15;
	[tilespmem:v16+s14+$0x0] =	vst.idx.msk $0xffff, v15;
	v15 =	vld [tilespmem:s18+$0x0];
	v16 =	vor.u32 v5, v13  }
0x18d: {  	v21 =	vand.u32 $0x7F, v21;
	v20 =	vor.u32 v9, v12;
	v19 =	vld [tilespmem:s16+$0x10];
	[tilespmem:v18+s14+$0x0] =	vst.idx.msk $0xffff, v14  }
0x18e: {  	v14 =	vbroadcast v21, $0x0;
	v21 =	vor.u32 v10, v17;
	v18 =	vld [tilespmem:s13+$0x20];
	_ =	sdelay $0x1  }
0x18f: {  	s11 =	simm.s32 $0xB2C0  }
0x190: {  	v22 =	vld [tilespmem:s11+$0x0];
	[tilespmem:v16+s14+$0x0] =	vst.idx.msk $0xffff, v15;
	v23 =	vor.u32 v5, v14  }
0x191: {  	s15 =	simm.s32 $0x4;
	v24 =	vor.u32 v9, v13;
	[tilespmem:v20+s14+$0x0] =	vst.idx.msk $0xffff, v19;
	v20 =	vld [tilespmem:s18+$0x10]  }
0x192: {  	v26 =	vor.u32 v10, v12;
	v15 =	vmov s15;
	v25 =	vld [tilespmem:s16+$0x20];
	[tilespmem:v21+s14+$0x0] =	vst.idx.msk $0xffff, v18  }
0x193: {  	v17 =	vor.u32 v11, v17;
	v16 =	vand.u32 $0x7F, v15;
	v15 =	vld [tilespmem:s13+$0x30]  }
0x194: {  	v16 =	vbroadcast v16, $0x0  }
0x195: {  	[tilespmem:v23+s14+$0x0] =	vst.idx.msk $0xffff, v22;
	s13 =	simm.s32 $0xB300  }
0x196: {  	v21 =	vor.u32 v5, v16;
	v19 =	vld [tilespmem:s13+$0x0];
	[tilespmem:v24+s14+$0x0] =	vst.idx.msk $0xffff, v20  }
0x197: {  	s15 =	simm.s32 $0x5;
	v18 =	vld [tilespmem:s11+$0x10];
	v20 =	vor.u32 v9, v14;
	[tilespmem:v26+s14+$0x0] =	vst.idx.msk $0xffff, v25  }
.LBB2_29:
0x198: {  	v22 =	vmov s15;
	v23 =	vld [tilespmem:s18+$0x20];
	v24 =	vor.u32 v10, v13;
	[tilespmem:v17+s14+$0x0] =	vst.idx.msk $0xffff, v15;
	p0 =	sne.s32 s15, $0x7F  }
.Ltmp19:
0x199: {  	v17 =	vor.u32 v11, v12;
	v12 =	vmovc v13;
	v13 =	vmovc v14;
	v14 =	vmov v16;
	v22 =	vand.u32 $0x7F, v22;
	v15 =	vld [tilespmem:s16+$0x30];
	s16 =	smov.u32 s18;
	s18 =	smov.u32 s11;
	(pc) =	sbr.rel @p0 .LBB2_29-.Ltmp19, $4  }
0x19a: {  	s11 =	smov.u32 s13;
	v16 =	vbroadcast v22, $0x0  }
0x19b: {  	s15 =	sadd.s32 $0x1, s15;
	s13 =	sadd.s32 $0x40, s13;
	[tilespmem:v21+s14+$0x0] =	vst.idx.msk $0xffff, v19  }
0x19c: {  	v19 =	vld [tilespmem:s13+$0x0];
	v21 =	vor.u32 v5, v16;
	[tilespmem:v20+s14+$0x0] =	vst.idx.msk $0xffff, v18  }
0x19d: {  	v20 =	vor.u32 v9, v14;
	v18 =	vld [tilespmem:s11+$0x10];
	[tilespmem:v24+s14+$0x0] =	vst.idx.msk $0xffff, v23  }
0x19e: {  	_ =	sdelay $0x3  }
0x19f: {  	[tilespmem:v21+s14+$0x0] =	vst.idx.msk $0xffff, v19  }
0x1a0: {  	v57 =	vor.u32 v9, v16;
	v19 =	vld [tilespmem:s13+$0x10];
	_ =	sdelay $0x3  }
0x1a1: {  	v22 =	vld [tilespmem:s18+$0x20];
	v23 =	vor.u32 v10, v13;
	[tilespmem:v20+s14+$0x0] =	vst.idx.msk $0xffff, v18  }
0x1a2: {  	v58 =	vor.u32 v10, v14;
	v18 =	vld [tilespmem:s11+$0x20];
	[tilespmem:v57+s14+$0x0] =	vst.idx.msk $0xffff, v19  }
0x1a3: {  	v59 =	vor.u32 v10, v16;
	v19 =	vld [tilespmem:s13+$0x20];
	_ =	sdelay $0x2  }
0x1a4: {  	v60 =	vld [tilespmem:s16+$0x30];
	v12 =	vor.u32 v11, v12;
	[tilespmem:v23+s14+$0x0] =	vst.idx.msk $0xffff, v22  }
0x1a5: {  	v61 =	vor.u32 v11, v13;
	v23 =	vld [tilespmem:s18+$0x30];
	[tilespmem:v58+s14+$0x0] =	vst.idx.msk $0xffff, v18  }
0x1a6: {  	v62 =	vor.u32 v11, v14;
	v18 =	vld [tilespmem:s11+$0x30];
	[tilespmem:v59+s14+$0x0] =	vst.idx.msk $0xffff, v19  }
0x1a7: {  	v63 =	vor.u32 v11, v16;
	v19 =	vld [tilespmem:s13+$0x30]  }
0x1a8: {  	[tilespmem:v17+s14+$0x0] =	vst.idx.msk $0xffff, v15;
	p0 =	seq.s32 s7, $0x9  }
.Ltmp20:
0x1a9: {  	[tilespmem:v12+s14+$0x0] =	vst.idx.msk $0xffff, v60;
	(pc) =	sbr.rel @p0 .LBB2_32-.Ltmp20, $4  }
0x1aa: {  	[tilespmem:v61+s14+$0x0] =	vst.idx.msk $0xffff, v23  }
0x1ab: {  	[tilespmem:v62+s14+$0x0] =	vst.idx.msk $0xffff, v18  }
0x1ac: {  	s8 =	sadd.s32 $0x20000, s8;
	[tilespmem:v63+s14+$0x0] =	vst.idx.msk $0xffff, v19  }
0x1ad: {  	[hbm4b:s8+s22] =	stream.strided.scatter [tilespmem:s14], [sflag:$0xA], $0x2000, s23, s22, $0x38;
	[tilespmem:$0x17200] =	vst v63  }
0x1ae: {  	s8 =	smul.u32 $0xA00, s7  }
.Ltmp21:
0x1af: {  	_ = 	snop;
	(pc) =	sbr.rel .LBB2_4-.Ltmp21, $4  }
0x1b0: {  	_ = 	snop  }
0x1b1: {  	s8 =	sshra.s32 s8, $0x2  }
0x1b2: {  	s7 =	sadd.s32 $0x1, s7;
	s8 =	sadd.s32 $0x1D80, s8  }
0x1b3: {  	[tilespmem:s19], [sflag:$0x5] =	stream.indirect.gather [hbm4b:s4+s9], $0x40, s8, s9, $0xb8;
	[tilespmem:$0x17200] =	vst v63  }
.LBB2_33:
0x1b4: {  	_ =	sfence.sel $0x180000  }
0x1b5: {  	[bflag:$0x0] =	sbarrier.arrive $0xFFFF  }
0x1b6: {  	_ =	strace $0x90000047  }
0x1b7: {  	s0 =	stileid.u32;
	[bflag:$0x2] =	sbarrier.arrive $0xFFFF  }
0x1b8: {  	p0 =	sne.s32 s0, $0x0;
	s0 =	rddreg [dreg:$0x2]  }
0x1b9: {  	s0 =	sadd.s32 @!p0 $0x100000, s0  }
0x1ba: {  	[sflag:s0] =	ssyncadd.tile.s32 @!p0 $0x1;
	_ =	shalt  }
.Lfunc_end2:
_tile_overlayer_lowered:
.L_overlay_start_2:
0x1bb: {  	(tag) =	ssettag $0x2  }
0x1bc: {  	s0 =	rddreg [dreg:$0x0];
	s2 =	stileid.u32  }
0x1bd: {  	s1 =	rddreg [dreg:$0x1];
	p0 =	sne.s32 s2, $0x0  }
0x1be: {  	s3 =	rddreg [dreg:$0x2];
	[bflag:$0x3] =	sbarrier.arrive $0xFFFF;
	s2 =	simm.s32 @!p0 $0x1C0B  }
0x1bf: {  	[timem:s3], [sflag:s2] =	dma.local @!p0 [hbm:s0], s1  }
0x1c0: {  	s0 =	simm.s32 @!p0 $0xB  }
0x1c1: {  	_ =	swait.ge @!p0 [sflag:s0], s1  }
0x1c2: {  	s1 =	ssub.s32 @!p0 $0x0, s1;
	[sflag:s0] =	ssyncset.done @!p0 $0x0  }
0x1c3: {  	[sflag:s0] =	ssyncadd.s32 @!p0 s1  }
0x1c4: {  	[bflag:$0x3] =	sbarrier.arrive $0xFFFF  }
0x1c5: {  	_ =	shalt  }

</sc_bundles>
